<compile_context>
chip_gen: v7x
topology: tpu7x:2x2x1
jax: 0.10.2.dev20260603
libtpu: 0.0.44.dev20260713+nightly
codegen_flags: <defaults>
</compile_context>

<pallas_src>
import jax
import jax.numpy as jnp
from jax import lax
from jax.experimental import pallas as pl
from jax.experimental.pallas import tpu as pltpu
from jax.experimental.pallas import tpu_sc as plsc

_B = 4096
_S = 50
_D = 64
_V = 100000
_L = 16
_NC = 2
_NS = 16
_NW = _NC * _NS
_BPW = _B // _NW
_CB = 16
_NCHUNK = _BPW // _CB
_IDXN = _CB * _S


def _sc_body(w_hbm, qf_hbm, qlen_hbm, out_hbm,
             idx_a, idx_b, rows_a, rows_b, qlen_a, qlen_b, lens_v, out_v,
             sem_a, sem_b):
  wid = lax.axis_index("s") * _NC + lax.axis_index("c")
  idx_bufs = (idx_a, idx_b)
  rows_bufs = (rows_a, rows_b)
  qlen_bufs = (qlen_a, qlen_b)
  sems = (sem_a, sem_b)

  def stage(g):
    buf = g % 2
    base = wid * _BPW + g * _CB
    pltpu.sync_copy(qf_hbm.at[pl.ds(base * _S, _IDXN)], idx_bufs[buf])
    pltpu.sync_copy(qlen_hbm.at[pl.ds(base, _CB)], qlen_bufs[buf])
    return [pltpu.async_copy(
        w_hbm.at[idx_bufs[buf]], rows_bufs[buf], sems[buf])]

  descs = stage(0)
  for g in range(_NCHUNK):
    buf = g % 2
    next_descs = stage(g + 1) if g + 1 < _NCHUNK else None
    for d in descs:
      d.wait()
    descs = next_descs

    rows = rows_bufs[buf]
    qlen_f = qlen_bufs[buf][...].astype(jnp.float32) + 1e-12
    lens_v[pl.ds(0, _L)] = qlen_f
    lens_v[pl.ds(_L, _L)] = qlen_f

    def batch_body(b, carry):
      rv = jnp.full((_L,), lens_v[pl.ds(b, _L)][0], jnp.float32)
      row0 = b * _S

      def seq_body(s, accs):
        i = row0 + s
        return tuple(accs[c] + rows[i, pl.ds(c * _L, _L)] for c in range(4))

      z = jnp.zeros((_L,), jnp.float32)
      accs = lax.fori_loop(0, _S, seq_body, (z, z, z, z), unroll=5)
      for c in range(4):
        out_v[b, pl.ds(c * _L, _L)] = accs[c] / rv
      return carry

    lax.fori_loop(0, _CB, batch_body, 0)
    pltpu.sync_copy(out_v, out_hbm.at[pl.ds(wid * _BPW + g * _CB, _CB)])


@jax.jit
def _bow_pool(q2d, q_len, w):
  mesh = plsc.VectorSubcoreMesh(core_axis_name="c", subcore_axis_name="s",
                                num_cores=_NC, num_subcores=_NS)
  run = pl.kernel(
      _sc_body,
      out_type=jax.ShapeDtypeStruct((_B, _D), jnp.float32),
      mesh=mesh,
      compiler_params=pltpu.CompilerParams(use_tc_tiling_on_sc=False),
      scratch_types=[
          pltpu.VMEM((_IDXN,), jnp.int32),
          pltpu.VMEM((_IDXN,), jnp.int32),
          pltpu.VMEM((_IDXN, _D), jnp.float32),
          pltpu.VMEM((_IDXN, _D), jnp.float32),
          pltpu.VMEM((_CB,), jnp.int32),
          pltpu.VMEM((_CB,), jnp.int32),
          pltpu.VMEM((2 * _CB,), jnp.float32),
          pltpu.VMEM((_CB, _D), jnp.float32),
          pltpu.SemaphoreType.DMA,
          pltpu.SemaphoreType.DMA,
      ],
  )
  return run(w, q2d.reshape(_B * _S), q_len)


def kernel(q, q_len, W):
  return _bow_pool(q, q_len, W)

# --- scband reference (transcript-rebuilt; emitter-appended) ---
"""Pipeline reference for scband-bag-of-words-processor-45775761441136 (READ-ONLY COPY).

The authoritative reference and input builder live on the scoring server;
editing this copy changes nothing except your own understanding.
"""

import jax, jax.numpy as jnp
import numpy as np

VOCAB = 100000
EMBED = 64
BATCH = 4096
SEQ = 50


def setup_inputs(seed: int = 0) -> dict:
    key = jax.random.key(seed)
    k1, k2, k3 = jax.random.split(key, 3)
    q = jax.random.randint(k1, (BATCH, SEQ), 0, VOCAB, dtype=jnp.int64 if jax.config.jax_enable_x64 else jnp.int32).astype(jnp.int32)
    q_len = jax.random.randint(k2, (BATCH,), 0, SEQ, dtype=jnp.int32)
    W = jax.random.normal(k3, (VOCAB, EMBED), dtype=jnp.float32)
    W = W.at[0].set(0.0)  # padding_idx=0 row conventionally zero
    return {"q": q, "q_len": q_len, "W": W}


def reference(q, q_len, W):
    # embedded = self.embedding(q)
    embedded = jnp.take(W, q, axis=0)  # [B, S, D]
    # q_len = Tensor(q_len).view(-1, 1) + 1e-12
    ql = q_len.astype(jnp.float32).reshape(-1, 1) + 1e-12  # [B, 1]
    # torch.div(torch.sum(embedded, 1), q_len)
    return jnp.sum(embedded, axis=1) / ql  # [B, D]

if __name__ == "__main__":
    import jax
    _d = setup_inputs()
    print(jax.jit(kernel)(*tuple(_d.values())))

</pallas_src>

<mosaic_0001>
#map = affine_map<(d0, d1) -> (0, 0)>
#map1 = affine_map<(d0, d1) -> (0)>
module attributes {stable_mosaic.version = 14 : i64} {
  func.func @_sc_body(%arg0: i32, %arg1: i32, %arg2: memref<100000x64xf32, #tpu.memory_space<hbm>>, %arg3: memref<204800xi32, #tpu.memory_space<hbm>>, %arg4: memref<4096xi32, #tpu.memory_space<hbm>>, %arg5: memref<4096x64xf32, #tpu.memory_space<hbm>>, %arg6: memref<800xi32, #tpu.memory_space<vmem>>, %arg7: memref<800xi32, #tpu.memory_space<vmem>>, %arg8: memref<800x64xf32, #tpu.memory_space<vmem>>, %arg9: memref<800x64xf32, #tpu.memory_space<vmem>>, %arg10: memref<16xi32, #tpu.memory_space<vmem>>, %arg11: memref<16xi32, #tpu.memory_space<vmem>>, %arg12: memref<32xf32, #tpu.memory_space<vmem>>, %arg13: memref<16x64xf32, #tpu.memory_space<vmem>>, %arg14: memref<!tpu.dma_semaphore, #tpu.memory_space<semaphore_mem>>, %arg15: memref<!tpu.dma_semaphore, #tpu.memory_space<semaphore_mem>>) attributes {dimension_semantics = [#tpu.dimension_semantics<core_parallel>, #tpu.dimension_semantics<subcore_parallel>], iteration_bounds = array<i64: 2, 16>, scalar_prefetch = 0 : i64, scratch_operands = 10 : i64, tpu.core_type = #tpu.core_type<sc_vector_subcore>, window_params = [{transform_indices = #map}, {transform_indices = #map1}, {transform_indices = #map1}, {transform_indices = #map}]} {
    %mul3A = arith.constant 2 : i32
    %mul3A_0 = arith.muli %arg1, %mul3A : i32
    %add3A = arith.addi %mul3A_0, %arg0 : i32
    %mul3A_1 = arith.constant 128 : i32
    %mul3A_2 = arith.muli %add3A, %mul3A_1 : i32
    %add3A_3 = arith.constant 0 : i32
    %add3A_4 = arith.addi %mul3A_2, %add3A_3 : i32
    %mul3A_5 = arith.constant 50 : i32
    %mul3A_6 = arith.muli %add3A_4, %mul3A_5 : i32
    "tpu.region"() ({
      %run_scoped3A = tpu.sem_alloc : memref<!tpu.dma_semaphore, #tpu.memory_space<semaphore_mem>>
      %dma_start3A_291 = tpu.memref_slice %arg3[%mul3A_6] : memref<204800xi32, #tpu.memory_space<hbm>> -> memref<800xi32, #tpu.memory_space<hbm>>
      %dma_start3A_292 = tpu.memref_slice %arg3[%mul3A_6] : memref<204800xi32, #tpu.memory_space<hbm>> -> memref<800xi32, #tpu.memory_space<hbm>>
      tpu.enqueue_dma source(%dma_start3A_292 : memref<800xi32, #tpu.memory_space<hbm>>) target(%arg6 : memref<800xi32, #tpu.memory_space<vmem>>) target_semaphore(%run_scoped3A : memref<!tpu.dma_semaphore, #tpu.memory_space<semaphore_mem>>)
      %dma_wait3A_293 = tpu.memref_slice %arg3[%mul3A_6] : memref<204800xi32, #tpu.memory_space<hbm>> -> memref<800xi32, #tpu.memory_space<hbm>>
      %dma_wait3A_294 = tpu.memref_slice %arg3[%mul3A_6] : memref<204800xi32, #tpu.memory_space<hbm>> -> memref<800xi32, #tpu.memory_space<hbm>>
      tpu.wait_dma2 semaphore(%run_scoped3A : memref<!tpu.dma_semaphore, #tpu.memory_space<semaphore_mem>>) src(%dma_wait3A_294 : memref<800xi32, #tpu.memory_space<hbm>>) dst(%arg6 : memref<800xi32, #tpu.memory_space<vmem>>)
      tpu.yield
    }) : () -> ()
    "tpu.region"() ({
      %run_scoped3A = tpu.sem_alloc : memref<!tpu.dma_semaphore, #tpu.memory_space<semaphore_mem>>
      %dma_start3A_291 = tpu.memref_slice %arg4[%add3A_4] : memref<4096xi32, #tpu.memory_space<hbm>> -> memref<16xi32, #tpu.memory_space<hbm>>
      %dma_start3A_292 = tpu.memref_slice %arg4[%add3A_4] : memref<4096xi32, #tpu.memory_space<hbm>> -> memref<16xi32, #tpu.memory_space<hbm>>
      tpu.enqueue_dma source(%dma_start3A_292 : memref<16xi32, #tpu.memory_space<hbm>>) target(%arg10 : memref<16xi32, #tpu.memory_space<vmem>>) target_semaphore(%run_scoped3A : memref<!tpu.dma_semaphore, #tpu.memory_space<semaphore_mem>>)
      %dma_wait3A_293 = tpu.memref_slice %arg4[%add3A_4] : memref<4096xi32, #tpu.memory_space<hbm>> -> memref<16xi32, #tpu.memory_space<hbm>>
      %dma_wait3A_294 = tpu.memref_slice %arg4[%add3A_4] : memref<4096xi32, #tpu.memory_space<hbm>> -> memref<16xi32, #tpu.memory_space<hbm>>
      tpu.wait_dma2 semaphore(%run_scoped3A : memref<!tpu.dma_semaphore, #tpu.memory_space<semaphore_mem>>) src(%dma_wait3A_294 : memref<16xi32, #tpu.memory_space<hbm>>) dst(%arg10 : memref<16xi32, #tpu.memory_space<vmem>>)
      tpu.yield
    }) : () -> ()
    %dma_start3A = arith.constant 0 : i32
    %dma_start3A_7 = arith.constant 0 : i32
    %dma_start3A_8 = tpu.memref_slice %arg2[%dma_start3A, %dma_start3A_7] : memref<100000x64xf32, #tpu.memory_space<hbm>> -> memref<100000x64xf32, #tpu.memory_space<hbm>>
    tpu.enqueue_indirect_dma source(%dma_start3A_8 : memref<100000x64xf32, #tpu.memory_space<hbm>>) target(%arg8 : memref<800x64xf32, #tpu.memory_space<vmem>>) offsets(%arg6 : memref<800xi32, #tpu.memory_space<vmem>>) semaphore(%arg14 : memref<!tpu.dma_semaphore, #tpu.memory_space<semaphore_mem>>)
    %mul3A_9 = arith.constant 128 : i32
    %mul3A_10 = arith.muli %add3A, %mul3A_9 : i32
    %add3A_11 = arith.constant 16 : i32
    %add3A_12 = arith.addi %mul3A_10, %add3A_11 : i32
    %mul3A_13 = arith.constant 50 : i32
    %mul3A_14 = arith.muli %add3A_12, %mul3A_13 : i32
    "tpu.region"() ({
      %run_scoped3A = tpu.sem_alloc : memref<!tpu.dma_semaphore, #tpu.memory_space<semaphore_mem>>
      %dma_start3A_291 = tpu.memref_slice %arg3[%mul3A_14] : memref<204800xi32, #tpu.memory_space<hbm>> -> memref<800xi32, #tpu.memory_space<hbm>>
      %dma_start3A_292 = tpu.memref_slice %arg3[%mul3A_14] : memref<204800xi32, #tpu.memory_space<hbm>> -> memref<800xi32, #tpu.memory_space<hbm>>
      tpu.enqueue_dma source(%dma_start3A_292 : memref<800xi32, #tpu.memory_space<hbm>>) target(%arg7 : memref<800xi32, #tpu.memory_space<vmem>>) target_semaphore(%run_scoped3A : memref<!tpu.dma_semaphore, #tpu.memory_space<semaphore_mem>>)
      %dma_wait3A_293 = tpu.memref_slice %arg3[%mul3A_14] : memref<204800xi32, #tpu.memory_space<hbm>> -> memref<800xi32, #tpu.memory_space<hbm>>
      %dma_wait3A_294 = tpu.memref_slice %arg3[%mul3A_14] : memref<204800xi32, #tpu.memory_space<hbm>> -> memref<800xi32, #tpu.memory_space<hbm>>
      tpu.wait_dma2 semaphore(%run_scoped3A : memref<!tpu.dma_semaphore, #tpu.memory_space<semaphore_mem>>) src(%dma_wait3A_294 : memref<800xi32, #tpu.memory_space<hbm>>) dst(%arg7 : memref<800xi32, #tpu.memory_space<vmem>>)
      tpu.yield
    }) : () -> ()
    "tpu.region"() ({
      %run_scoped3A = tpu.sem_alloc : memref<!tpu.dma_semaphore, #tpu.memory_space<semaphore_mem>>
      %dma_start3A_291 = tpu.memref_slice %arg4[%add3A_12] : memref<4096xi32, #tpu.memory_space<hbm>> -> memref<16xi32, #tpu.memory_space<hbm>>
      %dma_start3A_292 = tpu.memref_slice %arg4[%add3A_12] : memref<4096xi32, #tpu.memory_space<hbm>> -> memref<16xi32, #tpu.memory_space<hbm>>
      tpu.enqueue_dma source(%dma_start3A_292 : memref<16xi32, #tpu.memory_space<hbm>>) target(%arg11 : memref<16xi32, #tpu.memory_space<vmem>>) target_semaphore(%run_scoped3A : memref<!tpu.dma_semaphore, #tpu.memory_space<semaphore_mem>>)
      %dma_wait3A_293 = tpu.memref_slice %arg4[%add3A_12] : memref<4096xi32, #tpu.memory_space<hbm>> -> memref<16xi32, #tpu.memory_space<hbm>>
      %dma_wait3A_294 = tpu.memref_slice %arg4[%add3A_12] : memref<4096xi32, #tpu.memory_space<hbm>> -> memref<16xi32, #tpu.memory_space<hbm>>
      tpu.wait_dma2 semaphore(%run_scoped3A : memref<!tpu.dma_semaphore, #tpu.memory_space<semaphore_mem>>) src(%dma_wait3A_294 : memref<16xi32, #tpu.memory_space<hbm>>) dst(%arg11 : memref<16xi32, #tpu.memory_space<vmem>>)
      tpu.yield
    }) : () -> ()
    %dma_start3A_15 = arith.constant 0 : i32
    %dma_start3A_16 = arith.constant 0 : i32
    %dma_start3A_17 = tpu.memref_slice %arg2[%dma_start3A_15, %dma_start3A_16] : memref<100000x64xf32, #tpu.memory_space<hbm>> -> memref<100000x64xf32, #tpu.memory_space<hbm>>
    tpu.enqueue_indirect_dma source(%dma_start3A_17 : memref<100000x64xf32, #tpu.memory_space<hbm>>) target(%arg9 : memref<800x64xf32, #tpu.memory_space<vmem>>) offsets(%arg7 : memref<800xi32, #tpu.memory_space<vmem>>) semaphore(%arg15 : memref<!tpu.dma_semaphore, #tpu.memory_space<semaphore_mem>>)
    %dma_wait3A = arith.constant 0 : i32
    %dma_wait3A_18 = arith.constant 0 : i32
    %dma_wait3A_19 = tpu.memref_slice %arg2[%dma_wait3A, %dma_wait3A_18] : memref<100000x64xf32, #tpu.memory_space<hbm>> -> memref<100000x64xf32, #tpu.memory_space<hbm>>
    tpu.wait_indirect_dma semaphore(%arg14 : memref<!tpu.dma_semaphore, #tpu.memory_space<semaphore_mem>>) src(%dma_wait3A_19 : memref<100000x64xf32, #tpu.memory_space<hbm>>) dst(%arg8 : memref<800x64xf32, #tpu.memory_space<vmem>>)
    %get3A = arith.constant 0 : index
    %get3A_20 = tpu.vector_load %arg10[%get3A] {strides = array<i32>} : memref<16xi32, #tpu.memory_space<vmem>>, vector<16xi32>,
    %get3A_21 = vector.shape_cast %get3A_20 : vector<16xi32> to vector<16xi32>
    %convert_element_type3A = arith.sitofp %get3A_21 : vector<16xi32> to vector<16xf32>
    %add3A_22 = arith.constant 9.99999996E-13 : f32
    %add3A_23 = vector.broadcast %add3A_22 : f32 to vector<16xf32>
    %add3A_24 = arith.addf %convert_element_type3A, %add3A_23 : vector<16xf32>
    %swap3A = arith.constant 0 : index
    %swap3A_25 = tpu.vector_load %arg12[%swap3A] {strides = array<i32>} : memref<32xf32, #tpu.memory_space<vmem>>, vector<16xf32>,
    %swap3A_26 = vector.shape_cast %swap3A_25 : vector<16xf32> to vector<16xf32>
    %swap3A_27 = vector.shape_cast %add3A_24 : vector<16xf32> to vector<16xf32>
    tpu.vector_store %arg12[%swap3A], %swap3A_27 {strides = array<i32>} : memref<32xf32, #tpu.memory_space<vmem>>, vector<16xf32>,
    %swap3A_28 = arith.constant 16 : index
    %swap3A_29 = tpu.vector_load %arg12[%swap3A_28] {strides = array<i32>} : memref<32xf32, #tpu.memory_space<vmem>>, vector<16xf32>,
    %swap3A_30 = vector.shape_cast %swap3A_29 : vector<16xf32> to vector<16xf32>
    %swap3A_31 = vector.shape_cast %add3A_24 : vector<16xf32> to vector<16xf32>
    tpu.vector_store %arg12[%swap3A_28], %swap3A_31 {strides = array<i32>} : memref<32xf32, #tpu.memory_space<vmem>>, vector<16xf32>,
    %scan3A = arith.constant 0 : i32
    %scan3A_32 = arith.constant 0 : i32
    %scan3A_33 = arith.constant 16 : i32
    %scan3A_34 = arith.addi %scan3A_32, %scan3A_33 : i32
    %scan3A_35 = arith.constant 1 : i32
    scf.for %scan3A_291 = %scan3A_32 to %scan3A_34 step %scan3A_35  : i32 {
      %get3A_292 = arith.index_cast %scan3A_291 : i32 to index
      %get3A_293 = tpu.vector_load %arg12[%get3A_292] {strides = array<i32>} : memref<32xf32, #tpu.memory_space<vmem>>, vector<16xf32>,
      %get3A_294 = vector.shape_cast %get3A_293 : vector<16xf32> to vector<16xf32>
      %slice3A = vector.extract_strided_slice %get3A_294 {offsets = [0], sizes = [1], strides = [1]} : vector<16xf32> to vector<1xf32>
      %squeeze3A = vector.extract %slice3A[0] : f32 from vector<1xf32>
      %broadcast_in_dim3A = vector.broadcast %squeeze3A : f32 to vector<16xf32>
      %mul3A_295 = arith.constant 50 : i32
      %mul3A_296 = arith.muli %scan3A_291, %mul3A_295 : i32
      %broadcast_in_dim3A_297 = arith.constant 0.000000e+00 : f32
      %broadcast_in_dim3A_298 = vector.broadcast %broadcast_in_dim3A_297 : f32 to vector<16xf32>
      %scan3A_299 = arith.constant 0 : i32
      %scan3A_300 = arith.constant 50 : i32
      %scan3A_301 = arith.addi %scan3A_299, %scan3A_300 : i32
      %scan3A_302 = arith.constant 5 : i32
      %scan3A_303:4 = scf.for %scan3A_328 = %scan3A_299 to %scan3A_301 step %scan3A_302 iter_args(%scan3A_329 = %broadcast_in_dim3A_298, %scan3A_330 = %broadcast_in_dim3A_298, %scan3A_331 = %broadcast_in_dim3A_298, %scan3A_332 = %broadcast_in_dim3A_298) -> (vector<16xf32>, vector<16xf32>, vector<16xf32>, vector<16xf32>)  : i32 {
        %add3A_333 = arith.addi %mul3A_296, %scan3A_328 : i32
        %get3A_334 = arith.index_cast %add3A_333 : i32 to index
        %get3A_335 = arith.constant 0 : index
        %get3A_336 = tpu.vector_load %arg8[%get3A_334, %get3A_335] {strides = array<i32>} : memref<800x64xf32, #tpu.memory_space<vmem>>, vector<1x16xf32>,
        %get3A_337 = vector.shape_cast %get3A_336 : vector<1x16xf32> to vector<16xf32>
        %add3A_338 = arith.addf %scan3A_329, %get3A_337 : vector<16xf32>
        %get3A_339 = arith.index_cast %add3A_333 : i32 to index
        %get3A_340 = arith.constant 16 : index
        %get3A_341 = tpu.vector_load %arg8[%get3A_339, %get3A_340] {strides = array<i32>} : memref<800x64xf32, #tpu.memory_space<vmem>>, vector<1x16xf32>,
        %get3A_342 = vector.shape_cast %get3A_341 : vector<1x16xf32> to vector<16xf32>
        %add3A_343 = arith.addf %scan3A_330, %get3A_342 : vector<16xf32>
        %get3A_344 = arith.index_cast %add3A_333 : i32 to index
        %get3A_345 = arith.constant 32 : index
        %get3A_346 = tpu.vector_load %arg8[%get3A_344, %get3A_345] {strides = array<i32>} : memref<800x64xf32, #tpu.memory_space<vmem>>, vector<1x16xf32>,
        %get3A_347 = vector.shape_cast %get3A_346 : vector<1x16xf32> to vector<16xf32>
        %add3A_348 = arith.addf %scan3A_331, %get3A_347 : vector<16xf32>
        %get3A_349 = arith.index_cast %add3A_333 : i32 to index
        %get3A_350 = arith.constant 48 : index
        %get3A_351 = tpu.vector_load %arg8[%get3A_349, %get3A_350] {strides = array<i32>} : memref<800x64xf32, #tpu.memory_space<vmem>>, vector<1x16xf32>,
        %get3A_352 = vector.shape_cast %get3A_351 : vector<1x16xf32> to vector<16xf32>
        %add3A_353 = arith.addf %scan3A_332, %get3A_352 : vector<16xf32>
        %scan3A_354 = arith.constant 1 : i32
        %scan3A_355 = arith.addi %scan3A_328, %scan3A_354 : i32
        %add3A_356 = arith.addi %mul3A_296, %scan3A_355 : i32
        %get3A_357 = arith.index_cast %add3A_356 : i32 to index
        %get3A_358 = arith.constant 0 : index
        %get3A_359 = tpu.vector_load %arg8[%get3A_357, %get3A_358] {strides = array<i32>} : memref<800x64xf32, #tpu.memory_space<vmem>>, vector<1x16xf32>,
        %get3A_360 = vector.shape_cast %get3A_359 : vector<1x16xf32> to vector<16xf32>
        %add3A_361 = arith.addf %add3A_338, %get3A_360 : vector<16xf32>
        %get3A_362 = arith.index_cast %add3A_356 : i32 to index
        %get3A_363 = arith.constant 16 : index
        %get3A_364 = tpu.vector_load %arg8[%get3A_362, %get3A_363] {strides = array<i32>} : memref<800x64xf32, #tpu.memory_space<vmem>>, vector<1x16xf32>,
        %get3A_365 = vector.shape_cast %get3A_364 : vector<1x16xf32> to vector<16xf32>
        %add3A_366 = arith.addf %add3A_343, %get3A_365 : vector<16xf32>
        %get3A_367 = arith.index_cast %add3A_356 : i32 to index
        %get3A_368 = arith.constant 32 : index
        %get3A_369 = tpu.vector_load %arg8[%get3A_367, %get3A_368] {strides = array<i32>} : memref<800x64xf32, #tpu.memory_space<vmem>>, vector<1x16xf32>,
        %get3A_370 = vector.shape_cast %get3A_369 : vector<1x16xf32> to vector<16xf32>
        %add3A_371 = arith.addf %add3A_348, %get3A_370 : vector<16xf32>
        %get3A_372 = arith.index_cast %add3A_356 : i32 to index
        %get3A_373 = arith.constant 48 : index
        %get3A_374 = tpu.vector_load %arg8[%get3A_372, %get3A_373] {strides = array<i32>} : memref<800x64xf32, #tpu.memory_space<vmem>>, vector<1x16xf32>,
        %get3A_375 = vector.shape_cast %get3A_374 : vector<1x16xf32> to vector<16xf32>
        %add3A_376 = arith.addf %add3A_353, %get3A_375 : vector<16xf32>
        %scan3A_377 = arith.constant 2 : i32
        %scan3A_378 = arith.addi %scan3A_328, %scan3A_377 : i32
        %add3A_379 = arith.addi %mul3A_296, %scan3A_378 : i32
        %get3A_380 = arith.index_cast %add3A_379 : i32 to index
        %get3A_381 = arith.constant 0 : index
        %get3A_382 = tpu.vector_load %arg8[%get3A_380, %get3A_381] {strides = array<i32>} : memref<800x64xf32, #tpu.memory_space<vmem>>, vector<1x16xf32>,
        %get3A_383 = vector.shape_cast %get3A_382 : vector<1x16xf32> to vector<16xf32>
        %add3A_384 = arith.addf %add3A_361, %get3A_383 : vector<16xf32>
        %get3A_385 = arith.index_cast %add3A_379 : i32 to index
        %get3A_386 = arith.constant 16 : index
        %get3A_387 = tpu.vector_load %arg8[%get3A_385, %get3A_386] {strides = array<i32>} : memref<800x64xf32, #tpu.memory_space<vmem>>, vector<1x16xf32>,
        %get3A_388 = vector.shape_cast %get3A_387 : vector<1x16xf32> to vector<16xf32>
        %add3A_389 = arith.addf %add3A_366, %get3A_388 : vector<16xf32>
        %get3A_390 = arith.index_cast %add3A_379 : i32 to index
        %get3A_391 = arith.constant 32 : index
        %get3A_392 = tpu.vector_load %arg8[%get3A_390, %get3A_391] {strides = array<i32>} : memref<800x64xf32, #tpu.memory_space<vmem>>, vector<1x16xf32>,
        %get3A_393 = vector.shape_cast %get3A_392 : vector<1x16xf32> to vector<16xf32>
        %add3A_394 = arith.addf %add3A_371, %get3A_393 : vector<16xf32>
        %get3A_395 = arith.index_cast %add3A_379 : i32 to index
        %get3A_396 = arith.constant 48 : index
        %get3A_397 = tpu.vector_load %arg8[%get3A_395, %get3A_396] {strides = array<i32>} : memref<800x64xf32, #tpu.memory_space<vmem>>, vector<1x16xf32>,
        %get3A_398 = vector.shape_cast %get3A_397 : vector<1x16xf32> to vector<16xf32>
        %add3A_399 = arith.addf %add3A_376, %get3A_398 : vector<16xf32>
        %scan3A_400 = arith.constant 3 : i32
        %scan3A_401 = arith.addi %scan3A_328, %scan3A_400 : i32
        %add3A_402 = arith.addi %mul3A_296, %scan3A_401 : i32
        %get3A_403 = arith.index_cast %add3A_402 : i32 to index
        %get3A_404 = arith.constant 0 : index
        %get3A_405 = tpu.vector_load %arg8[%get3A_403, %get3A_404] {strides = array<i32>} : memref<800x64xf32, #tpu.memory_space<vmem>>, vector<1x16xf32>,
        %get3A_406 = vector.shape_cast %get3A_405 : vector<1x16xf32> to vector<16xf32>
        %add3A_407 = arith.addf %add3A_384, %get3A_406 : vector<16xf32>
        %get3A_408 = arith.index_cast %add3A_402 : i32 to index
        %get3A_409 = arith.constant 16 : index
        %get3A_410 = tpu.vector_load %arg8[%get3A_408, %get3A_409] {strides = array<i32>} : memref<800x64xf32, #tpu.memory_space<vmem>>, vector<1x16xf32>,
        %get3A_411 = vector.shape_cast %get3A_410 : vector<1x16xf32> to vector<16xf32>
        %add3A_412 = arith.addf %add3A_389, %get3A_411 : vector<16xf32>
        %get3A_413 = arith.index_cast %add3A_402 : i32 to index
        %get3A_414 = arith.constant 32 : index
        %get3A_415 = tpu.vector_load %arg8[%get3A_413, %get3A_414] {strides = array<i32>} : memref<800x64xf32, #tpu.memory_space<vmem>>, vector<1x16xf32>,
        %get3A_416 = vector.shape_cast %get3A_415 : vector<1x16xf32> to vector<16xf32>
        %add3A_417 = arith.addf %add3A_394, %get3A_416 : vector<16xf32>
        %get3A_418 = arith.index_cast %add3A_402 : i32 to index
        %get3A_419 = arith.constant 48 : index
        %get3A_420 = tpu.vector_load %arg8[%get3A_418, %get3A_419] {strides = array<i32>} : memref<800x64xf32, #tpu.memory_space<vmem>>, vector<1x16xf32>,
        %get3A_421 = vector.shape_cast %get3A_420 : vector<1x16xf32> to vector<16xf32>
        %add3A_422 = arith.addf %add3A_399, %get3A_421 : vector<16xf32>
        %scan3A_423 = arith.constant 4 : i32
        %scan3A_424 = arith.addi %scan3A_328, %scan3A_423 : i32
        %add3A_425 = arith.addi %mul3A_296, %scan3A_424 : i32
        %get3A_426 = arith.index_cast %add3A_425 : i32 to index
        %get3A_427 = arith.constant 0 : index
        %get3A_428 = tpu.vector_load %arg8[%get3A_426, %get3A_427] {strides = array<i32>} : memref<800x64xf32, #tpu.memory_space<vmem>>, vector<1x16xf32>,
        %get3A_429 = vector.shape_cast %get3A_428 : vector<1x16xf32> to vector<16xf32>
        %add3A_430 = arith.addf %add3A_407, %get3A_429 : vector<16xf32>
        %get3A_431 = arith.index_cast %add3A_425 : i32 to index
        %get3A_432 = arith.constant 16 : index
        %get3A_433 = tpu.vector_load %arg8[%get3A_431, %get3A_432] {strides = array<i32>} : memref<800x64xf32, #tpu.memory_space<vmem>>, vector<1x16xf32>,
        %get3A_434 = vector.shape_cast %get3A_433 : vector<1x16xf32> to vector<16xf32>
        %add3A_435 = arith.addf %add3A_412, %get3A_434 : vector<16xf32>
        %get3A_436 = arith.index_cast %add3A_425 : i32 to index
        %get3A_437 = arith.constant 32 : index
        %get3A_438 = tpu.vector_load %arg8[%get3A_436, %get3A_437] {strides = array<i32>} : memref<800x64xf32, #tpu.memory_space<vmem>>, vector<1x16xf32>,
        %get3A_439 = vector.shape_cast %get3A_438 : vector<1x16xf32> to vector<16xf32>
        %add3A_440 = arith.addf %add3A_417, %get3A_439 : vector<16xf32>
        %get3A_441 = arith.index_cast %add3A_425 : i32 to index
        %get3A_442 = arith.constant 48 : index
        %get3A_443 = tpu.vector_load %arg8[%get3A_441, %get3A_442] {strides = array<i32>} : memref<800x64xf32, #tpu.memory_space<vmem>>, vector<1x16xf32>,
        %get3A_444 = vector.shape_cast %get3A_443 : vector<1x16xf32> to vector<16xf32>
        %add3A_445 = arith.addf %add3A_422, %get3A_444 : vector<16xf32>
        scf.yield %add3A_430, %add3A_435, %add3A_440, %add3A_445 : vector<16xf32>, vector<16xf32>, vector<16xf32>, vector<16xf32>
      }
      %scan3A_304 = arith.constant 50 : i32
      %div3A = arith.divf %scan3A_303#0, %broadcast_in_dim3A : vector<16xf32>
      %swap3A_305 = arith.index_cast %scan3A_291 : i32 to index
      %swap3A_306 = arith.constant 0 : index
      %swap3A_307 = tpu.vector_load %arg13[%swap3A_305, %swap3A_306] {strides = array<i32>} : memref<16x64xf32, #tpu.memory_space<vmem>>, vector<1x16xf32>,
      %swap3A_308 = vector.shape_cast %swap3A_307 : vector<1x16xf32> to vector<16xf32>
      %swap3A_309 = vector.shape_cast %div3A : vector<16xf32> to vector<1x16xf32>
      tpu.vector_store %arg13[%swap3A_305, %swap3A_306], %swap3A_309 {strides = array<i32>} : memref<16x64xf32, #tpu.memory_space<vmem>>, vector<1x16xf32>,
      %div3A_310 = arith.divf %scan3A_303#1, %broadcast_in_dim3A : vector<16xf32>
      %swap3A_311 = arith.index_cast %scan3A_291 : i32 to index
      %swap3A_312 = arith.constant 16 : index
      %swap3A_313 = tpu.vector_load %arg13[%swap3A_311, %swap3A_312] {strides = array<i32>} : memref<16x64xf32, #tpu.memory_space<vmem>>, vector<1x16xf32>,
      %swap3A_314 = vector.shape_cast %swap3A_313 : vector<1x16xf32> to vector<16xf32>
      %swap3A_315 = vector.shape_cast %div3A_310 : vector<16xf32> to vector<1x16xf32>
      tpu.vector_store %arg13[%swap3A_311, %swap3A_312], %swap3A_315 {strides = array<i32>} : memref<16x64xf32, #tpu.memory_space<vmem>>, vector<1x16xf32>,
      %div3A_316 = arith.divf %scan3A_303#2, %broadcast_in_dim3A : vector<16xf32>
      %swap3A_317 = arith.index_cast %scan3A_291 : i32 to index
      %swap3A_318 = arith.constant 32 : index
      %swap3A_319 = tpu.vector_load %arg13[%swap3A_317, %swap3A_318] {strides = array<i32>} : memref<16x64xf32, #tpu.memory_space<vmem>>, vector<1x16xf32>,
      %swap3A_320 = vector.shape_cast %swap3A_319 : vector<1x16xf32> to vector<16xf32>
      %swap3A_321 = vector.shape_cast %div3A_316 : vector<16xf32> to vector<1x16xf32>
      tpu.vector_store %arg13[%swap3A_317, %swap3A_318], %swap3A_321 {strides = array<i32>} : memref<16x64xf32, #tpu.memory_space<vmem>>, vector<1x16xf32>,
      %div3A_322 = arith.divf %scan3A_303#3, %broadcast_in_dim3A : vector<16xf32>
      %swap3A_323 = arith.index_cast %scan3A_291 : i32 to index
      %swap3A_324 = arith.constant 48 : index
      %swap3A_325 = tpu.vector_load %arg13[%swap3A_323, %swap3A_324] {strides = array<i32>} : memref<16x64xf32, #tpu.memory_space<vmem>>, vector<1x16xf32>,
      %swap3A_326 = vector.shape_cast %swap3A_325 : vector<1x16xf32> to vector<16xf32>
      %swap3A_327 = vector.shape_cast %div3A_322 : vector<16xf32> to vector<1x16xf32>
      tpu.vector_store %arg13[%swap3A_323, %swap3A_324], %swap3A_327 {strides = array<i32>} : memref<16x64xf32, #tpu.memory_space<vmem>>, vector<1x16xf32>,
    }
    %scan3A_36 = arith.constant 16 : i32
    %mul3A_37 = arith.constant 128 : i32
    %mul3A_38 = arith.muli %add3A, %mul3A_37 : i32
    %add3A_39 = arith.constant 0 : i32
    %add3A_40 = arith.addi %mul3A_38, %add3A_39 : i32
    "tpu.region"() ({
      %run_scoped3A = tpu.sem_alloc : memref<!tpu.dma_semaphore, #tpu.memory_space<semaphore_mem>>
      %dma_start3A_291 = arith.constant 0 : i32
      %dma_start3A_292 = tpu.memref_slice %arg5[%add3A_40, %dma_start3A_291] : memref<4096x64xf32, #tpu.memory_space<hbm>> -> memref<16x64xf32, #tpu.memory_space<hbm>>
      %dma_start3A_293 = arith.constant 0 : i32
      %dma_start3A_294 = tpu.memref_slice %arg5[%add3A_40, %dma_start3A_293] : memref<4096x64xf32, #tpu.memory_space<hbm>> -> memref<16x64xf32, #tpu.memory_space<hbm>>
      tpu.enqueue_dma source(%arg13 : memref<16x64xf32, #tpu.memory_space<vmem>>) target(%dma_start3A_294 : memref<16x64xf32, #tpu.memory_space<hbm>>) target_semaphore(%run_scoped3A : memref<!tpu.dma_semaphore, #tpu.memory_space<semaphore_mem>>)
      %dma_wait3A_295 = arith.constant 0 : i32
      %dma_wait3A_296 = tpu.memref_slice %arg5[%add3A_40, %dma_wait3A_295] : memref<4096x64xf32, #tpu.memory_space<hbm>> -> memref<16x64xf32, #tpu.memory_space<hbm>>
      %dma_wait3A_297 = arith.constant 0 : i32
      %dma_wait3A_298 = tpu.memref_slice %arg5[%add3A_40, %dma_wait3A_297] : memref<4096x64xf32, #tpu.memory_space<hbm>> -> memref<16x64xf32, #tpu.memory_space<hbm>>
      tpu.wait_dma2 semaphore(%run_scoped3A : memref<!tpu.dma_semaphore, #tpu.memory_space<semaphore_mem>>) src(%arg13 : memref<16x64xf32, #tpu.memory_space<vmem>>) dst(%dma_wait3A_298 : memref<16x64xf32, #tpu.memory_space<hbm>>)
      tpu.yield
    }) : () -> ()
    %mul3A_41 = arith.constant 128 : i32
    %mul3A_42 = arith.muli %add3A, %mul3A_41 : i32
    %add3A_43 = arith.constant 32 : i32
    %add3A_44 = arith.addi %mul3A_42, %add3A_43 : i32
    %mul3A_45 = arith.constant 50 : i32
    %mul3A_46 = arith.muli %add3A_44, %mul3A_45 : i32
    "tpu.region"() ({
      %run_scoped3A = tpu.sem_alloc : memref<!tpu.dma_semaphore, #tpu.memory_space<semaphore_mem>>
      %dma_start3A_291 = tpu.memref_slice %arg3[%mul3A_46] : memref<204800xi32, #tpu.memory_space<hbm>> -> memref<800xi32, #tpu.memory_space<hbm>>
      %dma_start3A_292 = tpu.memref_slice %arg3[%mul3A_46] : memref<204800xi32, #tpu.memory_space<hbm>> -> memref<800xi32, #tpu.memory_space<hbm>>
      tpu.enqueue_dma source(%dma_start3A_292 : memref<800xi32, #tpu.memory_space<hbm>>) target(%arg6 : memref<800xi32, #tpu.memory_space<vmem>>) target_semaphore(%run_scoped3A : memref<!tpu.dma_semaphore, #tpu.memory_space<semaphore_mem>>)
      %dma_wait3A_293 = tpu.memref_slice %arg3[%mul3A_46] : memref<204800xi32, #tpu.memory_space<hbm>> -> memref<800xi32, #tpu.memory_space<hbm>>
      %dma_wait3A_294 = tpu.memref_slice %arg3[%mul3A_46] : memref<204800xi32, #tpu.memory_space<hbm>> -> memref<800xi32, #tpu.memory_space<hbm>>
      tpu.wait_dma2 semaphore(%run_scoped3A : memref<!tpu.dma_semaphore, #tpu.memory_space<semaphore_mem>>) src(%dma_wait3A_294 : memref<800xi32, #tpu.memory_space<hbm>>) dst(%arg6 : memref<800xi32, #tpu.memory_space<vmem>>)
      tpu.yield
    }) : () -> ()
    "tpu.region"() ({
      %run_scoped3A = tpu.sem_alloc : memref<!tpu.dma_semaphore, #tpu.memory_space<semaphore_mem>>
      %dma_start3A_291 = tpu.memref_slice %arg4[%add3A_44] : memref<4096xi32, #tpu.memory_space<hbm>> -> memref<16xi32, #tpu.memory_space<hbm>>
      %dma_start3A_292 = tpu.memref_slice %arg4[%add3A_44] : memref<4096xi32, #tpu.memory_space<hbm>> -> memref<16xi32, #tpu.memory_space<hbm>>
      tpu.enqueue_dma source(%dma_start3A_292 : memref<16xi32, #tpu.memory_space<hbm>>) target(%arg10 : memref<16xi32, #tpu.memory_space<vmem>>) target_semaphore(%run_scoped3A : memref<!tpu.dma_semaphore, #tpu.memory_space<semaphore_mem>>)
      %dma_wait3A_293 = tpu.memref_slice %arg4[%add3A_44] : memref<4096xi32, #tpu.memory_space<hbm>> -> memref<16xi32, #tpu.memory_space<hbm>>
      %dma_wait3A_294 = tpu.memref_slice %arg4[%add3A_44] : memref<4096xi32, #tpu.memory_space<hbm>> -> memref<16xi32, #tpu.memory_space<hbm>>
      tpu.wait_dma2 semaphore(%run_scoped3A : memref<!tpu.dma_semaphore, #tpu.memory_space<semaphore_mem>>) src(%dma_wait3A_294 : memref<16xi32, #tpu.memory_space<hbm>>) dst(%arg10 : memref<16xi32, #tpu.memory_space<vmem>>)
      tpu.yield
    }) : () -> ()
    %dma_start3A_47 = arith.constant 0 : i32
    %dma_start3A_48 = arith.constant 0 : i32
    %dma_start3A_49 = tpu.memref_slice %arg2[%dma_start3A_47, %dma_start3A_48] : memref<100000x64xf32, #tpu.memory_space<hbm>> -> memref<100000x64xf32, #tpu.memory_space<hbm>>
    tpu.enqueue_indirect_dma source(%dma_start3A_49 : memref<100000x64xf32, #tpu.memory_space<hbm>>) target(%arg8 : memref<800x64xf32, #tpu.memory_space<vmem>>) offsets(%arg6 : memref<800xi32, #tpu.memory_space<vmem>>) semaphore(%arg14 : memref<!tpu.dma_semaphore, #tpu.memory_space<semaphore_mem>>)
    %dma_wait3A_50 = arith.constant 0 : i32
    %dma_wait3A_51 = arith.constant 0 : i32
    %dma_wait3A_52 = tpu.memref_slice %arg2[%dma_wait3A_50, %dma_wait3A_51] : memref<100000x64xf32, #tpu.memory_space<hbm>> -> memref<100000x64xf32, #tpu.memory_space<hbm>>
    tpu.wait_indirect_dma semaphore(%arg15 : memref<!tpu.dma_semaphore, #tpu.memory_space<semaphore_mem>>) src(%dma_wait3A_52 : memref<100000x64xf32, #tpu.memory_space<hbm>>) dst(%arg9 : memref<800x64xf32, #tpu.memory_space<vmem>>)
    %get3A_53 = arith.constant 0 : index
    %get3A_54 = tpu.vector_load %arg11[%get3A_53] {strides = array<i32>} : memref<16xi32, #tpu.memory_space<vmem>>, vector<16xi32>,
    %get3A_55 = vector.shape_cast %get3A_54 : vector<16xi32> to vector<16xi32>
    %convert_element_type3A_56 = arith.sitofp %get3A_55 : vector<16xi32> to vector<16xf32>
    %add3A_57 = arith.constant 9.99999996E-13 : f32
    %add3A_58 = vector.broadcast %add3A_57 : f32 to vector<16xf32>
    %add3A_59 = arith.addf %convert_element_type3A_56, %add3A_58 : vector<16xf32>
    %swap3A_60 = arith.constant 0 : index
    %swap3A_61 = tpu.vector_load %arg12[%swap3A_60] {strides = array<i32>} : memref<32xf32, #tpu.memory_space<vmem>>, vector<16xf32>,
    %swap3A_62 = vector.shape_cast %swap3A_61 : vector<16xf32> to vector<16xf32>
    %swap3A_63 = vector.shape_cast %add3A_59 : vector<16xf32> to vector<16xf32>
    tpu.vector_store %arg12[%swap3A_60], %swap3A_63 {strides = array<i32>} : memref<32xf32, #tpu.memory_space<vmem>>, vector<16xf32>,
    %swap3A_64 = arith.constant 16 : index
    %swap3A_65 = tpu.vector_load %arg12[%swap3A_64] {strides = array<i32>} : memref<32xf32, #tpu.memory_space<vmem>>, vector<16xf32>,
    %swap3A_66 = vector.shape_cast %swap3A_65 : vector<16xf32> to vector<16xf32>
    %swap3A_67 = vector.shape_cast %add3A_59 : vector<16xf32> to vector<16xf32>
    tpu.vector_store %arg12[%swap3A_64], %swap3A_67 {strides = array<i32>} : memref<32xf32, #tpu.memory_space<vmem>>, vector<16xf32>,
    %scan3A_68 = arith.constant 0 : i32
    %scan3A_69 = arith.constant 0 : i32
    %scan3A_70 = arith.constant 16 : i32
    %scan3A_71 = arith.addi %scan3A_69, %scan3A_70 : i32
    %scan3A_72 = arith.constant 1 : i32
    scf.for %scan3A_291 = %scan3A_69 to %scan3A_71 step %scan3A_72  : i32 {
      %get3A_292 = arith.index_cast %scan3A_291 : i32 to index
      %get3A_293 = tpu.vector_load %arg12[%get3A_292] {strides = array<i32>} : memref<32xf32, #tpu.memory_space<vmem>>, vector<16xf32>,
      %get3A_294 = vector.shape_cast %get3A_293 : vector<16xf32> to vector<16xf32>
      %slice3A = vector.extract_strided_slice %get3A_294 {offsets = [0], sizes = [1], strides = [1]} : vector<16xf32> to vector<1xf32>
      %squeeze3A = vector.extract %slice3A[0] : f32 from vector<1xf32>
      %broadcast_in_dim3A = vector.broadcast %squeeze3A : f32 to vector<16xf32>
      %mul3A_295 = arith.constant 50 : i32
      %mul3A_296 = arith.muli %scan3A_291, %mul3A_295 : i32
      %broadcast_in_dim3A_297 = arith.constant 0.000000e+00 : f32
      %broadcast_in_dim3A_298 = vector.broadcast %broadcast_in_dim3A_297 : f32 to vector<16xf32>
      %scan3A_299 = arith.constant 0 : i32
      %scan3A_300 = arith.constant 50 : i32
      %scan3A_301 = arith.addi %scan3A_299, %scan3A_300 : i32
      %scan3A_302 = arith.constant 5 : i32
      %scan3A_303:4 = scf.for %scan3A_328 = %scan3A_299 to %scan3A_301 step %scan3A_302 iter_args(%scan3A_329 = %broadcast_in_dim3A_298, %scan3A_330 = %broadcast_in_dim3A_298, %scan3A_331 = %broadcast_in_dim3A_298, %scan3A_332 = %broadcast_in_dim3A_298) -> (vector<16xf32>, vector<16xf32>, vector<16xf32>, vector<16xf32>)  : i32 {
        %add3A_333 = arith.addi %mul3A_296, %scan3A_328 : i32
        %get3A_334 = arith.index_cast %add3A_333 : i32 to index
        %get3A_335 = arith.constant 0 : index
        %get3A_336 = tpu.vector_load %arg9[%get3A_334, %get3A_335] {strides = array<i32>} : memref<800x64xf32, #tpu.memory_space<vmem>>, vector<1x16xf32>,
        %get3A_337 = vector.shape_cast %get3A_336 : vector<1x16xf32> to vector<16xf32>
        %add3A_338 = arith.addf %scan3A_329, %get3A_337 : vector<16xf32>
        %get3A_339 = arith.index_cast %add3A_333 : i32 to index
        %get3A_340 = arith.constant 16 : index
        %get3A_341 = tpu.vector_load %arg9[%get3A_339, %get3A_340] {strides = array<i32>} : memref<800x64xf32, #tpu.memory_space<vmem>>, vector<1x16xf32>,
        %get3A_342 = vector.shape_cast %get3A_341 : vector<1x16xf32> to vector<16xf32>
        %add3A_343 = arith.addf %scan3A_330, %get3A_342 : vector<16xf32>
        %get3A_344 = arith.index_cast %add3A_333 : i32 to index
        %get3A_345 = arith.constant 32 : index
        %get3A_346 = tpu.vector_load %arg9[%get3A_344, %get3A_345] {strides = array<i32>} : memref<800x64xf32, #tpu.memory_space<vmem>>, vector<1x16xf32>,
        %get3A_347 = vector.shape_cast %get3A_346 : vector<1x16xf32> to vector<16xf32>
        %add3A_348 = arith.addf %scan3A_331, %get3A_347 : vector<16xf32>
        %get3A_349 = arith.index_cast %add3A_333 : i32 to index
        %get3A_350 = arith.constant 48 : index
        %get3A_351 = tpu.vector_load %arg9[%get3A_349, %get3A_350] {strides = array<i32>} : memref<800x64xf32, #tpu.memory_space<vmem>>, vector<1x16xf32>,
        %get3A_352 = vector.shape_cast %get3A_351 : vector<1x16xf32> to vector<16xf32>
        %add3A_353 = arith.addf %scan3A_332, %get3A_352 : vector<16xf32>
        %scan3A_354 = arith.constant 1 : i32
        %scan3A_355 = arith.addi %scan3A_328, %scan3A_354 : i32
        %add3A_356 = arith.addi %mul3A_296, %scan3A_355 : i32
        %get3A_357 = arith.index_cast %add3A_356 : i32 to index
        %get3A_358 = arith.constant 0 : index
        %get3A_359 = tpu.vector_load %arg9[%get3A_357, %get3A_358] {strides = array<i32>} : memref<800x64xf32, #tpu.memory_space<vmem>>, vector<1x16xf32>,
        %get3A_360 = vector.shape_cast %get3A_359 : vector<1x16xf32> to vector<16xf32>
        %add3A_361 = arith.addf %add3A_338, %get3A_360 : vector<16xf32>
        %get3A_362 = arith.index_cast %add3A_356 : i32 to index
        %get3A_363 = arith.constant 16 : index
        %get3A_364 = tpu.vector_load %arg9[%get3A_362, %get3A_363] {strides = array<i32>} : memref<800x64xf32, #tpu.memory_space<vmem>>, vector<1x16xf32>,
        %get3A_365 = vector.shape_cast %get3A_364 : vector<1x16xf32> to vector<16xf32>
        %add3A_366 = arith.addf %add3A_343, %get3A_365 : vector<16xf32>
        %get3A_367 = arith.index_cast %add3A_356 : i32 to index
        %get3A_368 = arith.constant 32 : index
        %get3A_369 = tpu.vector_load %arg9[%get3A_367, %get3A_368] {strides = array<i32>} : memref<800x64xf32, #tpu.memory_space<vmem>>, vector<1x16xf32>,
        %get3A_370 = vector.shape_cast %get3A_369 : vector<1x16xf32> to vector<16xf32>
        %add3A_371 = arith.addf %add3A_348, %get3A_370 : vector<16xf32>
        %get3A_372 = arith.index_cast %add3A_356 : i32 to index
        %get3A_373 = arith.constant 48 : index
        %get3A_374 = tpu.vector_load %arg9[%get3A_372, %get3A_373] {strides = array<i32>} : memref<800x64xf32, #tpu.memory_space<vmem>>, vector<1x16xf32>,
        %get3A_375 = vector.shape_cast %get3A_374 : vector<1x16xf32> to vector<16xf32>
        %add3A_376 = arith.addf %add3A_353, %get3A_375 : vector<16xf32>
        %scan3A_377 = arith.constant 2 : i32
        %scan3A_378 = arith.addi %scan3A_328, %scan3A_377 : i32
        %add3A_379 = arith.addi %mul3A_296, %scan3A_378 : i32
        %get3A_380 = arith.index_cast %add3A_379 : i32 to index
        %get3A_381 = arith.constant 0 : index
        %get3A_382 = tpu.vector_load %arg9[%get3A_380, %get3A_381] {strides = array<i32>} : memref<800x64xf32, #tpu.memory_space<vmem>>, vector<1x16xf32>,
        %get3A_383 = vector.shape_cast %get3A_382 : vector<1x16xf32> to vector<16xf32>
        %add3A_384 = arith.addf %add3A_361, %get3A_383 : vector<16xf32>
        %get3A_385 = arith.index_cast %add3A_379 : i32 to index
        %get3A_386 = arith.constant 16 : index
        %get3A_387 = tpu.vector_load %arg9[%get3A_385, %get3A_386] {strides = array<i32>} : memref<800x64xf32, #tpu.memory_space<vmem>>, vector<1x16xf32>,
        %get3A_388 = vector.shape_cast %get3A_387 : vector<1x16xf32> to vector<16xf32>
        %add3A_389 = arith.addf %add3A_366, %get3A_388 : vector<16xf32>
        %get3A_390 = arith.index_cast %add3A_379 : i32 to index
        %get3A_391 = arith.constant 32 : index
        %get3A_392 = tpu.vector_load %arg9[%get3A_390, %get3A_391] {strides = array<i32>} : memref<800x64xf32, #tpu.memory_space<vmem>>, vector<1x16xf32>,
        %get3A_393 = vector.shape_cast %get3A_392 : vector<1x16xf32> to vector<16xf32>
        %add3A_394 = arith.addf %add3A_371, %get3A_393 : vector<16xf32>
        %get3A_395 = arith.index_cast %add3A_379 : i32 to index
        %get3A_396 = arith.constant 48 : index
        %get3A_397 = tpu.vector_load %arg9[%get3A_395, %get3A_396] {strides = array<i32>} : memref<800x64xf32, #tpu.memory_space<vmem>>, vector<1x16xf32>,
        %get3A_398 = vector.shape_cast %get3A_397 : vector<1x16xf32> to vector<16xf32>
        %add3A_399 = arith.addf %add3A_376, %get3A_398 : vector<16xf32>
        %scan3A_400 = arith.constant 3 : i32
        %scan3A_401 = arith.addi %scan3A_328, %scan3A_400 : i32
        %add3A_402 = arith.addi %mul3A_296, %scan3A_401 : i32
        %get3A_403 = arith.index_cast %add3A_402 : i32 to index
        %get3A_404 = arith.constant 0 : index
        %get3A_405 = tpu.vector_load %arg9[%get3A_403, %get3A_404] {strides = array<i32>} : memref<800x64xf32, #tpu.memory_space<vmem>>, vector<1x16xf32>,
        %get3A_406 = vector.shape_cast %get3A_405 : vector<1x16xf32> to vector<16xf32>
        %add3A_407 = arith.addf %add3A_384, %get3A_406 : vector<16xf32>
        %get3A_408 = arith.index_cast %add3A_402 : i32 to index
        %get3A_409 = arith.constant 16 : index
        %get3A_410 = tpu.vector_load %arg9[%get3A_408, %get3A_409] {strides = array<i32>} : memref<800x64xf32, #tpu.memory_space<vmem>>, vector<1x16xf32>,
        %get3A_411 = vector.shape_cast %get3A_410 : vector<1x16xf32> to vector<16xf32>
        %add3A_412 = arith.addf %add3A_389, %get3A_411 : vector<16xf32>
        %get3A_413 = arith.index_cast %add3A_402 : i32 to index
        %get3A_414 = arith.constant 32 : index
        %get3A_415 = tpu.vector_load %arg9[%get3A_413, %get3A_414] {strides = array<i32>} : memref<800x64xf32, #tpu.memory_space<vmem>>, vector<1x16xf32>,
        %get3A_416 = vector.shape_cast %get3A_415 : vector<1x16xf32> to vector<16xf32>
        %add3A_417 = arith.addf %add3A_394, %get3A_416 : vector<16xf32>
        %get3A_418 = arith.index_cast %add3A_402 : i32 to index
        %get3A_419 = arith.constant 48 : index
        %get3A_420 = tpu.vector_load %arg9[%get3A_418, %get3A_419] {strides = array<i32>} : memref<800x64xf32, #tpu.memory_space<vmem>>, vector<1x16xf32>,
        %get3A_421 = vector.shape_cast %get3A_420 : vector<1x16xf32> to vector<16xf32>
        %add3A_422 = arith.addf %add3A_399, %get3A_421 : vector<16xf32>
        %scan3A_423 = arith.constant 4 : i32
        %scan3A_424 = arith.addi %scan3A_328, %scan3A_423 : i32
        %add3A_425 = arith.addi %mul3A_296, %scan3A_424 : i32
        %get3A_426 = arith.index_cast %add3A_425 : i32 to index
        %get3A_427 = arith.constant 0 : index
        %get3A_428 = tpu.vector_load %arg9[%get3A_426, %get3A_427] {strides = array<i32>} : memref<800x64xf32, #tpu.memory_space<vmem>>, vector<1x16xf32>,
        %get3A_429 = vector.shape_cast %get3A_428 : vector<1x16xf32> to vector<16xf32>
        %add3A_430 = arith.addf %add3A_407, %get3A_429 : vector<16xf32>
        %get3A_431 = arith.index_cast %add3A_425 : i32 to index
        %get3A_432 = arith.constant 16 : index
        %get3A_433 = tpu.vector_load %arg9[%get3A_431, %get3A_432] {strides = array<i32>} : memref<800x64xf32, #tpu.memory_space<vmem>>, vector<1x16xf32>,
        %get3A_434 = vector.shape_cast %get3A_433 : vector<1x16xf32> to vector<16xf32>
        %add3A_435 = arith.addf %add3A_412, %get3A_434 : vector<16xf32>
        %get3A_436 = arith.index_cast %add3A_425 : i32 to index
        %get3A_437 = arith.constant 32 : index
        %get3A_438 = tpu.vector_load %arg9[%get3A_436, %get3A_437] {strides = array<i32>} : memref<800x64xf32, #tpu.memory_space<vmem>>, vector<1x16xf32>,
        %get3A_439 = vector.shape_cast %get3A_438 : vector<1x16xf32> to vector<16xf32>
        %add3A_440 = arith.addf %add3A_417, %get3A_439 : vector<16xf32>
        %get3A_441 = arith.index_cast %add3A_425 : i32 to index
        %get3A_442 = arith.constant 48 : index
        %get3A_443 = tpu.vector_load %arg9[%get3A_441, %get3A_442] {strides = array<i32>} : memref<800x64xf32, #tpu.memory_space<vmem>>, vector<1x16xf32>,
        %get3A_444 = vector.shape_cast %get3A_443 : vector<1x16xf32> to vector<16xf32>
        %add3A_445 = arith.addf %add3A_422, %get3A_444 : vector<16xf32>
        scf.yield %add3A_430, %add3A_435, %add3A_440, %add3A_445 : vector<16xf32>, vector<16xf32>, vector<16xf32>, vector<16xf32>
      }
      %scan3A_304 = arith.constant 50 : i32
      %div3A = arith.divf %scan3A_303#0, %broadcast_in_dim3A : vector<16xf32>
      %swap3A_305 = arith.index_cast %scan3A_291 : i32 to index
      %swap3A_306 = arith.constant 0 : index
      %swap3A_307 = tpu.vector_load %arg13[%swap3A_305, %swap3A_306] {strides = array<i32>} : memref<16x64xf32, #tpu.memory_space<vmem>>, vector<1x16xf32>,
      %swap3A_308 = vector.shape_cast %swap3A_307 : vector<1x16xf32> to vector<16xf32>
      %swap3A_309 = vector.shape_cast %div3A : vector<16xf32> to vector<1x16xf32>
      tpu.vector_store %arg13[%swap3A_305, %swap3A_306], %swap3A_309 {strides = array<i32>} : memref<16x64xf32, #tpu.memory_space<vmem>>, vector<1x16xf32>,
      %div3A_310 = arith.divf %scan3A_303#1, %broadcast_in_dim3A : vector<16xf32>
      %swap3A_311 = arith.index_cast %scan3A_291 : i32 to index
      %swap3A_312 = arith.constant 16 : index
      %swap3A_313 = tpu.vector_load %arg13[%swap3A_311, %swap3A_312] {strides = array<i32>} : memref<16x64xf32, #tpu.memory_space<vmem>>, vector<1x16xf32>,
      %swap3A_314 = vector.shape_cast %swap3A_313 : vector<1x16xf32> to vector<16xf32>
      %swap3A_315 = vector.shape_cast %div3A_310 : vector<16xf32> to vector<1x16xf32>
      tpu.vector_store %arg13[%swap3A_311, %swap3A_312], %swap3A_315 {strides = array<i32>} : memref<16x64xf32, #tpu.memory_space<vmem>>, vector<1x16xf32>,
      %div3A_316 = arith.divf %scan3A_303#2, %broadcast_in_dim3A : vector<16xf32>
      %swap3A_317 = arith.index_cast %scan3A_291 : i32 to index
      %swap3A_318 = arith.constant 32 : index
      %swap3A_319 = tpu.vector_load %arg13[%swap3A_317, %swap3A_318] {strides = array<i32>} : memref<16x64xf32, #tpu.memory_space<vmem>>, vector<1x16xf32>,
      %swap3A_320 = vector.shape_cast %swap3A_319 : vector<1x16xf32> to vector<16xf32>
      %swap3A_321 = vector.shape_cast %div3A_316 : vector<16xf32> to vector<1x16xf32>
      tpu.vector_store %arg13[%swap3A_317, %swap3A_318], %swap3A_321 {strides = array<i32>} : memref<16x64xf32, #tpu.memory_space<vmem>>, vector<1x16xf32>,
      %div3A_322 = arith.divf %scan3A_303#3, %broadcast_in_dim3A : vector<16xf32>
      %swap3A_323 = arith.index_cast %scan3A_291 : i32 to index
      %swap3A_324 = arith.constant 48 : index
      %swap3A_325 = tpu.vector_load %arg13[%swap3A_323, %swap3A_324] {strides = array<i32>} : memref<16x64xf32, #tpu.memory_space<vmem>>, vector<1x16xf32>,
      %swap3A_326 = vector.shape_cast %swap3A_325 : vector<1x16xf32> to vector<16xf32>
      %swap3A_327 = vector.shape_cast %div3A_322 : vector<16xf32> to vector<1x16xf32>
      tpu.vector_store %arg13[%swap3A_323, %swap3A_324], %swap3A_327 {strides = array<i32>} : memref<16x64xf32, #tpu.memory_space<vmem>>, vector<1x16xf32>,
    }
    %scan3A_73 = arith.constant 16 : i32
    %mul3A_74 = arith.constant 128 : i32
    %mul3A_75 = arith.muli %add3A, %mul3A_74 : i32
    %add3A_76 = arith.constant 16 : i32
    %add3A_77 = arith.addi %mul3A_75, %add3A_76 : i32
    "tpu.region"() ({
      %run_scoped3A = tpu.sem_alloc : memref<!tpu.dma_semaphore, #tpu.memory_space<semaphore_mem>>
      %dma_start3A_291 = arith.constant 0 : i32
      %dma_start3A_292 = tpu.memref_slice %arg5[%add3A_77, %dma_start3A_291] : memref<4096x64xf32, #tpu.memory_space<hbm>> -> memref<16x64xf32, #tpu.memory_space<hbm>>
      %dma_start3A_293 = arith.constant 0 : i32
      %dma_start3A_294 = tpu.memref_slice %arg5[%add3A_77, %dma_start3A_293] : memref<4096x64xf32, #tpu.memory_space<hbm>> -> memref<16x64xf32, #tpu.memory_space<hbm>>
      tpu.enqueue_dma source(%arg13 : memref<16x64xf32, #tpu.memory_space<vmem>>) target(%dma_start3A_294 : memref<16x64xf32, #tpu.memory_space<hbm>>) target_semaphore(%run_scoped3A : memref<!tpu.dma_semaphore, #tpu.memory_space<semaphore_mem>>)
      %dma_wait3A_295 = arith.constant 0 : i32
      %dma_wait3A_296 = tpu.memref_slice %arg5[%add3A_77, %dma_wait3A_295] : memref<4096x64xf32, #tpu.memory_space<hbm>> -> memref<16x64xf32, #tpu.memory_space<hbm>>
      %dma_wait3A_297 = arith.constant 0 : i32
      %dma_wait3A_298 = tpu.memref_slice %arg5[%add3A_77, %dma_wait3A_297] : memref<4096x64xf32, #tpu.memory_space<hbm>> -> memref<16x64xf32, #tpu.memory_space<hbm>>
      tpu.wait_dma2 semaphore(%run_scoped3A : memref<!tpu.dma_semaphore, #tpu.memory_space<semaphore_mem>>) src(%arg13 : memref<16x64xf32, #tpu.memory_space<vmem>>) dst(%dma_wait3A_298 : memref<16x64xf32, #tpu.memory_space<hbm>>)
      tpu.yield
    }) : () -> ()
    %mul3A_78 = arith.constant 128 : i32
    %mul3A_79 = arith.muli %add3A, %mul3A_78 : i32
    %add3A_80 = arith.constant 48 : i32
    %add3A_81 = arith.addi %mul3A_79, %add3A_80 : i32
    %mul3A_82 = arith.constant 50 : i32
    %mul3A_83 = arith.muli %add3A_81, %mul3A_82 : i32
    "tpu.region"() ({
      %run_scoped3A = tpu.sem_alloc : memref<!tpu.dma_semaphore, #tpu.memory_space<semaphore_mem>>
      %dma_start3A_291 = tpu.memref_slice %arg3[%mul3A_83] : memref<204800xi32, #tpu.memory_space<hbm>> -> memref<800xi32, #tpu.memory_space<hbm>>
      %dma_start3A_292 = tpu.memref_slice %arg3[%mul3A_83] : memref<204800xi32, #tpu.memory_space<hbm>> -> memref<800xi32, #tpu.memory_space<hbm>>
      tpu.enqueue_dma source(%dma_start3A_292 : memref<800xi32, #tpu.memory_space<hbm>>) target(%arg7 : memref<800xi32, #tpu.memory_space<vmem>>) target_semaphore(%run_scoped3A : memref<!tpu.dma_semaphore, #tpu.memory_space<semaphore_mem>>)
      %dma_wait3A_293 = tpu.memref_slice %arg3[%mul3A_83] : memref<204800xi32, #tpu.memory_space<hbm>> -> memref<800xi32, #tpu.memory_space<hbm>>
      %dma_wait3A_294 = tpu.memref_slice %arg3[%mul3A_83] : memref<204800xi32, #tpu.memory_space<hbm>> -> memref<800xi32, #tpu.memory_space<hbm>>
      tpu.wait_dma2 semaphore(%run_scoped3A : memref<!tpu.dma_semaphore, #tpu.memory_space<semaphore_mem>>) src(%dma_wait3A_294 : memref<800xi32, #tpu.memory_space<hbm>>) dst(%arg7 : memref<800xi32, #tpu.memory_space<vmem>>)
      tpu.yield
    }) : () -> ()
    "tpu.region"() ({
      %run_scoped3A = tpu.sem_alloc : memref<!tpu.dma_semaphore, #tpu.memory_space<semaphore_mem>>
      %dma_start3A_291 = tpu.memref_slice %arg4[%add3A_81] : memref<4096xi32, #tpu.memory_space<hbm>> -> memref<16xi32, #tpu.memory_space<hbm>>
      %dma_start3A_292 = tpu.memref_slice %arg4[%add3A_81] : memref<4096xi32, #tpu.memory_space<hbm>> -> memref<16xi32, #tpu.memory_space<hbm>>
      tpu.enqueue_dma source(%dma_start3A_292 : memref<16xi32, #tpu.memory_space<hbm>>) target(%arg11 : memref<16xi32, #tpu.memory_space<vmem>>) target_semaphore(%run_scoped3A : memref<!tpu.dma_semaphore, #tpu.memory_space<semaphore_mem>>)
      %dma_wait3A_293 = tpu.memref_slice %arg4[%add3A_81] : memref<4096xi32, #tpu.memory_space<hbm>> -> memref<16xi32, #tpu.memory_space<hbm>>
      %dma_wait3A_294 = tpu.memref_slice %arg4[%add3A_81] : memref<4096xi32, #tpu.memory_space<hbm>> -> memref<16xi32, #tpu.memory_space<hbm>>
      tpu.wait_dma2 semaphore(%run_scoped3A : memref<!tpu.dma_semaphore, #tpu.memory_space<semaphore_mem>>) src(%dma_wait3A_294 : memref<16xi32, #tpu.memory_space<hbm>>) dst(%arg11 : memref<16xi32, #tpu.memory_space<vmem>>)
      tpu.yield
    }) : () -> ()
    %dma_start3A_84 = arith.constant 0 : i32
    %dma_start3A_85 = arith.constant 0 : i32
    %dma_start3A_86 = tpu.memref_slice %arg2[%dma_start3A_84, %dma_start3A_85] : memref<100000x64xf32, #tpu.memory_space<hbm>> -> memref<100000x64xf32, #tpu.memory_space<hbm>>
    tpu.enqueue_indirect_dma source(%dma_start3A_86 : memref<100000x64xf32, #tpu.memory_space<hbm>>) target(%arg9 : memref<800x64xf32, #tpu.memory_space<vmem>>) offsets(%arg7 : memref<800xi32, #tpu.memory_space<vmem>>) semaphore(%arg15 : memref<!tpu.dma_semaphore, #tpu.memory_space<semaphore_mem>>)
    %dma_wait3A_87 = arith.constant 0 : i32
    %dma_wait3A_88 = arith.constant 0 : i32
    %dma_wait3A_89 = tpu.memref_slice %arg2[%dma_wait3A_87, %dma_wait3A_88] : memref<100000x64xf32, #tpu.memory_space<hbm>> -> memref<100000x64xf32, #tpu.memory_space<hbm>>
    tpu.wait_indirect_dma semaphore(%arg14 : memref<!tpu.dma_semaphore, #tpu.memory_space<semaphore_mem>>) src(%dma_wait3A_89 : memref<100000x64xf32, #tpu.memory_space<hbm>>) dst(%arg8 : memref<800x64xf32, #tpu.memory_space<vmem>>)
    %get3A_90 = arith.constant 0 : index
    %get3A_91 = tpu.vector_load %arg10[%get3A_90] {strides = array<i32>} : memref<16xi32, #tpu.memory_space<vmem>>, vector<16xi32>,
    %get3A_92 = vector.shape_cast %get3A_91 : vector<16xi32> to vector<16xi32>
    %convert_element_type3A_93 = arith.sitofp %get3A_92 : vector<16xi32> to vector<16xf32>
    %add3A_94 = arith.constant 9.99999996E-13 : f32
    %add3A_95 = vector.broadcast %add3A_94 : f32 to vector<16xf32>
    %add3A_96 = arith.addf %convert_element_type3A_93, %add3A_95 : vector<16xf32>
    %swap3A_97 = arith.constant 0 : index
    %swap3A_98 = tpu.vector_load %arg12[%swap3A_97] {strides = array<i32>} : memref<32xf32, #tpu.memory_space<vmem>>, vector<16xf32>,
    %swap3A_99 = vector.shape_cast %swap3A_98 : vector<16xf32> to vector<16xf32>
    %swap3A_100 = vector.shape_cast %add3A_96 : vector<16xf32> to vector<16xf32>
    tpu.vector_store %arg12[%swap3A_97], %swap3A_100 {strides = array<i32>} : memref<32xf32, #tpu.memory_space<vmem>>, vector<16xf32>,
    %swap3A_101 = arith.constant 16 : index
    %swap3A_102 = tpu.vector_load %arg12[%swap3A_101] {strides = array<i32>} : memref<32xf32, #tpu.memory_space<vmem>>, vector<16xf32>,
    %swap3A_103 = vector.shape_cast %swap3A_102 : vector<16xf32> to vector<16xf32>
    %swap3A_104 = vector.shape_cast %add3A_96 : vector<16xf32> to vector<16xf32>
    tpu.vector_store %arg12[%swap3A_101], %swap3A_104 {strides = array<i32>} : memref<32xf32, #tpu.memory_space<vmem>>, vector<16xf32>,
    %scan3A_105 = arith.constant 0 : i32
    %scan3A_106 = arith.constant 0 : i32
    %scan3A_107 = arith.constant 16 : i32
    %scan3A_108 = arith.addi %scan3A_106, %scan3A_107 : i32
    %scan3A_109 = arith.constant 1 : i32
    scf.for %scan3A_291 = %scan3A_106 to %scan3A_108 step %scan3A_109  : i32 {
      %get3A_292 = arith.index_cast %scan3A_291 : i32 to index
      %get3A_293 = tpu.vector_load %arg12[%get3A_292] {strides = array<i32>} : memref<32xf32, #tpu.memory_space<vmem>>, vector<16xf32>,
      %get3A_294 = vector.shape_cast %get3A_293 : vector<16xf32> to vector<16xf32>
      %slice3A = vector.extract_strided_slice %get3A_294 {offsets = [0], sizes = [1], strides = [1]} : vector<16xf32> to vector<1xf32>
      %squeeze3A = vector.extract %slice3A[0] : f32 from vector<1xf32>
      %broadcast_in_dim3A = vector.broadcast %squeeze3A : f32 to vector<16xf32>
      %mul3A_295 = arith.constant 50 : i32
      %mul3A_296 = arith.muli %scan3A_291, %mul3A_295 : i32
      %broadcast_in_dim3A_297 = arith.constant 0.000000e+00 : f32
      %broadcast_in_dim3A_298 = vector.broadcast %broadcast_in_dim3A_297 : f32 to vector<16xf32>
      %scan3A_299 = arith.constant 0 : i32
      %scan3A_300 = arith.constant 50 : i32
      %scan3A_301 = arith.addi %scan3A_299, %scan3A_300 : i32
      %scan3A_302 = arith.constant 5 : i32
      %scan3A_303:4 = scf.for %scan3A_328 = %scan3A_299 to %scan3A_301 step %scan3A_302 iter_args(%scan3A_329 = %broadcast_in_dim3A_298, %scan3A_330 = %broadcast_in_dim3A_298, %scan3A_331 = %broadcast_in_dim3A_298, %scan3A_332 = %broadcast_in_dim3A_298) -> (vector<16xf32>, vector<16xf32>, vector<16xf32>, vector<16xf32>)  : i32 {
        %add3A_333 = arith.addi %mul3A_296, %scan3A_328 : i32
        %get3A_334 = arith.index_cast %add3A_333 : i32 to index
        %get3A_335 = arith.constant 0 : index
        %get3A_336 = tpu.vector_load %arg8[%get3A_334, %get3A_335] {strides = array<i32>} : memref<800x64xf32, #tpu.memory_space<vmem>>, vector<1x16xf32>,
        %get3A_337 = vector.shape_cast %get3A_336 : vector<1x16xf32> to vector<16xf32>
        %add3A_338 = arith.addf %scan3A_329, %get3A_337 : vector<16xf32>
        %get3A_339 = arith.index_cast %add3A_333 : i32 to index
        %get3A_340 = arith.constant 16 : index
        %get3A_341 = tpu.vector_load %arg8[%get3A_339, %get3A_340] {strides = array<i32>} : memref<800x64xf32, #tpu.memory_space<vmem>>, vector<1x16xf32>,
        %get3A_342 = vector.shape_cast %get3A_341 : vector<1x16xf32> to vector<16xf32>
        %add3A_343 = arith.addf %scan3A_330, %get3A_342 : vector<16xf32>
        %get3A_344 = arith.index_cast %add3A_333 : i32 to index
        %get3A_345 = arith.constant 32 : index
        %get3A_346 = tpu.vector_load %arg8[%get3A_344, %get3A_345] {strides = array<i32>} : memref<800x64xf32, #tpu.memory_space<vmem>>, vector<1x16xf32>,
        %get3A_347 = vector.shape_cast %get3A_346 : vector<1x16xf32> to vector<16xf32>
        %add3A_348 = arith.addf %scan3A_331, %get3A_347 : vector<16xf32>
        %get3A_349 = arith.index_cast %add3A_333 : i32 to index
        %get3A_350 = arith.constant 48 : index
        %get3A_351 = tpu.vector_load %arg8[%get3A_349, %get3A_350] {strides = array<i32>} : memref<800x64xf32, #tpu.memory_space<vmem>>, vector<1x16xf32>,
        %get3A_352 = vector.shape_cast %get3A_351 : vector<1x16xf32> to vector<16xf32>
        %add3A_353 = arith.addf %scan3A_332, %get3A_352 : vector<16xf32>
        %scan3A_354 = arith.constant 1 : i32
        %scan3A_355 = arith.addi %scan3A_328, %scan3A_354 : i32
        %add3A_356 = arith.addi %mul3A_296, %scan3A_355 : i32
        %get3A_357 = arith.index_cast %add3A_356 : i32 to index
        %get3A_358 = arith.constant 0 : index
        %get3A_359 = tpu.vector_load %arg8[%get3A_357, %get3A_358] {strides = array<i32>} : memref<800x64xf32, #tpu.memory_space<vmem>>, vector<1x16xf32>,
        %get3A_360 = vector.shape_cast %get3A_359 : vector<1x16xf32> to vector<16xf32>
        %add3A_361 = arith.addf %add3A_338, %get3A_360 : vector<16xf32>
        %get3A_362 = arith.index_cast %add3A_356 : i32 to index
        %get3A_363 = arith.constant 16 : index
        %get3A_364 = tpu.vector_load %arg8[%get3A_362, %get3A_363] {strides = array<i32>} : memref<800x64xf32, #tpu.memory_space<vmem>>, vector<1x16xf32>,
        %get3A_365 = vector.shape_cast %get3A_364 : vector<1x16xf32> to vector<16xf32>
        %add3A_366 = arith.addf %add3A_343, %get3A_365 : vector<16xf32>
        %get3A_367 = arith.index_cast %add3A_356 : i32 to index
        %get3A_368 = arith.constant 32 : index
        %get3A_369 = tpu.vector_load %arg8[%get3A_367, %get3A_368] {strides = array<i32>} : memref<800x64xf32, #tpu.memory_space<vmem>>, vector<1x16xf32>,
        %get3A_370 = vector.shape_cast %get3A_369 : vector<1x16xf32> to vector<16xf32>
        %add3A_371 = arith.addf %add3A_348, %get3A_370 : vector<16xf32>
        %get3A_372 = arith.index_cast %add3A_356 : i32 to index
        %get3A_373 = arith.constant 48 : index
        %get3A_374 = tpu.vector_load %arg8[%get3A_372, %get3A_373] {strides = array<i32>} : memref<800x64xf32, #tpu.memory_space<vmem>>, vector<1x16xf32>,
        %get3A_375 = vector.shape_cast %get3A_374 : vector<1x16xf32> to vector<16xf32>
        %add3A_376 = arith.addf %add3A_353, %get3A_375 : vector<16xf32>
        %scan3A_377 = arith.constant 2 : i32
        %scan3A_378 = arith.addi %scan3A_328, %scan3A_377 : i32
        %add3A_379 = arith.addi %mul3A_296, %scan3A_378 : i32
        %get3A_380 = arith.index_cast %add3A_379 : i32 to index
        %get3A_381 = arith.constant 0 : index
        %get3A_382 = tpu.vector_load %arg8[%get3A_380, %get3A_381] {strides = array<i32>} : memref<800x64xf32, #tpu.memory_space<vmem>>, vector<1x16xf32>,
        %get3A_383 = vector.shape_cast %get3A_382 : vector<1x16xf32> to vector<16xf32>
        %add3A_384 = arith.addf %add3A_361, %get3A_383 : vector<16xf32>
        %get3A_385 = arith.index_cast %add3A_379 : i32 to index
        %get3A_386 = arith.constant 16 : index
        %get3A_387 = tpu.vector_load %arg8[%get3A_385, %get3A_386] {strides = array<i32>} : memref<800x64xf32, #tpu.memory_space<vmem>>, vector<1x16xf32>,
        %get3A_388 = vector.shape_cast %get3A_387 : vector<1x16xf32> to vector<16xf32>
        %add3A_389 = arith.addf %add3A_366, %get3A_388 : vector<16xf32>
        %get3A_390 = arith.index_cast %add3A_379 : i32 to index
        %get3A_391 = arith.constant 32 : index
        %get3A_392 = tpu.vector_load %arg8[%get3A_390, %get3A_391] {strides = array<i32>} : memref<800x64xf32, #tpu.memory_space<vmem>>, vector<1x16xf32>,
        %get3A_393 = vector.shape_cast %get3A_392 : vector<1x16xf32> to vector<16xf32>
        %add3A_394 = arith.addf %add3A_371, %get3A_393 : vector<16xf32>
        %get3A_395 = arith.index_cast %add3A_379 : i32 to index
        %get3A_396 = arith.constant 48 : index
        %get3A_397 = tpu.vector_load %arg8[%get3A_395, %get3A_396] {strides = array<i32>} : memref<800x64xf32, #tpu.memory_space<vmem>>, vector<1x16xf32>,
        %get3A_398 = vector.shape_cast %get3A_397 : vector<1x16xf32> to vector<16xf32>
        %add3A_399 = arith.addf %add3A_376, %get3A_398 : vector<16xf32>
        %scan3A_400 = arith.constant 3 : i32
        %scan3A_401 = arith.addi %scan3A_328, %scan3A_400 : i32
        %add3A_402 = arith.addi %mul3A_296, %scan3A_401 : i32
        %get3A_403 = arith.index_cast %add3A_402 : i32 to index
        %get3A_404 = arith.constant 0 : index
        %get3A_405 = tpu.vector_load %arg8[%get3A_403, %get3A_404] {strides = array<i32>} : memref<800x64xf32, #tpu.memory_space<vmem>>, vector<1x16xf32>,
        %get3A_406 = vector.shape_cast %get3A_405 : vector<1x16xf32> to vector<16xf32>
        %add3A_407 = arith.addf %add3A_384, %get3A_406 : vector<16xf32>
        %get3A_408 = arith.index_cast %add3A_402 : i32 to index
        %get3A_409 = arith.constant 16 : index
        %get3A_410 = tpu.vector_load %arg8[%get3A_408, %get3A_409] {strides = array<i32>} : memref<800x64xf32, #tpu.memory_space<vmem>>, vector<1x16xf32>,
        %get3A_411 = vector.shape_cast %get3A_410 : vector<1x16xf32> to vector<16xf32>
        %add3A_412 = arith.addf %add3A_389, %get3A_411 : vector<16xf32>
        %get3A_413 = arith.index_cast %add3A_402 : i32 to index
        %get3A_414 = arith.constant 32 : index
        %get3A_415 = tpu.vector_load %arg8[%get3A_413, %get3A_414] {strides = array<i32>} : memref<800x64xf32, #tpu.memory_space<vmem>>, vector<1x16xf32>,
        %get3A_416 = vector.shape_cast %get3A_415 : vector<1x16xf32> to vector<16xf32>
        %add3A_417 = arith.addf %add3A_394, %get3A_416 : vector<16xf32>
        %get3A_418 = arith.index_cast %add3A_402 : i32 to index
        %get3A_419 = arith.constant 48 : index
        %get3A_420 = tpu.vector_load %arg8[%get3A_418, %get3A_419] {strides = array<i32>} : memref<800x64xf32, #tpu.memory_space<vmem>>, vector<1x16xf32>,
        %get3A_421 = vector.shape_cast %get3A_420 : vector<1x16xf32> to vector<16xf32>
        %add3A_422 = arith.addf %add3A_399, %get3A_421 : vector<16xf32>
        %scan3A_423 = arith.constant 4 : i32
        %scan3A_424 = arith.addi %scan3A_328, %scan3A_423 : i32
        %add3A_425 = arith.addi %mul3A_296, %scan3A_424 : i32
        %get3A_426 = arith.index_cast %add3A_425 : i32 to index
        %get3A_427 = arith.constant 0 : index
        %get3A_428 = tpu.vector_load %arg8[%get3A_426, %get3A_427] {strides = array<i32>} : memref<800x64xf32, #tpu.memory_space<vmem>>, vector<1x16xf32>,
        %get3A_429 = vector.shape_cast %get3A_428 : vector<1x16xf32> to vector<16xf32>
        %add3A_430 = arith.addf %add3A_407, %get3A_429 : vector<16xf32>
        %get3A_431 = arith.index_cast %add3A_425 : i32 to index
        %get3A_432 = arith.constant 16 : index
        %get3A_433 = tpu.vector_load %arg8[%get3A_431, %get3A_432] {strides = array<i32>} : memref<800x64xf32, #tpu.memory_space<vmem>>, vector<1x16xf32>,
        %get3A_434 = vector.shape_cast %get3A_433 : vector<1x16xf32> to vector<16xf32>
        %add3A_435 = arith.addf %add3A_412, %get3A_434 : vector<16xf32>
        %get3A_436 = arith.index_cast %add3A_425 : i32 to index
        %get3A_437 = arith.constant 32 : index
        %get3A_438 = tpu.vector_load %arg8[%get3A_436, %get3A_437] {strides = array<i32>} : memref<800x64xf32, #tpu.memory_space<vmem>>, vector<1x16xf32>,
        %get3A_439 = vector.shape_cast %get3A_438 : vector<1x16xf32> to vector<16xf32>
        %add3A_440 = arith.addf %add3A_417, %get3A_439 : vector<16xf32>
        %get3A_441 = arith.index_cast %add3A_425 : i32 to index
        %get3A_442 = arith.constant 48 : index
        %get3A_443 = tpu.vector_load %arg8[%get3A_441, %get3A_442] {strides = array<i32>} : memref<800x64xf32, #tpu.memory_space<vmem>>, vector<1x16xf32>,
        %get3A_444 = vector.shape_cast %get3A_443 : vector<1x16xf32> to vector<16xf32>
        %add3A_445 = arith.addf %add3A_422, %get3A_444 : vector<16xf32>
        scf.yield %add3A_430, %add3A_435, %add3A_440, %add3A_445 : vector<16xf32>, vector<16xf32>, vector<16xf32>, vector<16xf32>
      }
      %scan3A_304 = arith.constant 50 : i32
      %div3A = arith.divf %scan3A_303#0, %broadcast_in_dim3A : vector<16xf32>
      %swap3A_305 = arith.index_cast %scan3A_291 : i32 to index
      %swap3A_306 = arith.constant 0 : index
      %swap3A_307 = tpu.vector_load %arg13[%swap3A_305, %swap3A_306] {strides = array<i32>} : memref<16x64xf32, #tpu.memory_space<vmem>>, vector<1x16xf32>,
      %swap3A_308 = vector.shape_cast %swap3A_307 : vector<1x16xf32> to vector<16xf32>
      %swap3A_309 = vector.shape_cast %div3A : vector<16xf32> to vector<1x16xf32>
      tpu.vector_store %arg13[%swap3A_305, %swap3A_306], %swap3A_309 {strides = array<i32>} : memref<16x64xf32, #tpu.memory_space<vmem>>, vector<1x16xf32>,
      %div3A_310 = arith.divf %scan3A_303#1, %broadcast_in_dim3A : vector<16xf32>
      %swap3A_311 = arith.index_cast %scan3A_291 : i32 to index
      %swap3A_312 = arith.constant 16 : index
      %swap3A_313 = tpu.vector_load %arg13[%swap3A_311, %swap3A_312] {strides = array<i32>} : memref<16x64xf32, #tpu.memory_space<vmem>>, vector<1x16xf32>,
      %swap3A_314 = vector.shape_cast %swap3A_313 : vector<1x16xf32> to vector<16xf32>
      %swap3A_315 = vector.shape_cast %div3A_310 : vector<16xf32> to vector<1x16xf32>
      tpu.vector_store %arg13[%swap3A_311, %swap3A_312], %swap3A_315 {strides = array<i32>} : memref<16x64xf32, #tpu.memory_space<vmem>>, vector<1x16xf32>,
      %div3A_316 = arith.divf %scan3A_303#2, %broadcast_in_dim3A : vector<16xf32>
      %swap3A_317 = arith.index_cast %scan3A_291 : i32 to index
      %swap3A_318 = arith.constant 32 : index
      %swap3A_319 = tpu.vector_load %arg13[%swap3A_317, %swap3A_318] {strides = array<i32>} : memref<16x64xf32, #tpu.memory_space<vmem>>, vector<1x16xf32>,
      %swap3A_320 = vector.shape_cast %swap3A_319 : vector<1x16xf32> to vector<16xf32>
      %swap3A_321 = vector.shape_cast %div3A_316 : vector<16xf32> to vector<1x16xf32>
      tpu.vector_store %arg13[%swap3A_317, %swap3A_318], %swap3A_321 {strides = array<i32>} : memref<16x64xf32, #tpu.memory_space<vmem>>, vector<1x16xf32>,
      %div3A_322 = arith.divf %scan3A_303#3, %broadcast_in_dim3A : vector<16xf32>
      %swap3A_323 = arith.index_cast %scan3A_291 : i32 to index
      %swap3A_324 = arith.constant 48 : index
      %swap3A_325 = tpu.vector_load %arg13[%swap3A_323, %swap3A_324] {strides = array<i32>} : memref<16x64xf32, #tpu.memory_space<vmem>>, vector<1x16xf32>,
      %swap3A_326 = vector.shape_cast %swap3A_325 : vector<1x16xf32> to vector<16xf32>
      %swap3A_327 = vector.shape_cast %div3A_322 : vector<16xf32> to vector<1x16xf32>
      tpu.vector_store %arg13[%swap3A_323, %swap3A_324], %swap3A_327 {strides = array<i32>} : memref<16x64xf32, #tpu.memory_space<vmem>>, vector<1x16xf32>,
    }
    %scan3A_110 = arith.constant 16 : i32
    %mul3A_111 = arith.constant 128 : i32
    %mul3A_112 = arith.muli %add3A, %mul3A_111 : i32
    %add3A_113 = arith.constant 32 : i32
    %add3A_114 = arith.addi %mul3A_112, %add3A_113 : i32
    "tpu.region"() ({
      %run_scoped3A = tpu.sem_alloc : memref<!tpu.dma_semaphore, #tpu.memory_space<semaphore_mem>>
      %dma_start3A_291 = arith.constant 0 : i32
      %dma_start3A_292 = tpu.memref_slice %arg5[%add3A_114, %dma_start3A_291] : memref<4096x64xf32, #tpu.memory_space<hbm>> -> memref<16x64xf32, #tpu.memory_space<hbm>>
      %dma_start3A_293 = arith.constant 0 : i32
      %dma_start3A_294 = tpu.memref_slice %arg5[%add3A_114, %dma_start3A_293] : memref<4096x64xf32, #tpu.memory_space<hbm>> -> memref<16x64xf32, #tpu.memory_space<hbm>>
      tpu.enqueue_dma source(%arg13 : memref<16x64xf32, #tpu.memory_space<vmem>>) target(%dma_start3A_294 : memref<16x64xf32, #tpu.memory_space<hbm>>) target_semaphore(%run_scoped3A : memref<!tpu.dma_semaphore, #tpu.memory_space<semaphore_mem>>)
      %dma_wait3A_295 = arith.constant 0 : i32
      %dma_wait3A_296 = tpu.memref_slice %arg5[%add3A_114, %dma_wait3A_295] : memref<4096x64xf32, #tpu.memory_space<hbm>> -> memref<16x64xf32, #tpu.memory_space<hbm>>
      %dma_wait3A_297 = arith.constant 0 : i32
      %dma_wait3A_298 = tpu.memref_slice %arg5[%add3A_114, %dma_wait3A_297] : memref<4096x64xf32, #tpu.memory_space<hbm>> -> memref<16x64xf32, #tpu.memory_space<hbm>>
      tpu.wait_dma2 semaphore(%run_scoped3A : memref<!tpu.dma_semaphore, #tpu.memory_space<semaphore_mem>>) src(%arg13 : memref<16x64xf32, #tpu.memory_space<vmem>>) dst(%dma_wait3A_298 : memref<16x64xf32, #tpu.memory_space<hbm>>)
      tpu.yield
    }) : () -> ()
    %mul3A_115 = arith.constant 128 : i32
    %mul3A_116 = arith.muli %add3A, %mul3A_115 : i32
    %add3A_117 = arith.constant 64 : i32
    %add3A_118 = arith.addi %mul3A_116, %add3A_117 : i32
    %mul3A_119 = arith.constant 50 : i32
    %mul3A_120 = arith.muli %add3A_118, %mul3A_119 : i32
    "tpu.region"() ({
      %run_scoped3A = tpu.sem_alloc : memref<!tpu.dma_semaphore, #tpu.memory_space<semaphore_mem>>
      %dma_start3A_291 = tpu.memref_slice %arg3[%mul3A_120] : memref<204800xi32, #tpu.memory_space<hbm>> -> memref<800xi32, #tpu.memory_space<hbm>>
      %dma_start3A_292 = tpu.memref_slice %arg3[%mul3A_120] : memref<204800xi32, #tpu.memory_space<hbm>> -> memref<800xi32, #tpu.memory_space<hbm>>
      tpu.enqueue_dma source(%dma_start3A_292 : memref<800xi32, #tpu.memory_space<hbm>>) target(%arg6 : memref<800xi32, #tpu.memory_space<vmem>>) target_semaphore(%run_scoped3A : memref<!tpu.dma_semaphore, #tpu.memory_space<semaphore_mem>>)
      %dma_wait3A_293 = tpu.memref_slice %arg3[%mul3A_120] : memref<204800xi32, #tpu.memory_space<hbm>> -> memref<800xi32, #tpu.memory_space<hbm>>
      %dma_wait3A_294 = tpu.memref_slice %arg3[%mul3A_120] : memref<204800xi32, #tpu.memory_space<hbm>> -> memref<800xi32, #tpu.memory_space<hbm>>
      tpu.wait_dma2 semaphore(%run_scoped3A : memref<!tpu.dma_semaphore, #tpu.memory_space<semaphore_mem>>) src(%dma_wait3A_294 : memref<800xi32, #tpu.memory_space<hbm>>) dst(%arg6 : memref<800xi32, #tpu.memory_space<vmem>>)
      tpu.yield
    }) : () -> ()
    "tpu.region"() ({
      %run_scoped3A = tpu.sem_alloc : memref<!tpu.dma_semaphore, #tpu.memory_space<semaphore_mem>>
      %dma_start3A_291 = tpu.memref_slice %arg4[%add3A_118] : memref<4096xi32, #tpu.memory_space<hbm>> -> memref<16xi32, #tpu.memory_space<hbm>>
      %dma_start3A_292 = tpu.memref_slice %arg4[%add3A_118] : memref<4096xi32, #tpu.memory_space<hbm>> -> memref<16xi32, #tpu.memory_space<hbm>>
      tpu.enqueue_dma source(%dma_start3A_292 : memref<16xi32, #tpu.memory_space<hbm>>) target(%arg10 : memref<16xi32, #tpu.memory_space<vmem>>) target_semaphore(%run_scoped3A : memref<!tpu.dma_semaphore, #tpu.memory_space<semaphore_mem>>)
      %dma_wait3A_293 = tpu.memref_slice %arg4[%add3A_118] : memref<4096xi32, #tpu.memory_space<hbm>> -> memref<16xi32, #tpu.memory_space<hbm>>
      %dma_wait3A_294 = tpu.memref_slice %arg4[%add3A_118] : memref<4096xi32, #tpu.memory_space<hbm>> -> memref<16xi32, #tpu.memory_space<hbm>>
      tpu.wait_dma2 semaphore(%run_scoped3A : memref<!tpu.dma_semaphore, #tpu.memory_space<semaphore_mem>>) src(%dma_wait3A_294 : memref<16xi32, #tpu.memory_space<hbm>>) dst(%arg10 : memref<16xi32, #tpu.memory_space<vmem>>)
      tpu.yield
    }) : () -> ()
    %dma_start3A_121 = arith.constant 0 : i32
    %dma_start3A_122 = arith.constant 0 : i32
    %dma_start3A_123 = tpu.memref_slice %arg2[%dma_start3A_121, %dma_start3A_122] : memref<100000x64xf32, #tpu.memory_space<hbm>> -> memref<100000x64xf32, #tpu.memory_space<hbm>>
    tpu.enqueue_indirect_dma source(%dma_start3A_123 : memref<100000x64xf32, #tpu.memory_space<hbm>>) target(%arg8 : memref<800x64xf32, #tpu.memory_space<vmem>>) offsets(%arg6 : memref<800xi32, #tpu.memory_space<vmem>>) semaphore(%arg14 : memref<!tpu.dma_semaphore, #tpu.memory_space<semaphore_mem>>)
    %dma_wait3A_124 = arith.constant 0 : i32
    %dma_wait3A_125 = arith.constant 0 : i32
    %dma_wait3A_126 = tpu.memref_slice %arg2[%dma_wait3A_124, %dma_wait3A_125] : memref<100000x64xf32, #tpu.memory_space<hbm>> -> memref<100000x64xf32, #tpu.memory_space<hbm>>
    tpu.wait_indirect_dma semaphore(%arg15 : memref<!tpu.dma_semaphore, #tpu.memory_space<semaphore_mem>>) src(%dma_wait3A_126 : memref<100000x64xf32, #tpu.memory_space<hbm>>) dst(%arg9 : memref<800x64xf32, #tpu.memory_space<vmem>>)
    %get3A_127 = arith.constant 0 : index
    %get3A_128 = tpu.vector_load %arg11[%get3A_127] {strides = array<i32>} : memref<16xi32, #tpu.memory_space<vmem>>, vector<16xi32>,
    %get3A_129 = vector.shape_cast %get3A_128 : vector<16xi32> to vector<16xi32>
    %convert_element_type3A_130 = arith.sitofp %get3A_129 : vector<16xi32> to vector<16xf32>
    %add3A_131 = arith.constant 9.99999996E-13 : f32
    %add3A_132 = vector.broadcast %add3A_131 : f32 to vector<16xf32>
    %add3A_133 = arith.addf %convert_element_type3A_130, %add3A_132 : vector<16xf32>
    %swap3A_134 = arith.constant 0 : index
    %swap3A_135 = tpu.vector_load %arg12[%swap3A_134] {strides = array<i32>} : memref<32xf32, #tpu.memory_space<vmem>>, vector<16xf32>,
    %swap3A_136 = vector.shape_cast %swap3A_135 : vector<16xf32> to vector<16xf32>
    %swap3A_137 = vector.shape_cast %add3A_133 : vector<16xf32> to vector<16xf32>
    tpu.vector_store %arg12[%swap3A_134], %swap3A_137 {strides = array<i32>} : memref<32xf32, #tpu.memory_space<vmem>>, vector<16xf32>,
    %swap3A_138 = arith.constant 16 : index
    %swap3A_139 = tpu.vector_load %arg12[%swap3A_138] {strides = array<i32>} : memref<32xf32, #tpu.memory_space<vmem>>, vector<16xf32>,
    %swap3A_140 = vector.shape_cast %swap3A_139 : vector<16xf32> to vector<16xf32>
    %swap3A_141 = vector.shape_cast %add3A_133 : vector<16xf32> to vector<16xf32>
    tpu.vector_store %arg12[%swap3A_138], %swap3A_141 {strides = array<i32>} : memref<32xf32, #tpu.memory_space<vmem>>, vector<16xf32>,
    %scan3A_142 = arith.constant 0 : i32
    %scan3A_143 = arith.constant 0 : i32
    %scan3A_144 = arith.constant 16 : i32
    %scan3A_145 = arith.addi %scan3A_143, %scan3A_144 : i32
    %scan3A_146 = arith.constant 1 : i32
    scf.for %scan3A_291 = %scan3A_143 to %scan3A_145 step %scan3A_146  : i32 {
      %get3A_292 = arith.index_cast %scan3A_291 : i32 to index
      %get3A_293 = tpu.vector_load %arg12[%get3A_292] {strides = array<i32>} : memref<32xf32, #tpu.memory_space<vmem>>, vector<16xf32>,
      %get3A_294 = vector.shape_cast %get3A_293 : vector<16xf32> to vector<16xf32>
      %slice3A = vector.extract_strided_slice %get3A_294 {offsets = [0], sizes = [1], strides = [1]} : vector<16xf32> to vector<1xf32>
      %squeeze3A = vector.extract %slice3A[0] : f32 from vector<1xf32>
      %broadcast_in_dim3A = vector.broadcast %squeeze3A : f32 to vector<16xf32>
      %mul3A_295 = arith.constant 50 : i32
      %mul3A_296 = arith.muli %scan3A_291, %mul3A_295 : i32
      %broadcast_in_dim3A_297 = arith.constant 0.000000e+00 : f32
      %broadcast_in_dim3A_298 = vector.broadcast %broadcast_in_dim3A_297 : f32 to vector<16xf32>
      %scan3A_299 = arith.constant 0 : i32
      %scan3A_300 = arith.constant 50 : i32
      %scan3A_301 = arith.addi %scan3A_299, %scan3A_300 : i32
      %scan3A_302 = arith.constant 5 : i32
      %scan3A_303:4 = scf.for %scan3A_328 = %scan3A_299 to %scan3A_301 step %scan3A_302 iter_args(%scan3A_329 = %broadcast_in_dim3A_298, %scan3A_330 = %broadcast_in_dim3A_298, %scan3A_331 = %broadcast_in_dim3A_298, %scan3A_332 = %broadcast_in_dim3A_298) -> (vector<16xf32>, vector<16xf32>, vector<16xf32>, vector<16xf32>)  : i32 {
        %add3A_333 = arith.addi %mul3A_296, %scan3A_328 : i32
        %get3A_334 = arith.index_cast %add3A_333 : i32 to index
        %get3A_335 = arith.constant 0 : index
        %get3A_336 = tpu.vector_load %arg9[%get3A_334, %get3A_335] {strides = array<i32>} : memref<800x64xf32, #tpu.memory_space<vmem>>, vector<1x16xf32>,
        %get3A_337 = vector.shape_cast %get3A_336 : vector<1x16xf32> to vector<16xf32>
        %add3A_338 = arith.addf %scan3A_329, %get3A_337 : vector<16xf32>
        %get3A_339 = arith.index_cast %add3A_333 : i32 to index
        %get3A_340 = arith.constant 16 : index
        %get3A_341 = tpu.vector_load %arg9[%get3A_339, %get3A_340] {strides = array<i32>} : memref<800x64xf32, #tpu.memory_space<vmem>>, vector<1x16xf32>,
        %get3A_342 = vector.shape_cast %get3A_341 : vector<1x16xf32> to vector<16xf32>
        %add3A_343 = arith.addf %scan3A_330, %get3A_342 : vector<16xf32>
        %get3A_344 = arith.index_cast %add3A_333 : i32 to index
        %get3A_345 = arith.constant 32 : index
        %get3A_346 = tpu.vector_load %arg9[%get3A_344, %get3A_345] {strides = array<i32>} : memref<800x64xf32, #tpu.memory_space<vmem>>, vector<1x16xf32>,
        %get3A_347 = vector.shape_cast %get3A_346 : vector<1x16xf32> to vector<16xf32>
        %add3A_348 = arith.addf %scan3A_331, %get3A_347 : vector<16xf32>
        %get3A_349 = arith.index_cast %add3A_333 : i32 to index
        %get3A_350 = arith.constant 48 : index
        %get3A_351 = tpu.vector_load %arg9[%get3A_349, %get3A_350] {strides = array<i32>} : memref<800x64xf32, #tpu.memory_space<vmem>>, vector<1x16xf32>,
        %get3A_352 = vector.shape_cast %get3A_351 : vector<1x16xf32> to vector<16xf32>
        %add3A_353 = arith.addf %scan3A_332, %get3A_352 : vector<16xf32>
        %scan3A_354 = arith.constant 1 : i32
        %scan3A_355 = arith.addi %scan3A_328, %scan3A_354 : i32
        %add3A_356 = arith.addi %mul3A_296, %scan3A_355 : i32
        %get3A_357 = arith.index_cast %add3A_356 : i32 to index
        %get3A_358 = arith.constant 0 : index
        %get3A_359 = tpu.vector_load %arg9[%get3A_357, %get3A_358] {strides = array<i32>} : memref<800x64xf32, #tpu.memory_space<vmem>>, vector<1x16xf32>,
        %get3A_360 = vector.shape_cast %get3A_359 : vector<1x16xf32> to vector<16xf32>
        %add3A_361 = arith.addf %add3A_338, %get3A_360 : vector<16xf32>
        %get3A_362 = arith.index_cast %add3A_356 : i32 to index
        %get3A_363 = arith.constant 16 : index
        %get3A_364 = tpu.vector_load %arg9[%get3A_362, %get3A_363] {strides = array<i32>} : memref<800x64xf32, #tpu.memory_space<vmem>>, vector<1x16xf32>,
        %get3A_365 = vector.shape_cast %get3A_364 : vector<1x16xf32> to vector<16xf32>
        %add3A_366 = arith.addf %add3A_343, %get3A_365 : vector<16xf32>
        %get3A_367 = arith.index_cast %add3A_356 : i32 to index
        %get3A_368 = arith.constant 32 : index
        %get3A_369 = tpu.vector_load %arg9[%get3A_367, %get3A_368] {strides = array<i32>} : memref<800x64xf32, #tpu.memory_space<vmem>>, vector<1x16xf32>,
        %get3A_370 = vector.shape_cast %get3A_369 : vector<1x16xf32> to vector<16xf32>
        %add3A_371 = arith.addf %add3A_348, %get3A_370 : vector<16xf32>
        %get3A_372 = arith.index_cast %add3A_356 : i32 to index
        %get3A_373 = arith.constant 48 : index
        %get3A_374 = tpu.vector_load %arg9[%get3A_372, %get3A_373] {strides = array<i32>} : memref<800x64xf32, #tpu.memory_space<vmem>>, vector<1x16xf32>,
        %get3A_375 = vector.shape_cast %get3A_374 : vector<1x16xf32> to vector<16xf32>
        %add3A_376 = arith.addf %add3A_353, %get3A_375 : vector<16xf32>
        %scan3A_377 = arith.constant 2 : i32
        %scan3A_378 = arith.addi %scan3A_328, %scan3A_377 : i32
        %add3A_379 = arith.addi %mul3A_296, %scan3A_378 : i32
        %get3A_380 = arith.index_cast %add3A_379 : i32 to index
        %get3A_381 = arith.constant 0 : index
        %get3A_382 = tpu.vector_load %arg9[%get3A_380, %get3A_381] {strides = array<i32>} : memref<800x64xf32, #tpu.memory_space<vmem>>, vector<1x16xf32>,
        %get3A_383 = vector.shape_cast %get3A_382 : vector<1x16xf32> to vector<16xf32>
        %add3A_384 = arith.addf %add3A_361, %get3A_383 : vector<16xf32>
        %get3A_385 = arith.index_cast %add3A_379 : i32 to index
        %get3A_386 = arith.constant 16 : index
        %get3A_387 = tpu.vector_load %arg9[%get3A_385, %get3A_386] {strides = array<i32>} : memref<800x64xf32, #tpu.memory_space<vmem>>, vector<1x16xf32>,
        %get3A_388 = vector.shape_cast %get3A_387 : vector<1x16xf32> to vector<16xf32>
        %add3A_389 = arith.addf %add3A_366, %get3A_388 : vector<16xf32>
        %get3A_390 = arith.index_cast %add3A_379 : i32 to index
        %get3A_391 = arith.constant 32 : index
        %get3A_392 = tpu.vector_load %arg9[%get3A_390, %get3A_391] {strides = array<i32>} : memref<800x64xf32, #tpu.memory_space<vmem>>, vector<1x16xf32>,
        %get3A_393 = vector.shape_cast %get3A_392 : vector<1x16xf32> to vector<16xf32>
        %add3A_394 = arith.addf %add3A_371, %get3A_393 : vector<16xf32>
        %get3A_395 = arith.index_cast %add3A_379 : i32 to index
        %get3A_396 = arith.constant 48 : index
        %get3A_397 = tpu.vector_load %arg9[%get3A_395, %get3A_396] {strides = array<i32>} : memref<800x64xf32, #tpu.memory_space<vmem>>, vector<1x16xf32>,
        %get3A_398 = vector.shape_cast %get3A_397 : vector<1x16xf32> to vector<16xf32>
        %add3A_399 = arith.addf %add3A_376, %get3A_398 : vector<16xf32>
        %scan3A_400 = arith.constant 3 : i32
        %scan3A_401 = arith.addi %scan3A_328, %scan3A_400 : i32
        %add3A_402 = arith.addi %mul3A_296, %scan3A_401 : i32
        %get3A_403 = arith.index_cast %add3A_402 : i32 to index
        %get3A_404 = arith.constant 0 : index
        %get3A_405 = tpu.vector_load %arg9[%get3A_403, %get3A_404] {strides = array<i32>} : memref<800x64xf32, #tpu.memory_space<vmem>>, vector<1x16xf32>,
        %get3A_406 = vector.shape_cast %get3A_405 : vector<1x16xf32> to vector<16xf32>
        %add3A_407 = arith.addf %add3A_384, %get3A_406 : vector<16xf32>
        %get3A_408 = arith.index_cast %add3A_402 : i32 to index
        %get3A_409 = arith.constant 16 : index
        %get3A_410 = tpu.vector_load %arg9[%get3A_408, %get3A_409] {strides = array<i32>} : memref<800x64xf32, #tpu.memory_space<vmem>>, vector<1x16xf32>,
        %get3A_411 = vector.shape_cast %get3A_410 : vector<1x16xf32> to vector<16xf32>
        %add3A_412 = arith.addf %add3A_389, %get3A_411 : vector<16xf32>
        %get3A_413 = arith.index_cast %add3A_402 : i32 to index
        %get3A_414 = arith.constant 32 : index
        %get3A_415 = tpu.vector_load %arg9[%get3A_413, %get3A_414] {strides = array<i32>} : memref<800x64xf32, #tpu.memory_space<vmem>>, vector<1x16xf32>,
        %get3A_416 = vector.shape_cast %get3A_415 : vector<1x16xf32> to vector<16xf32>
        %add3A_417 = arith.addf %add3A_394, %get3A_416 : vector<16xf32>
        %get3A_418 = arith.index_cast %add3A_402 : i32 to index
        %get3A_419 = arith.constant 48 : index
        %get3A_420 = tpu.vector_load %arg9[%get3A_418, %get3A_419] {strides = array<i32>} : memref<800x64xf32, #tpu.memory_space<vmem>>, vector<1x16xf32>,
        %get3A_421 = vector.shape_cast %get3A_420 : vector<1x16xf32> to vector<16xf32>
        %add3A_422 = arith.addf %add3A_399, %get3A_421 : vector<16xf32>
        %scan3A_423 = arith.constant 4 : i32
        %scan3A_424 = arith.addi %scan3A_328, %scan3A_423 : i32
        %add3A_425 = arith.addi %mul3A_296, %scan3A_424 : i32
        %get3A_426 = arith.index_cast %add3A_425 : i32 to index
        %get3A_427 = arith.constant 0 : index
        %get3A_428 = tpu.vector_load %arg9[%get3A_426, %get3A_427] {strides = array<i32>} : memref<800x64xf32, #tpu.memory_space<vmem>>, vector<1x16xf32>,
        %get3A_429 = vector.shape_cast %get3A_428 : vector<1x16xf32> to vector<16xf32>
        %add3A_430 = arith.addf %add3A_407, %get3A_429 : vector<16xf32>
        %get3A_431 = arith.index_cast %add3A_425 : i32 to index
        %get3A_432 = arith.constant 16 : index
        %get3A_433 = tpu.vector_load %arg9[%get3A_431, %get3A_432] {strides = array<i32>} : memref<800x64xf32, #tpu.memory_space<vmem>>, vector<1x16xf32>,
        %get3A_434 = vector.shape_cast %get3A_433 : vector<1x16xf32> to vector<16xf32>
        %add3A_435 = arith.addf %add3A_412, %get3A_434 : vector<16xf32>
        %get3A_436 = arith.index_cast %add3A_425 : i32 to index
        %get3A_437 = arith.constant 32 : index
        %get3A_438 = tpu.vector_load %arg9[%get3A_436, %get3A_437] {strides = array<i32>} : memref<800x64xf32, #tpu.memory_space<vmem>>, vector<1x16xf32>,
        %get3A_439 = vector.shape_cast %get3A_438 : vector<1x16xf32> to vector<16xf32>
        %add3A_440 = arith.addf %add3A_417, %get3A_439 : vector<16xf32>
        %get3A_441 = arith.index_cast %add3A_425 : i32 to index
        %get3A_442 = arith.constant 48 : index
        %get3A_443 = tpu.vector_load %arg9[%get3A_441, %get3A_442] {strides = array<i32>} : memref<800x64xf32, #tpu.memory_space<vmem>>, vector<1x16xf32>,
        %get3A_444 = vector.shape_cast %get3A_443 : vector<1x16xf32> to vector<16xf32>
        %add3A_445 = arith.addf %add3A_422, %get3A_444 : vector<16xf32>
        scf.yield %add3A_430, %add3A_435, %add3A_440, %add3A_445 : vector<16xf32>, vector<16xf32>, vector<16xf32>, vector<16xf32>
      }
      %scan3A_304 = arith.constant 50 : i32
      %div3A = arith.divf %scan3A_303#0, %broadcast_in_dim3A : vector<16xf32>
      %swap3A_305 = arith.index_cast %scan3A_291 : i32 to index
      %swap3A_306 = arith.constant 0 : index
      %swap3A_307 = tpu.vector_load %arg13[%swap3A_305, %swap3A_306] {strides = array<i32>} : memref<16x64xf32, #tpu.memory_space<vmem>>, vector<1x16xf32>,
      %swap3A_308 = vector.shape_cast %swap3A_307 : vector<1x16xf32> to vector<16xf32>
      %swap3A_309 = vector.shape_cast %div3A : vector<16xf32> to vector<1x16xf32>
      tpu.vector_store %arg13[%swap3A_305, %swap3A_306], %swap3A_309 {strides = array<i32>} : memref<16x64xf32, #tpu.memory_space<vmem>>, vector<1x16xf32>,
      %div3A_310 = arith.divf %scan3A_303#1, %broadcast_in_dim3A : vector<16xf32>
      %swap3A_311 = arith.index_cast %scan3A_291 : i32 to index
      %swap3A_312 = arith.constant 16 : index
      %swap3A_313 = tpu.vector_load %arg13[%swap3A_311, %swap3A_312] {strides = array<i32>} : memref<16x64xf32, #tpu.memory_space<vmem>>, vector<1x16xf32>,
      %swap3A_314 = vector.shape_cast %swap3A_313 : vector<1x16xf32> to vector<16xf32>
      %swap3A_315 = vector.shape_cast %div3A_310 : vector<16xf32> to vector<1x16xf32>
      tpu.vector_store %arg13[%swap3A_311, %swap3A_312], %swap3A_315 {strides = array<i32>} : memref<16x64xf32, #tpu.memory_space<vmem>>, vector<1x16xf32>,
      %div3A_316 = arith.divf %scan3A_303#2, %broadcast_in_dim3A : vector<16xf32>
      %swap3A_317 = arith.index_cast %scan3A_291 : i32 to index
      %swap3A_318 = arith.constant 32 : index
      %swap3A_319 = tpu.vector_load %arg13[%swap3A_317, %swap3A_318] {strides = array<i32>} : memref<16x64xf32, #tpu.memory_space<vmem>>, vector<1x16xf32>,
      %swap3A_320 = vector.shape_cast %swap3A_319 : vector<1x16xf32> to vector<16xf32>
      %swap3A_321 = vector.shape_cast %div3A_316 : vector<16xf32> to vector<1x16xf32>
      tpu.vector_store %arg13[%swap3A_317, %swap3A_318], %swap3A_321 {strides = array<i32>} : memref<16x64xf32, #tpu.memory_space<vmem>>, vector<1x16xf32>,
      %div3A_322 = arith.divf %scan3A_303#3, %broadcast_in_dim3A : vector<16xf32>
      %swap3A_323 = arith.index_cast %scan3A_291 : i32 to index
      %swap3A_324 = arith.constant 48 : index
      %swap3A_325 = tpu.vector_load %arg13[%swap3A_323, %swap3A_324] {strides = array<i32>} : memref<16x64xf32, #tpu.memory_space<vmem>>, vector<1x16xf32>,
      %swap3A_326 = vector.shape_cast %swap3A_325 : vector<1x16xf32> to vector<16xf32>
      %swap3A_327 = vector.shape_cast %div3A_322 : vector<16xf32> to vector<1x16xf32>
      tpu.vector_store %arg13[%swap3A_323, %swap3A_324], %swap3A_327 {strides = array<i32>} : memref<16x64xf32, #tpu.memory_space<vmem>>, vector<1x16xf32>,
    }
    %scan3A_147 = arith.constant 16 : i32
    %mul3A_148 = arith.constant 128 : i32
    %mul3A_149 = arith.muli %add3A, %mul3A_148 : i32
    %add3A_150 = arith.constant 48 : i32
    %add3A_151 = arith.addi %mul3A_149, %add3A_150 : i32
    "tpu.region"() ({
      %run_scoped3A = tpu.sem_alloc : memref<!tpu.dma_semaphore, #tpu.memory_space<semaphore_mem>>
      %dma_start3A_291 = arith.constant 0 : i32
      %dma_start3A_292 = tpu.memref_slice %arg5[%add3A_151, %dma_start3A_291] : memref<4096x64xf32, #tpu.memory_space<hbm>> -> memref<16x64xf32, #tpu.memory_space<hbm>>
      %dma_start3A_293 = arith.constant 0 : i32
      %dma_start3A_294 = tpu.memref_slice %arg5[%add3A_151, %dma_start3A_293] : memref<4096x64xf32, #tpu.memory_space<hbm>> -> memref<16x64xf32, #tpu.memory_space<hbm>>
      tpu.enqueue_dma source(%arg13 : memref<16x64xf32, #tpu.memory_space<vmem>>) target(%dma_start3A_294 : memref<16x64xf32, #tpu.memory_space<hbm>>) target_semaphore(%run_scoped3A : memref<!tpu.dma_semaphore, #tpu.memory_space<semaphore_mem>>)
      %dma_wait3A_295 = arith.constant 0 : i32
      %dma_wait3A_296 = tpu.memref_slice %arg5[%add3A_151, %dma_wait3A_295] : memref<4096x64xf32, #tpu.memory_space<hbm>> -> memref<16x64xf32, #tpu.memory_space<hbm>>
      %dma_wait3A_297 = arith.constant 0 : i32
      %dma_wait3A_298 = tpu.memref_slice %arg5[%add3A_151, %dma_wait3A_297] : memref<4096x64xf32, #tpu.memory_space<hbm>> -> memref<16x64xf32, #tpu.memory_space<hbm>>
      tpu.wait_dma2 semaphore(%run_scoped3A : memref<!tpu.dma_semaphore, #tpu.memory_space<semaphore_mem>>) src(%arg13 : memref<16x64xf32, #tpu.memory_space<vmem>>) dst(%dma_wait3A_298 : memref<16x64xf32, #tpu.memory_space<hbm>>)
      tpu.yield
    }) : () -> ()
    %mul3A_152 = arith.constant 128 : i32
    %mul3A_153 = arith.muli %add3A, %mul3A_152 : i32
    %add3A_154 = arith.constant 80 : i32
    %add3A_155 = arith.addi %mul3A_153, %add3A_154 : i32
    %mul3A_156 = arith.constant 50 : i32
    %mul3A_157 = arith.muli %add3A_155, %mul3A_156 : i32
    "tpu.region"() ({
      %run_scoped3A = tpu.sem_alloc : memref<!tpu.dma_semaphore, #tpu.memory_space<semaphore_mem>>
      %dma_start3A_291 = tpu.memref_slice %arg3[%mul3A_157] : memref<204800xi32, #tpu.memory_space<hbm>> -> memref<800xi32, #tpu.memory_space<hbm>>
      %dma_start3A_292 = tpu.memref_slice %arg3[%mul3A_157] : memref<204800xi32, #tpu.memory_space<hbm>> -> memref<800xi32, #tpu.memory_space<hbm>>
      tpu.enqueue_dma source(%dma_start3A_292 : memref<800xi32, #tpu.memory_space<hbm>>) target(%arg7 : memref<800xi32, #tpu.memory_space<vmem>>) target_semaphore(%run_scoped3A : memref<!tpu.dma_semaphore, #tpu.memory_space<semaphore_mem>>)
      %dma_wait3A_293 = tpu.memref_slice %arg3[%mul3A_157] : memref<204800xi32, #tpu.memory_space<hbm>> -> memref<800xi32, #tpu.memory_space<hbm>>
      %dma_wait3A_294 = tpu.memref_slice %arg3[%mul3A_157] : memref<204800xi32, #tpu.memory_space<hbm>> -> memref<800xi32, #tpu.memory_space<hbm>>
      tpu.wait_dma2 semaphore(%run_scoped3A : memref<!tpu.dma_semaphore, #tpu.memory_space<semaphore_mem>>) src(%dma_wait3A_294 : memref<800xi32, #tpu.memory_space<hbm>>) dst(%arg7 : memref<800xi32, #tpu.memory_space<vmem>>)
      tpu.yield
    }) : () -> ()
    "tpu.region"() ({
      %run_scoped3A = tpu.sem_alloc : memref<!tpu.dma_semaphore, #tpu.memory_space<semaphore_mem>>
      %dma_start3A_291 = tpu.memref_slice %arg4[%add3A_155] : memref<4096xi32, #tpu.memory_space<hbm>> -> memref<16xi32, #tpu.memory_space<hbm>>
      %dma_start3A_292 = tpu.memref_slice %arg4[%add3A_155] : memref<4096xi32, #tpu.memory_space<hbm>> -> memref<16xi32, #tpu.memory_space<hbm>>
      tpu.enqueue_dma source(%dma_start3A_292 : memref<16xi32, #tpu.memory_space<hbm>>) target(%arg11 : memref<16xi32, #tpu.memory_space<vmem>>) target_semaphore(%run_scoped3A : memref<!tpu.dma_semaphore, #tpu.memory_space<semaphore_mem>>)
      %dma_wait3A_293 = tpu.memref_slice %arg4[%add3A_155] : memref<4096xi32, #tpu.memory_space<hbm>> -> memref<16xi32, #tpu.memory_space<hbm>>
      %dma_wait3A_294 = tpu.memref_slice %arg4[%add3A_155] : memref<4096xi32, #tpu.memory_space<hbm>> -> memref<16xi32, #tpu.memory_space<hbm>>
      tpu.wait_dma2 semaphore(%run_scoped3A : memref<!tpu.dma_semaphore, #tpu.memory_space<semaphore_mem>>) src(%dma_wait3A_294 : memref<16xi32, #tpu.memory_space<hbm>>) dst(%arg11 : memref<16xi32, #tpu.memory_space<vmem>>)
      tpu.yield
    }) : () -> ()
    %dma_start3A_158 = arith.constant 0 : i32
    %dma_start3A_159 = arith.constant 0 : i32
    %dma_start3A_160 = tpu.memref_slice %arg2[%dma_start3A_158, %dma_start3A_159] : memref<100000x64xf32, #tpu.memory_space<hbm>> -> memref<100000x64xf32, #tpu.memory_space<hbm>>
    tpu.enqueue_indirect_dma source(%dma_start3A_160 : memref<100000x64xf32, #tpu.memory_space<hbm>>) target(%arg9 : memref<800x64xf32, #tpu.memory_space<vmem>>) offsets(%arg7 : memref<800xi32, #tpu.memory_space<vmem>>) semaphore(%arg15 : memref<!tpu.dma_semaphore, #tpu.memory_space<semaphore_mem>>)
    %dma_wait3A_161 = arith.constant 0 : i32
    %dma_wait3A_162 = arith.constant 0 : i32
    %dma_wait3A_163 = tpu.memref_slice %arg2[%dma_wait3A_161, %dma_wait3A_162] : memref<100000x64xf32, #tpu.memory_space<hbm>> -> memref<100000x64xf32, #tpu.memory_space<hbm>>
    tpu.wait_indirect_dma semaphore(%arg14 : memref<!tpu.dma_semaphore, #tpu.memory_space<semaphore_mem>>) src(%dma_wait3A_163 : memref<100000x64xf32, #tpu.memory_space<hbm>>) dst(%arg8 : memref<800x64xf32, #tpu.memory_space<vmem>>)
    %get3A_164 = arith.constant 0 : index
    %get3A_165 = tpu.vector_load %arg10[%get3A_164] {strides = array<i32>} : memref<16xi32, #tpu.memory_space<vmem>>, vector<16xi32>,
    %get3A_166 = vector.shape_cast %get3A_165 : vector<16xi32> to vector<16xi32>
    %convert_element_type3A_167 = arith.sitofp %get3A_166 : vector<16xi32> to vector<16xf32>
    %add3A_168 = arith.constant 9.99999996E-13 : f32
    %add3A_169 = vector.broadcast %add3A_168 : f32 to vector<16xf32>
    %add3A_170 = arith.addf %convert_element_type3A_167, %add3A_169 : vector<16xf32>
    %swap3A_171 = arith.constant 0 : index
    %swap3A_172 = tpu.vector_load %arg12[%swap3A_171] {strides = array<i32>} : memref<32xf32, #tpu.memory_space<vmem>>, vector<16xf32>,
    %swap3A_173 = vector.shape_cast %swap3A_172 : vector<16xf32> to vector<16xf32>
    %swap3A_174 = vector.shape_cast %add3A_170 : vector<16xf32> to vector<16xf32>
    tpu.vector_store %arg12[%swap3A_171], %swap3A_174 {strides = array<i32>} : memref<32xf32, #tpu.memory_space<vmem>>, vector<16xf32>,
    %swap3A_175 = arith.constant 16 : index
    %swap3A_176 = tpu.vector_load %arg12[%swap3A_175] {strides = array<i32>} : memref<32xf32, #tpu.memory_space<vmem>>, vector<16xf32>,
    %swap3A_177 = vector.shape_cast %swap3A_176 : vector<16xf32> to vector<16xf32>
    %swap3A_178 = vector.shape_cast %add3A_170 : vector<16xf32> to vector<16xf32>
    tpu.vector_store %arg12[%swap3A_175], %swap3A_178 {strides = array<i32>} : memref<32xf32, #tpu.memory_space<vmem>>, vector<16xf32>,
    %scan3A_179 = arith.constant 0 : i32
    %scan3A_180 = arith.constant 0 : i32
    %scan3A_181 = arith.constant 16 : i32
    %scan3A_182 = arith.addi %scan3A_180, %scan3A_181 : i32
    %scan3A_183 = arith.constant 1 : i32
    scf.for %scan3A_291 = %scan3A_180 to %scan3A_182 step %scan3A_183  : i32 {
      %get3A_292 = arith.index_cast %scan3A_291 : i32 to index
      %get3A_293 = tpu.vector_load %arg12[%get3A_292] {strides = array<i32>} : memref<32xf32, #tpu.memory_space<vmem>>, vector<16xf32>,
      %get3A_294 = vector.shape_cast %get3A_293 : vector<16xf32> to vector<16xf32>
      %slice3A = vector.extract_strided_slice %get3A_294 {offsets = [0], sizes = [1], strides = [1]} : vector<16xf32> to vector<1xf32>
      %squeeze3A = vector.extract %slice3A[0] : f32 from vector<1xf32>
      %broadcast_in_dim3A = vector.broadcast %squeeze3A : f32 to vector<16xf32>
      %mul3A_295 = arith.constant 50 : i32
      %mul3A_296 = arith.muli %scan3A_291, %mul3A_295 : i32
      %broadcast_in_dim3A_297 = arith.constant 0.000000e+00 : f32
      %broadcast_in_dim3A_298 = vector.broadcast %broadcast_in_dim3A_297 : f32 to vector<16xf32>
      %scan3A_299 = arith.constant 0 : i32
      %scan3A_300 = arith.constant 50 : i32
      %scan3A_301 = arith.addi %scan3A_299, %scan3A_300 : i32
      %scan3A_302 = arith.constant 5 : i32
      %scan3A_303:4 = scf.for %scan3A_328 = %scan3A_299 to %scan3A_301 step %scan3A_302 iter_args(%scan3A_329 = %broadcast_in_dim3A_298, %scan3A_330 = %broadcast_in_dim3A_298, %scan3A_331 = %broadcast_in_dim3A_298, %scan3A_332 = %broadcast_in_dim3A_298) -> (vector<16xf32>, vector<16xf32>, vector<16xf32>, vector<16xf32>)  : i32 {
        %add3A_333 = arith.addi %mul3A_296, %scan3A_328 : i32
        %get3A_334 = arith.index_cast %add3A_333 : i32 to index
        %get3A_335 = arith.constant 0 : index
        %get3A_336 = tpu.vector_load %arg8[%get3A_334, %get3A_335] {strides = array<i32>} : memref<800x64xf32, #tpu.memory_space<vmem>>, vector<1x16xf32>,
        %get3A_337 = vector.shape_cast %get3A_336 : vector<1x16xf32> to vector<16xf32>
        %add3A_338 = arith.addf %scan3A_329, %get3A_337 : vector<16xf32>
        %get3A_339 = arith.index_cast %add3A_333 : i32 to index
        %get3A_340 = arith.constant 16 : index
        %get3A_341 = tpu.vector_load %arg8[%get3A_339, %get3A_340] {strides = array<i32>} : memref<800x64xf32, #tpu.memory_space<vmem>>, vector<1x16xf32>,
        %get3A_342 = vector.shape_cast %get3A_341 : vector<1x16xf32> to vector<16xf32>
        %add3A_343 = arith.addf %scan3A_330, %get3A_342 : vector<16xf32>
        %get3A_344 = arith.index_cast %add3A_333 : i32 to index
        %get3A_345 = arith.constant 32 : index
        %get3A_346 = tpu.vector_load %arg8[%get3A_344, %get3A_345] {strides = array<i32>} : memref<800x64xf32, #tpu.memory_space<vmem>>, vector<1x16xf32>,
        %get3A_347 = vector.shape_cast %get3A_346 : vector<1x16xf32> to vector<16xf32>
        %add3A_348 = arith.addf %scan3A_331, %get3A_347 : vector<16xf32>
        %get3A_349 = arith.index_cast %add3A_333 : i32 to index
        %get3A_350 = arith.constant 48 : index
        %get3A_351 = tpu.vector_load %arg8[%get3A_349, %get3A_350] {strides = array<i32>} : memref<800x64xf32, #tpu.memory_space<vmem>>, vector<1x16xf32>,
        %get3A_352 = vector.shape_cast %get3A_351 : vector<1x16xf32> to vector<16xf32>
        %add3A_353 = arith.addf %scan3A_332, %get3A_352 : vector<16xf32>
        %scan3A_354 = arith.constant 1 : i32
        %scan3A_355 = arith.addi %scan3A_328, %scan3A_354 : i32
        %add3A_356 = arith.addi %mul3A_296, %scan3A_355 : i32
        %get3A_357 = arith.index_cast %add3A_356 : i32 to index
        %get3A_358 = arith.constant 0 : index
        %get3A_359 = tpu.vector_load %arg8[%get3A_357, %get3A_358] {strides = array<i32>} : memref<800x64xf32, #tpu.memory_space<vmem>>, vector<1x16xf32>,
        %get3A_360 = vector.shape_cast %get3A_359 : vector<1x16xf32> to vector<16xf32>
        %add3A_361 = arith.addf %add3A_338, %get3A_360 : vector<16xf32>
        %get3A_362 = arith.index_cast %add3A_356 : i32 to index
        %get3A_363 = arith.constant 16 : index
        %get3A_364 = tpu.vector_load %arg8[%get3A_362, %get3A_363] {strides = array<i32>} : memref<800x64xf32, #tpu.memory_space<vmem>>, vector<1x16xf32>,
        %get3A_365 = vector.shape_cast %get3A_364 : vector<1x16xf32> to vector<16xf32>
        %add3A_366 = arith.addf %add3A_343, %get3A_365 : vector<16xf32>
        %get3A_367 = arith.index_cast %add3A_356 : i32 to index
        %get3A_368 = arith.constant 32 : index
        %get3A_369 = tpu.vector_load %arg8[%get3A_367, %get3A_368] {strides = array<i32>} : memref<800x64xf32, #tpu.memory_space<vmem>>, vector<1x16xf32>,
        %get3A_370 = vector.shape_cast %get3A_369 : vector<1x16xf32> to vector<16xf32>
        %add3A_371 = arith.addf %add3A_348, %get3A_370 : vector<16xf32>
        %get3A_372 = arith.index_cast %add3A_356 : i32 to index
        %get3A_373 = arith.constant 48 : index
        %get3A_374 = tpu.vector_load %arg8[%get3A_372, %get3A_373] {strides = array<i32>} : memref<800x64xf32, #tpu.memory_space<vmem>>, vector<1x16xf32>,
        %get3A_375 = vector.shape_cast %get3A_374 : vector<1x16xf32> to vector<16xf32>
        %add3A_376 = arith.addf %add3A_353, %get3A_375 : vector<16xf32>
        %scan3A_377 = arith.constant 2 : i32
        %scan3A_378 = arith.addi %scan3A_328, %scan3A_377 : i32
        %add3A_379 = arith.addi %mul3A_296, %scan3A_378 : i32
        %get3A_380 = arith.index_cast %add3A_379 : i32 to index
        %get3A_381 = arith.constant 0 : index
        %get3A_382 = tpu.vector_load %arg8[%get3A_380, %get3A_381] {strides = array<i32>} : memref<800x64xf32, #tpu.memory_space<vmem>>, vector<1x16xf32>,
        %get3A_383 = vector.shape_cast %get3A_382 : vector<1x16xf32> to vector<16xf32>
        %add3A_384 = arith.addf %add3A_361, %get3A_383 : vector<16xf32>
        %get3A_385 = arith.index_cast %add3A_379 : i32 to index
        %get3A_386 = arith.constant 16 : index
        %get3A_387 = tpu.vector_load %arg8[%get3A_385, %get3A_386] {strides = array<i32>} : memref<800x64xf32, #tpu.memory_space<vmem>>, vector<1x16xf32>,
        %get3A_388 = vector.shape_cast %get3A_387 : vector<1x16xf32> to vector<16xf32>
        %add3A_389 = arith.addf %add3A_366, %get3A_388 : vector<16xf32>
        %get3A_390 = arith.index_cast %add3A_379 : i32 to index
        %get3A_391 = arith.constant 32 : index
        %get3A_392 = tpu.vector_load %arg8[%get3A_390, %get3A_391] {strides = array<i32>} : memref<800x64xf32, #tpu.memory_space<vmem>>, vector<1x16xf32>,
        %get3A_393 = vector.shape_cast %get3A_392 : vector<1x16xf32> to vector<16xf32>
        %add3A_394 = arith.addf %add3A_371, %get3A_393 : vector<16xf32>
        %get3A_395 = arith.index_cast %add3A_379 : i32 to index
        %get3A_396 = arith.constant 48 : index
        %get3A_397 = tpu.vector_load %arg8[%get3A_395, %get3A_396] {strides = array<i32>} : memref<800x64xf32, #tpu.memory_space<vmem>>, vector<1x16xf32>,
        %get3A_398 = vector.shape_cast %get3A_397 : vector<1x16xf32> to vector<16xf32>
        %add3A_399 = arith.addf %add3A_376, %get3A_398 : vector<16xf32>
        %scan3A_400 = arith.constant 3 : i32
        %scan3A_401 = arith.addi %scan3A_328, %scan3A_400 : i32
        %add3A_402 = arith.addi %mul3A_296, %scan3A_401 : i32
        %get3A_403 = arith.index_cast %add3A_402 : i32 to index
        %get3A_404 = arith.constant 0 : index
        %get3A_405 = tpu.vector_load %arg8[%get3A_403, %get3A_404] {strides = array<i32>} : memref<800x64xf32, #tpu.memory_space<vmem>>, vector<1x16xf32>,
        %get3A_406 = vector.shape_cast %get3A_405 : vector<1x16xf32> to vector<16xf32>
        %add3A_407 = arith.addf %add3A_384, %get3A_406 : vector<16xf32>
        %get3A_408 = arith.index_cast %add3A_402 : i32 to index
        %get3A_409 = arith.constant 16 : index
        %get3A_410 = tpu.vector_load %arg8[%get3A_408, %get3A_409] {strides = array<i32>} : memref<800x64xf32, #tpu.memory_space<vmem>>, vector<1x16xf32>,
        %get3A_411 = vector.shape_cast %get3A_410 : vector<1x16xf32> to vector<16xf32>
        %add3A_412 = arith.addf %add3A_389, %get3A_411 : vector<16xf32>
        %get3A_413 = arith.index_cast %add3A_402 : i32 to index
        %get3A_414 = arith.constant 32 : index
        %get3A_415 = tpu.vector_load %arg8[%get3A_413, %get3A_414] {strides = array<i32>} : memref<800x64xf32, #tpu.memory_space<vmem>>, vector<1x16xf32>,
        %get3A_416 = vector.shape_cast %get3A_415 : vector<1x16xf32> to vector<16xf32>
        %add3A_417 = arith.addf %add3A_394, %get3A_416 : vector<16xf32>
        %get3A_418 = arith.index_cast %add3A_402 : i32 to index
        %get3A_419 = arith.constant 48 : index
        %get3A_420 = tpu.vector_load %arg8[%get3A_418, %get3A_419] {strides = array<i32>} : memref<800x64xf32, #tpu.memory_space<vmem>>, vector<1x16xf32>,
        %get3A_421 = vector.shape_cast %get3A_420 : vector<1x16xf32> to vector<16xf32>
        %add3A_422 = arith.addf %add3A_399, %get3A_421 : vector<16xf32>
        %scan3A_423 = arith.constant 4 : i32
        %scan3A_424 = arith.addi %scan3A_328, %scan3A_423 : i32
        %add3A_425 = arith.addi %mul3A_296, %scan3A_424 : i32
        %get3A_426 = arith.index_cast %add3A_425 : i32 to index
        %get3A_427 = arith.constant 0 : index
        %get3A_428 = tpu.vector_load %arg8[%get3A_426, %get3A_427] {strides = array<i32>} : memref<800x64xf32, #tpu.memory_space<vmem>>, vector<1x16xf32>,
        %get3A_429 = vector.shape_cast %get3A_428 : vector<1x16xf32> to vector<16xf32>
        %add3A_430 = arith.addf %add3A_407, %get3A_429 : vector<16xf32>
        %get3A_431 = arith.index_cast %add3A_425 : i32 to index
        %get3A_432 = arith.constant 16 : index
        %get3A_433 = tpu.vector_load %arg8[%get3A_431, %get3A_432] {strides = array<i32>} : memref<800x64xf32, #tpu.memory_space<vmem>>, vector<1x16xf32>,
        %get3A_434 = vector.shape_cast %get3A_433 : vector<1x16xf32> to vector<16xf32>
        %add3A_435 = arith.addf %add3A_412, %get3A_434 : vector<16xf32>
        %get3A_436 = arith.index_cast %add3A_425 : i32 to index
        %get3A_437 = arith.constant 32 : index
        %get3A_438 = tpu.vector_load %arg8[%get3A_436, %get3A_437] {strides = array<i32>} : memref<800x64xf32, #tpu.memory_space<vmem>>, vector<1x16xf32>,
        %get3A_439 = vector.shape_cast %get3A_438 : vector<1x16xf32> to vector<16xf32>
        %add3A_440 = arith.addf %add3A_417, %get3A_439 : vector<16xf32>
        %get3A_441 = arith.index_cast %add3A_425 : i32 to index
        %get3A_442 = arith.constant 48 : index
        %get3A_443 = tpu.vector_load %arg8[%get3A_441, %get3A_442] {strides = array<i32>} : memref<800x64xf32, #tpu.memory_space<vmem>>, vector<1x16xf32>,
        %get3A_444 = vector.shape_cast %get3A_443 : vector<1x16xf32> to vector<16xf32>
        %add3A_445 = arith.addf %add3A_422, %get3A_444 : vector<16xf32>
        scf.yield %add3A_430, %add3A_435, %add3A_440, %add3A_445 : vector<16xf32>, vector<16xf32>, vector<16xf32>, vector<16xf32>
      }
      %scan3A_304 = arith.constant 50 : i32
      %div3A = arith.divf %scan3A_303#0, %broadcast_in_dim3A : vector<16xf32>
      %swap3A_305 = arith.index_cast %scan3A_291 : i32 to index
      %swap3A_306 = arith.constant 0 : index
      %swap3A_307 = tpu.vector_load %arg13[%swap3A_305, %swap3A_306] {strides = array<i32>} : memref<16x64xf32, #tpu.memory_space<vmem>>, vector<1x16xf32>,
      %swap3A_308 = vector.shape_cast %swap3A_307 : vector<1x16xf32> to vector<16xf32>
      %swap3A_309 = vector.shape_cast %div3A : vector<16xf32> to vector<1x16xf32>
      tpu.vector_store %arg13[%swap3A_305, %swap3A_306], %swap3A_309 {strides = array<i32>} : memref<16x64xf32, #tpu.memory_space<vmem>>, vector<1x16xf32>,
      %div3A_310 = arith.divf %scan3A_303#1, %broadcast_in_dim3A : vector<16xf32>
      %swap3A_311 = arith.index_cast %scan3A_291 : i32 to index
      %swap3A_312 = arith.constant 16 : index
      %swap3A_313 = tpu.vector_load %arg13[%swap3A_311, %swap3A_312] {strides = array<i32>} : memref<16x64xf32, #tpu.memory_space<vmem>>, vector<1x16xf32>,
      %swap3A_314 = vector.shape_cast %swap3A_313 : vector<1x16xf32> to vector<16xf32>
      %swap3A_315 = vector.shape_cast %div3A_310 : vector<16xf32> to vector<1x16xf32>
      tpu.vector_store %arg13[%swap3A_311, %swap3A_312], %swap3A_315 {strides = array<i32>} : memref<16x64xf32, #tpu.memory_space<vmem>>, vector<1x16xf32>,
      %div3A_316 = arith.divf %scan3A_303#2, %broadcast_in_dim3A : vector<16xf32>
      %swap3A_317 = arith.index_cast %scan3A_291 : i32 to index
      %swap3A_318 = arith.constant 32 : index
      %swap3A_319 = tpu.vector_load %arg13[%swap3A_317, %swap3A_318] {strides = array<i32>} : memref<16x64xf32, #tpu.memory_space<vmem>>, vector<1x16xf32>,
      %swap3A_320 = vector.shape_cast %swap3A_319 : vector<1x16xf32> to vector<16xf32>
      %swap3A_321 = vector.shape_cast %div3A_316 : vector<16xf32> to vector<1x16xf32>
      tpu.vector_store %arg13[%swap3A_317, %swap3A_318], %swap3A_321 {strides = array<i32>} : memref<16x64xf32, #tpu.memory_space<vmem>>, vector<1x16xf32>,
      %div3A_322 = arith.divf %scan3A_303#3, %broadcast_in_dim3A : vector<16xf32>
      %swap3A_323 = arith.index_cast %scan3A_291 : i32 to index
      %swap3A_324 = arith.constant 48 : index
      %swap3A_325 = tpu.vector_load %arg13[%swap3A_323, %swap3A_324] {strides = array<i32>} : memref<16x64xf32, #tpu.memory_space<vmem>>, vector<1x16xf32>,
      %swap3A_326 = vector.shape_cast %swap3A_325 : vector<1x16xf32> to vector<16xf32>
      %swap3A_327 = vector.shape_cast %div3A_322 : vector<16xf32> to vector<1x16xf32>
      tpu.vector_store %arg13[%swap3A_323, %swap3A_324], %swap3A_327 {strides = array<i32>} : memref<16x64xf32, #tpu.memory_space<vmem>>, vector<1x16xf32>,
    }
    %scan3A_184 = arith.constant 16 : i32
    %mul3A_185 = arith.constant 128 : i32
    %mul3A_186 = arith.muli %add3A, %mul3A_185 : i32
    %add3A_187 = arith.constant 64 : i32
    %add3A_188 = arith.addi %mul3A_186, %add3A_187 : i32
    "tpu.region"() ({
      %run_scoped3A = tpu.sem_alloc : memref<!tpu.dma_semaphore, #tpu.memory_space<semaphore_mem>>
      %dma_start3A_291 = arith.constant 0 : i32
      %dma_start3A_292 = tpu.memref_slice %arg5[%add3A_188, %dma_start3A_291] : memref<4096x64xf32, #tpu.memory_space<hbm>> -> memref<16x64xf32, #tpu.memory_space<hbm>>
      %dma_start3A_293 = arith.constant 0 : i32
      %dma_start3A_294 = tpu.memref_slice %arg5[%add3A_188, %dma_start3A_293] : memref<4096x64xf32, #tpu.memory_space<hbm>> -> memref<16x64xf32, #tpu.memory_space<hbm>>
      tpu.enqueue_dma source(%arg13 : memref<16x64xf32, #tpu.memory_space<vmem>>) target(%dma_start3A_294 : memref<16x64xf32, #tpu.memory_space<hbm>>) target_semaphore(%run_scoped3A : memref<!tpu.dma_semaphore, #tpu.memory_space<semaphore_mem>>)
      %dma_wait3A_295 = arith.constant 0 : i32
      %dma_wait3A_296 = tpu.memref_slice %arg5[%add3A_188, %dma_wait3A_295] : memref<4096x64xf32, #tpu.memory_space<hbm>> -> memref<16x64xf32, #tpu.memory_space<hbm>>
      %dma_wait3A_297 = arith.constant 0 : i32
      %dma_wait3A_298 = tpu.memref_slice %arg5[%add3A_188, %dma_wait3A_297] : memref<4096x64xf32, #tpu.memory_space<hbm>> -> memref<16x64xf32, #tpu.memory_space<hbm>>
      tpu.wait_dma2 semaphore(%run_scoped3A : memref<!tpu.dma_semaphore, #tpu.memory_space<semaphore_mem>>) src(%arg13 : memref<16x64xf32, #tpu.memory_space<vmem>>) dst(%dma_wait3A_298 : memref<16x64xf32, #tpu.memory_space<hbm>>)
      tpu.yield
    }) : () -> ()
    %mul3A_189 = arith.constant 128 : i32
    %mul3A_190 = arith.muli %add3A, %mul3A_189 : i32
    %add3A_191 = arith.constant 96 : i32
    %add3A_192 = arith.addi %mul3A_190, %add3A_191 : i32
    %mul3A_193 = arith.constant 50 : i32
    %mul3A_194 = arith.muli %add3A_192, %mul3A_193 : i32
    "tpu.region"() ({
      %run_scoped3A = tpu.sem_alloc : memref<!tpu.dma_semaphore, #tpu.memory_space<semaphore_mem>>
      %dma_start3A_291 = tpu.memref_slice %arg3[%mul3A_194] : memref<204800xi32, #tpu.memory_space<hbm>> -> memref<800xi32, #tpu.memory_space<hbm>>
      %dma_start3A_292 = tpu.memref_slice %arg3[%mul3A_194] : memref<204800xi32, #tpu.memory_space<hbm>> -> memref<800xi32, #tpu.memory_space<hbm>>
      tpu.enqueue_dma source(%dma_start3A_292 : memref<800xi32, #tpu.memory_space<hbm>>) target(%arg6 : memref<800xi32, #tpu.memory_space<vmem>>) target_semaphore(%run_scoped3A : memref<!tpu.dma_semaphore, #tpu.memory_space<semaphore_mem>>)
      %dma_wait3A_293 = tpu.memref_slice %arg3[%mul3A_194] : memref<204800xi32, #tpu.memory_space<hbm>> -> memref<800xi32, #tpu.memory_space<hbm>>
      %dma_wait3A_294 = tpu.memref_slice %arg3[%mul3A_194] : memref<204800xi32, #tpu.memory_space<hbm>> -> memref<800xi32, #tpu.memory_space<hbm>>
      tpu.wait_dma2 semaphore(%run_scoped3A : memref<!tpu.dma_semaphore, #tpu.memory_space<semaphore_mem>>) src(%dma_wait3A_294 : memref<800xi32, #tpu.memory_space<hbm>>) dst(%arg6 : memref<800xi32, #tpu.memory_space<vmem>>)
      tpu.yield
    }) : () -> ()
    "tpu.region"() ({
      %run_scoped3A = tpu.sem_alloc : memref<!tpu.dma_semaphore, #tpu.memory_space<semaphore_mem>>
      %dma_start3A_291 = tpu.memref_slice %arg4[%add3A_192] : memref<4096xi32, #tpu.memory_space<hbm>> -> memref<16xi32, #tpu.memory_space<hbm>>
      %dma_start3A_292 = tpu.memref_slice %arg4[%add3A_192] : memref<4096xi32, #tpu.memory_space<hbm>> -> memref<16xi32, #tpu.memory_space<hbm>>
      tpu.enqueue_dma source(%dma_start3A_292 : memref<16xi32, #tpu.memory_space<hbm>>) target(%arg10 : memref<16xi32, #tpu.memory_space<vmem>>) target_semaphore(%run_scoped3A : memref<!tpu.dma_semaphore, #tpu.memory_space<semaphore_mem>>)
      %dma_wait3A_293 = tpu.memref_slice %arg4[%add3A_192] : memref<4096xi32, #tpu.memory_space<hbm>> -> memref<16xi32, #tpu.memory_space<hbm>>
      %dma_wait3A_294 = tpu.memref_slice %arg4[%add3A_192] : memref<4096xi32, #tpu.memory_space<hbm>> -> memref<16xi32, #tpu.memory_space<hbm>>
      tpu.wait_dma2 semaphore(%run_scoped3A : memref<!tpu.dma_semaphore, #tpu.memory_space<semaphore_mem>>) src(%dma_wait3A_294 : memref<16xi32, #tpu.memory_space<hbm>>) dst(%arg10 : memref<16xi32, #tpu.memory_space<vmem>>)
      tpu.yield
    }) : () -> ()
    %dma_start3A_195 = arith.constant 0 : i32
    %dma_start3A_196 = arith.constant 0 : i32
    %dma_start3A_197 = tpu.memref_slice %arg2[%dma_start3A_195, %dma_start3A_196] : memref<100000x64xf32, #tpu.memory_space<hbm>> -> memref<100000x64xf32, #tpu.memory_space<hbm>>
    tpu.enqueue_indirect_dma source(%dma_start3A_197 : memref<100000x64xf32, #tpu.memory_space<hbm>>) target(%arg8 : memref<800x64xf32, #tpu.memory_space<vmem>>) offsets(%arg6 : memref<800xi32, #tpu.memory_space<vmem>>) semaphore(%arg14 : memref<!tpu.dma_semaphore, #tpu.memory_space<semaphore_mem>>)
    %dma_wait3A_198 = arith.constant 0 : i32
    %dma_wait3A_199 = arith.constant 0 : i32
    %dma_wait3A_200 = tpu.memref_slice %arg2[%dma_wait3A_198, %dma_wait3A_199] : memref<100000x64xf32, #tpu.memory_space<hbm>> -> memref<100000x64xf32, #tpu.memory_space<hbm>>
    tpu.wait_indirect_dma semaphore(%arg15 : memref<!tpu.dma_semaphore, #tpu.memory_space<semaphore_mem>>) src(%dma_wait3A_200 : memref<100000x64xf32, #tpu.memory_space<hbm>>) dst(%arg9 : memref<800x64xf32, #tpu.memory_space<vmem>>)
    %get3A_201 = arith.constant 0 : index
    %get3A_202 = tpu.vector_load %arg11[%get3A_201] {strides = array<i32>} : memref<16xi32, #tpu.memory_space<vmem>>, vector<16xi32>,
    %get3A_203 = vector.shape_cast %get3A_202 : vector<16xi32> to vector<16xi32>
    %convert_element_type3A_204 = arith.sitofp %get3A_203 : vector<16xi32> to vector<16xf32>
    %add3A_205 = arith.constant 9.99999996E-13 : f32
    %add3A_206 = vector.broadcast %add3A_205 : f32 to vector<16xf32>
    %add3A_207 = arith.addf %convert_element_type3A_204, %add3A_206 : vector<16xf32>
    %swap3A_208 = arith.constant 0 : index
    %swap3A_209 = tpu.vector_load %arg12[%swap3A_208] {strides = array<i32>} : memref<32xf32, #tpu.memory_space<vmem>>, vector<16xf32>,
    %swap3A_210 = vector.shape_cast %swap3A_209 : vector<16xf32> to vector<16xf32>
    %swap3A_211 = vector.shape_cast %add3A_207 : vector<16xf32> to vector<16xf32>
    tpu.vector_store %arg12[%swap3A_208], %swap3A_211 {strides = array<i32>} : memref<32xf32, #tpu.memory_space<vmem>>, vector<16xf32>,
    %swap3A_212 = arith.constant 16 : index
    %swap3A_213 = tpu.vector_load %arg12[%swap3A_212] {strides = array<i32>} : memref<32xf32, #tpu.memory_space<vmem>>, vector<16xf32>,
    %swap3A_214 = vector.shape_cast %swap3A_213 : vector<16xf32> to vector<16xf32>
    %swap3A_215 = vector.shape_cast %add3A_207 : vector<16xf32> to vector<16xf32>
    tpu.vector_store %arg12[%swap3A_212], %swap3A_215 {strides = array<i32>} : memref<32xf32, #tpu.memory_space<vmem>>, vector<16xf32>,
    %scan3A_216 = arith.constant 0 : i32
    %scan3A_217 = arith.constant 0 : i32
    %scan3A_218 = arith.constant 16 : i32
    %scan3A_219 = arith.addi %scan3A_217, %scan3A_218 : i32
    %scan3A_220 = arith.constant 1 : i32
    scf.for %scan3A_291 = %scan3A_217 to %scan3A_219 step %scan3A_220  : i32 {
      %get3A_292 = arith.index_cast %scan3A_291 : i32 to index
      %get3A_293 = tpu.vector_load %arg12[%get3A_292] {strides = array<i32>} : memref<32xf32, #tpu.memory_space<vmem>>, vector<16xf32>,
      %get3A_294 = vector.shape_cast %get3A_293 : vector<16xf32> to vector<16xf32>
      %slice3A = vector.extract_strided_slice %get3A_294 {offsets = [0], sizes = [1], strides = [1]} : vector<16xf32> to vector<1xf32>
      %squeeze3A = vector.extract %slice3A[0] : f32 from vector<1xf32>
      %broadcast_in_dim3A = vector.broadcast %squeeze3A : f32 to vector<16xf32>
      %mul3A_295 = arith.constant 50 : i32
      %mul3A_296 = arith.muli %scan3A_291, %mul3A_295 : i32
      %broadcast_in_dim3A_297 = arith.constant 0.000000e+00 : f32
      %broadcast_in_dim3A_298 = vector.broadcast %broadcast_in_dim3A_297 : f32 to vector<16xf32>
      %scan3A_299 = arith.constant 0 : i32
      %scan3A_300 = arith.constant 50 : i32
      %scan3A_301 = arith.addi %scan3A_299, %scan3A_300 : i32
      %scan3A_302 = arith.constant 5 : i32
      %scan3A_303:4 = scf.for %scan3A_328 = %scan3A_299 to %scan3A_301 step %scan3A_302 iter_args(%scan3A_329 = %broadcast_in_dim3A_298, %scan3A_330 = %broadcast_in_dim3A_298, %scan3A_331 = %broadcast_in_dim3A_298, %scan3A_332 = %broadcast_in_dim3A_298) -> (vector<16xf32>, vector<16xf32>, vector<16xf32>, vector<16xf32>)  : i32 {
        %add3A_333 = arith.addi %mul3A_296, %scan3A_328 : i32
        %get3A_334 = arith.index_cast %add3A_333 : i32 to index
        %get3A_335 = arith.constant 0 : index
        %get3A_336 = tpu.vector_load %arg9[%get3A_334, %get3A_335] {strides = array<i32>} : memref<800x64xf32, #tpu.memory_space<vmem>>, vector<1x16xf32>,
        %get3A_337 = vector.shape_cast %get3A_336 : vector<1x16xf32> to vector<16xf32>
        %add3A_338 = arith.addf %scan3A_329, %get3A_337 : vector<16xf32>
        %get3A_339 = arith.index_cast %add3A_333 : i32 to index
        %get3A_340 = arith.constant 16 : index
        %get3A_341 = tpu.vector_load %arg9[%get3A_339, %get3A_340] {strides = array<i32>} : memref<800x64xf32, #tpu.memory_space<vmem>>, vector<1x16xf32>,
        %get3A_342 = vector.shape_cast %get3A_341 : vector<1x16xf32> to vector<16xf32>
        %add3A_343 = arith.addf %scan3A_330, %get3A_342 : vector<16xf32>
        %get3A_344 = arith.index_cast %add3A_333 : i32 to index
        %get3A_345 = arith.constant 32 : index
        %get3A_346 = tpu.vector_load %arg9[%get3A_344, %get3A_345] {strides = array<i32>} : memref<800x64xf32, #tpu.memory_space<vmem>>, vector<1x16xf32>,
        %get3A_347 = vector.shape_cast %get3A_346 : vector<1x16xf32> to vector<16xf32>
        %add3A_348 = arith.addf %scan3A_331, %get3A_347 : vector<16xf32>
        %get3A_349 = arith.index_cast %add3A_333 : i32 to index
        %get3A_350 = arith.constant 48 : index
        %get3A_351 = tpu.vector_load %arg9[%get3A_349, %get3A_350] {strides = array<i32>} : memref<800x64xf32, #tpu.memory_space<vmem>>, vector<1x16xf32>,
        %get3A_352 = vector.shape_cast %get3A_351 : vector<1x16xf32> to vector<16xf32>
        %add3A_353 = arith.addf %scan3A_332, %get3A_352 : vector<16xf32>
        %scan3A_354 = arith.constant 1 : i32
        %scan3A_355 = arith.addi %scan3A_328, %scan3A_354 : i32
        %add3A_356 = arith.addi %mul3A_296, %scan3A_355 : i32
        %get3A_357 = arith.index_cast %add3A_356 : i32 to index
        %get3A_358 = arith.constant 0 : index
        %get3A_359 = tpu.vector_load %arg9[%get3A_357, %get3A_358] {strides = array<i32>} : memref<800x64xf32, #tpu.memory_space<vmem>>, vector<1x16xf32>,
        %get3A_360 = vector.shape_cast %get3A_359 : vector<1x16xf32> to vector<16xf32>
        %add3A_361 = arith.addf %add3A_338, %get3A_360 : vector<16xf32>
        %get3A_362 = arith.index_cast %add3A_356 : i32 to index
        %get3A_363 = arith.constant 16 : index
        %get3A_364 = tpu.vector_load %arg9[%get3A_362, %get3A_363] {strides = array<i32>} : memref<800x64xf32, #tpu.memory_space<vmem>>, vector<1x16xf32>,
        %get3A_365 = vector.shape_cast %get3A_364 : vector<1x16xf32> to vector<16xf32>
        %add3A_366 = arith.addf %add3A_343, %get3A_365 : vector<16xf32>
        %get3A_367 = arith.index_cast %add3A_356 : i32 to index
        %get3A_368 = arith.constant 32 : index
        %get3A_369 = tpu.vector_load %arg9[%get3A_367, %get3A_368] {strides = array<i32>} : memref<800x64xf32, #tpu.memory_space<vmem>>, vector<1x16xf32>,
        %get3A_370 = vector.shape_cast %get3A_369 : vector<1x16xf32> to vector<16xf32>
        %add3A_371 = arith.addf %add3A_348, %get3A_370 : vector<16xf32>
        %get3A_372 = arith.index_cast %add3A_356 : i32 to index
        %get3A_373 = arith.constant 48 : index
        %get3A_374 = tpu.vector_load %arg9[%get3A_372, %get3A_373] {strides = array<i32>} : memref<800x64xf32, #tpu.memory_space<vmem>>, vector<1x16xf32>,
        %get3A_375 = vector.shape_cast %get3A_374 : vector<1x16xf32> to vector<16xf32>
        %add3A_376 = arith.addf %add3A_353, %get3A_375 : vector<16xf32>
        %scan3A_377 = arith.constant 2 : i32
        %scan3A_378 = arith.addi %scan3A_328, %scan3A_377 : i32
        %add3A_379 = arith.addi %mul3A_296, %scan3A_378 : i32
        %get3A_380 = arith.index_cast %add3A_379 : i32 to index
        %get3A_381 = arith.constant 0 : index
        %get3A_382 = tpu.vector_load %arg9[%get3A_380, %get3A_381] {strides = array<i32>} : memref<800x64xf32, #tpu.memory_space<vmem>>, vector<1x16xf32>,
        %get3A_383 = vector.shape_cast %get3A_382 : vector<1x16xf32> to vector<16xf32>
        %add3A_384 = arith.addf %add3A_361, %get3A_383 : vector<16xf32>
        %get3A_385 = arith.index_cast %add3A_379 : i32 to index
        %get3A_386 = arith.constant 16 : index
        %get3A_387 = tpu.vector_load %arg9[%get3A_385, %get3A_386] {strides = array<i32>} : memref<800x64xf32, #tpu.memory_space<vmem>>, vector<1x16xf32>,
        %get3A_388 = vector.shape_cast %get3A_387 : vector<1x16xf32> to vector<16xf32>
        %add3A_389 = arith.addf %add3A_366, %get3A_388 : vector<16xf32>
        %get3A_390 = arith.index_cast %add3A_379 : i32 to index
        %get3A_391 = arith.constant 32 : index
        %get3A_392 = tpu.vector_load %arg9[%get3A_390, %get3A_391] {strides = array<i32>} : memref<800x64xf32, #tpu.memory_space<vmem>>, vector<1x16xf32>,
        %get3A_393 = vector.shape_cast %get3A_392 : vector<1x16xf32> to vector<16xf32>
        %add3A_394 = arith.addf %add3A_371, %get3A_393 : vector<16xf32>
        %get3A_395 = arith.index_cast %add3A_379 : i32 to index
        %get3A_396 = arith.constant 48 : index
        %get3A_397 = tpu.vector_load %arg9[%get3A_395, %get3A_396] {strides = array<i32>} : memref<800x64xf32, #tpu.memory_space<vmem>>, vector<1x16xf32>,
        %get3A_398 = vector.shape_cast %get3A_397 : vector<1x16xf32> to vector<16xf32>
        %add3A_399 = arith.addf %add3A_376, %get3A_398 : vector<16xf32>
        %scan3A_400 = arith.constant 3 : i32
        %scan3A_401 = arith.addi %scan3A_328, %scan3A_400 : i32
        %add3A_402 = arith.addi %mul3A_296, %scan3A_401 : i32
        %get3A_403 = arith.index_cast %add3A_402 : i32 to index
        %get3A_404 = arith.constant 0 : index
        %get3A_405 = tpu.vector_load %arg9[%get3A_403, %get3A_404] {strides = array<i32>} : memref<800x64xf32, #tpu.memory_space<vmem>>, vector<1x16xf32>,
        %get3A_406 = vector.shape_cast %get3A_405 : vector<1x16xf32> to vector<16xf32>
        %add3A_407 = arith.addf %add3A_384, %get3A_406 : vector<16xf32>
        %get3A_408 = arith.index_cast %add3A_402 : i32 to index
        %get3A_409 = arith.constant 16 : index
        %get3A_410 = tpu.vector_load %arg9[%get3A_408, %get3A_409] {strides = array<i32>} : memref<800x64xf32, #tpu.memory_space<vmem>>, vector<1x16xf32>,
        %get3A_411 = vector.shape_cast %get3A_410 : vector<1x16xf32> to vector<16xf32>
        %add3A_412 = arith.addf %add3A_389, %get3A_411 : vector<16xf32>
        %get3A_413 = arith.index_cast %add3A_402 : i32 to index
        %get3A_414 = arith.constant 32 : index
        %get3A_415 = tpu.vector_load %arg9[%get3A_413, %get3A_414] {strides = array<i32>} : memref<800x64xf32, #tpu.memory_space<vmem>>, vector<1x16xf32>,
        %get3A_416 = vector.shape_cast %get3A_415 : vector<1x16xf32> to vector<16xf32>
        %add3A_417 = arith.addf %add3A_394, %get3A_416 : vector<16xf32>
        %get3A_418 = arith.index_cast %add3A_402 : i32 to index
        %get3A_419 = arith.constant 48 : index
        %get3A_420 = tpu.vector_load %arg9[%get3A_418, %get3A_419] {strides = array<i32>} : memref<800x64xf32, #tpu.memory_space<vmem>>, vector<1x16xf32>,
        %get3A_421 = vector.shape_cast %get3A_420 : vector<1x16xf32> to vector<16xf32>
        %add3A_422 = arith.addf %add3A_399, %get3A_421 : vector<16xf32>
        %scan3A_423 = arith.constant 4 : i32
        %scan3A_424 = arith.addi %scan3A_328, %scan3A_423 : i32
        %add3A_425 = arith.addi %mul3A_296, %scan3A_424 : i32
        %get3A_426 = arith.index_cast %add3A_425 : i32 to index
        %get3A_427 = arith.constant 0 : index
        %get3A_428 = tpu.vector_load %arg9[%get3A_426, %get3A_427] {strides = array<i32>} : memref<800x64xf32, #tpu.memory_space<vmem>>, vector<1x16xf32>,
        %get3A_429 = vector.shape_cast %get3A_428 : vector<1x16xf32> to vector<16xf32>
        %add3A_430 = arith.addf %add3A_407, %get3A_429 : vector<16xf32>
        %get3A_431 = arith.index_cast %add3A_425 : i32 to index
        %get3A_432 = arith.constant 16 : index
        %get3A_433 = tpu.vector_load %arg9[%get3A_431, %get3A_432] {strides = array<i32>} : memref<800x64xf32, #tpu.memory_space<vmem>>, vector<1x16xf32>,
        %get3A_434 = vector.shape_cast %get3A_433 : vector<1x16xf32> to vector<16xf32>
        %add3A_435 = arith.addf %add3A_412, %get3A_434 : vector<16xf32>
        %get3A_436 = arith.index_cast %add3A_425 : i32 to index
        %get3A_437 = arith.constant 32 : index
        %get3A_438 = tpu.vector_load %arg9[%get3A_436, %get3A_437] {strides = array<i32>} : memref<800x64xf32, #tpu.memory_space<vmem>>, vector<1x16xf32>,
        %get3A_439 = vector.shape_cast %get3A_438 : vector<1x16xf32> to vector<16xf32>
        %add3A_440 = arith.addf %add3A_417, %get3A_439 : vector<16xf32>
        %get3A_441 = arith.index_cast %add3A_425 : i32 to index
        %get3A_442 = arith.constant 48 : index
        %get3A_443 = tpu.vector_load %arg9[%get3A_441, %get3A_442] {strides = array<i32>} : memref<800x64xf32, #tpu.memory_space<vmem>>, vector<1x16xf32>,
        %get3A_444 = vector.shape_cast %get3A_443 : vector<1x16xf32> to vector<16xf32>
        %add3A_445 = arith.addf %add3A_422, %get3A_444 : vector<16xf32>
        scf.yield %add3A_430, %add3A_435, %add3A_440, %add3A_445 : vector<16xf32>, vector<16xf32>, vector<16xf32>, vector<16xf32>
      }
      %scan3A_304 = arith.constant 50 : i32
      %div3A = arith.divf %scan3A_303#0, %broadcast_in_dim3A : vector<16xf32>
      %swap3A_305 = arith.index_cast %scan3A_291 : i32 to index
      %swap3A_306 = arith.constant 0 : index
      %swap3A_307 = tpu.vector_load %arg13[%swap3A_305, %swap3A_306] {strides = array<i32>} : memref<16x64xf32, #tpu.memory_space<vmem>>, vector<1x16xf32>,
      %swap3A_308 = vector.shape_cast %swap3A_307 : vector<1x16xf32> to vector<16xf32>
      %swap3A_309 = vector.shape_cast %div3A : vector<16xf32> to vector<1x16xf32>
      tpu.vector_store %arg13[%swap3A_305, %swap3A_306], %swap3A_309 {strides = array<i32>} : memref<16x64xf32, #tpu.memory_space<vmem>>, vector<1x16xf32>,
      %div3A_310 = arith.divf %scan3A_303#1, %broadcast_in_dim3A : vector<16xf32>
      %swap3A_311 = arith.index_cast %scan3A_291 : i32 to index
      %swap3A_312 = arith.constant 16 : index
      %swap3A_313 = tpu.vector_load %arg13[%swap3A_311, %swap3A_312] {strides = array<i32>} : memref<16x64xf32, #tpu.memory_space<vmem>>, vector<1x16xf32>,
      %swap3A_314 = vector.shape_cast %swap3A_313 : vector<1x16xf32> to vector<16xf32>
      %swap3A_315 = vector.shape_cast %div3A_310 : vector<16xf32> to vector<1x16xf32>
      tpu.vector_store %arg13[%swap3A_311, %swap3A_312], %swap3A_315 {strides = array<i32>} : memref<16x64xf32, #tpu.memory_space<vmem>>, vector<1x16xf32>,
      %div3A_316 = arith.divf %scan3A_303#2, %broadcast_in_dim3A : vector<16xf32>
      %swap3A_317 = arith.index_cast %scan3A_291 : i32 to index
      %swap3A_318 = arith.constant 32 : index
      %swap3A_319 = tpu.vector_load %arg13[%swap3A_317, %swap3A_318] {strides = array<i32>} : memref<16x64xf32, #tpu.memory_space<vmem>>, vector<1x16xf32>,
      %swap3A_320 = vector.shape_cast %swap3A_319 : vector<1x16xf32> to vector<16xf32>
      %swap3A_321 = vector.shape_cast %div3A_316 : vector<16xf32> to vector<1x16xf32>
      tpu.vector_store %arg13[%swap3A_317, %swap3A_318], %swap3A_321 {strides = array<i32>} : memref<16x64xf32, #tpu.memory_space<vmem>>, vector<1x16xf32>,
      %div3A_322 = arith.divf %scan3A_303#3, %broadcast_in_dim3A : vector<16xf32>
      %swap3A_323 = arith.index_cast %scan3A_291 : i32 to index
      %swap3A_324 = arith.constant 48 : index
      %swap3A_325 = tpu.vector_load %arg13[%swap3A_323, %swap3A_324] {strides = array<i32>} : memref<16x64xf32, #tpu.memory_space<vmem>>, vector<1x16xf32>,
      %swap3A_326 = vector.shape_cast %swap3A_325 : vector<1x16xf32> to vector<16xf32>
      %swap3A_327 = vector.shape_cast %div3A_322 : vector<16xf32> to vector<1x16xf32>
      tpu.vector_store %arg13[%swap3A_323, %swap3A_324], %swap3A_327 {strides = array<i32>} : memref<16x64xf32, #tpu.memory_space<vmem>>, vector<1x16xf32>,
    }
    %scan3A_221 = arith.constant 16 : i32
    %mul3A_222 = arith.constant 128 : i32
    %mul3A_223 = arith.muli %add3A, %mul3A_222 : i32
    %add3A_224 = arith.constant 80 : i32
    %add3A_225 = arith.addi %mul3A_223, %add3A_224 : i32
    "tpu.region"() ({
      %run_scoped3A = tpu.sem_alloc : memref<!tpu.dma_semaphore, #tpu.memory_space<semaphore_mem>>
      %dma_start3A_291 = arith.constant 0 : i32
      %dma_start3A_292 = tpu.memref_slice %arg5[%add3A_225, %dma_start3A_291] : memref<4096x64xf32, #tpu.memory_space<hbm>> -> memref<16x64xf32, #tpu.memory_space<hbm>>
      %dma_start3A_293 = arith.constant 0 : i32
      %dma_start3A_294 = tpu.memref_slice %arg5[%add3A_225, %dma_start3A_293] : memref<4096x64xf32, #tpu.memory_space<hbm>> -> memref<16x64xf32, #tpu.memory_space<hbm>>
      tpu.enqueue_dma source(%arg13 : memref<16x64xf32, #tpu.memory_space<vmem>>) target(%dma_start3A_294 : memref<16x64xf32, #tpu.memory_space<hbm>>) target_semaphore(%run_scoped3A : memref<!tpu.dma_semaphore, #tpu.memory_space<semaphore_mem>>)
      %dma_wait3A_295 = arith.constant 0 : i32
      %dma_wait3A_296 = tpu.memref_slice %arg5[%add3A_225, %dma_wait3A_295] : memref<4096x64xf32, #tpu.memory_space<hbm>> -> memref<16x64xf32, #tpu.memory_space<hbm>>
      %dma_wait3A_297 = arith.constant 0 : i32
      %dma_wait3A_298 = tpu.memref_slice %arg5[%add3A_225, %dma_wait3A_297] : memref<4096x64xf32, #tpu.memory_space<hbm>> -> memref<16x64xf32, #tpu.memory_space<hbm>>
      tpu.wait_dma2 semaphore(%run_scoped3A : memref<!tpu.dma_semaphore, #tpu.memory_space<semaphore_mem>>) src(%arg13 : memref<16x64xf32, #tpu.memory_space<vmem>>) dst(%dma_wait3A_298 : memref<16x64xf32, #tpu.memory_space<hbm>>)
      tpu.yield
    }) : () -> ()
    %mul3A_226 = arith.constant 128 : i32
    %mul3A_227 = arith.muli %add3A, %mul3A_226 : i32
    %add3A_228 = arith.constant 112 : i32
    %add3A_229 = arith.addi %mul3A_227, %add3A_228 : i32
    %mul3A_230 = arith.constant 50 : i32
    %mul3A_231 = arith.muli %add3A_229, %mul3A_230 : i32
    "tpu.region"() ({
      %run_scoped3A = tpu.sem_alloc : memref<!tpu.dma_semaphore, #tpu.memory_space<semaphore_mem>>
      %dma_start3A_291 = tpu.memref_slice %arg3[%mul3A_231] : memref<204800xi32, #tpu.memory_space<hbm>> -> memref<800xi32, #tpu.memory_space<hbm>>
      %dma_start3A_292 = tpu.memref_slice %arg3[%mul3A_231] : memref<204800xi32, #tpu.memory_space<hbm>> -> memref<800xi32, #tpu.memory_space<hbm>>
      tpu.enqueue_dma source(%dma_start3A_292 : memref<800xi32, #tpu.memory_space<hbm>>) target(%arg7 : memref<800xi32, #tpu.memory_space<vmem>>) target_semaphore(%run_scoped3A : memref<!tpu.dma_semaphore, #tpu.memory_space<semaphore_mem>>)
      %dma_wait3A_293 = tpu.memref_slice %arg3[%mul3A_231] : memref<204800xi32, #tpu.memory_space<hbm>> -> memref<800xi32, #tpu.memory_space<hbm>>
      %dma_wait3A_294 = tpu.memref_slice %arg3[%mul3A_231] : memref<204800xi32, #tpu.memory_space<hbm>> -> memref<800xi32, #tpu.memory_space<hbm>>
      tpu.wait_dma2 semaphore(%run_scoped3A : memref<!tpu.dma_semaphore, #tpu.memory_space<semaphore_mem>>) src(%dma_wait3A_294 : memref<800xi32, #tpu.memory_space<hbm>>) dst(%arg7 : memref<800xi32, #tpu.memory_space<vmem>>)
      tpu.yield
    }) : () -> ()
    "tpu.region"() ({
      %run_scoped3A = tpu.sem_alloc : memref<!tpu.dma_semaphore, #tpu.memory_space<semaphore_mem>>
      %dma_start3A_291 = tpu.memref_slice %arg4[%add3A_229] : memref<4096xi32, #tpu.memory_space<hbm>> -> memref<16xi32, #tpu.memory_space<hbm>>
      %dma_start3A_292 = tpu.memref_slice %arg4[%add3A_229] : memref<4096xi32, #tpu.memory_space<hbm>> -> memref<16xi32, #tpu.memory_space<hbm>>
      tpu.enqueue_dma source(%dma_start3A_292 : memref<16xi32, #tpu.memory_space<hbm>>) target(%arg11 : memref<16xi32, #tpu.memory_space<vmem>>) target_semaphore(%run_scoped3A : memref<!tpu.dma_semaphore, #tpu.memory_space<semaphore_mem>>)
      %dma_wait3A_293 = tpu.memref_slice %arg4[%add3A_229] : memref<4096xi32, #tpu.memory_space<hbm>> -> memref<16xi32, #tpu.memory_space<hbm>>
      %dma_wait3A_294 = tpu.memref_slice %arg4[%add3A_229] : memref<4096xi32, #tpu.memory_space<hbm>> -> memref<16xi32, #tpu.memory_space<hbm>>
      tpu.wait_dma2 semaphore(%run_scoped3A : memref<!tpu.dma_semaphore, #tpu.memory_space<semaphore_mem>>) src(%dma_wait3A_294 : memref<16xi32, #tpu.memory_space<hbm>>) dst(%arg11 : memref<16xi32, #tpu.memory_space<vmem>>)
      tpu.yield
    }) : () -> ()
    %dma_start3A_232 = arith.constant 0 : i32
    %dma_start3A_233 = arith.constant 0 : i32
    %dma_start3A_234 = tpu.memref_slice %arg2[%dma_start3A_232, %dma_start3A_233] : memref<100000x64xf32, #tpu.memory_space<hbm>> -> memref<100000x64xf32, #tpu.memory_space<hbm>>
    tpu.enqueue_indirect_dma source(%dma_start3A_234 : memref<100000x64xf32, #tpu.memory_space<hbm>>) target(%arg9 : memref<800x64xf32, #tpu.memory_space<vmem>>) offsets(%arg7 : memref<800xi32, #tpu.memory_space<vmem>>) semaphore(%arg15 : memref<!tpu.dma_semaphore, #tpu.memory_space<semaphore_mem>>)
    %dma_wait3A_235 = arith.constant 0 : i32
    %dma_wait3A_236 = arith.constant 0 : i32
    %dma_wait3A_237 = tpu.memref_slice %arg2[%dma_wait3A_235, %dma_wait3A_236] : memref<100000x64xf32, #tpu.memory_space<hbm>> -> memref<100000x64xf32, #tpu.memory_space<hbm>>
    tpu.wait_indirect_dma semaphore(%arg14 : memref<!tpu.dma_semaphore, #tpu.memory_space<semaphore_mem>>) src(%dma_wait3A_237 : memref<100000x64xf32, #tpu.memory_space<hbm>>) dst(%arg8 : memref<800x64xf32, #tpu.memory_space<vmem>>)
    %get3A_238 = arith.constant 0 : index
    %get3A_239 = tpu.vector_load %arg10[%get3A_238] {strides = array<i32>} : memref<16xi32, #tpu.memory_space<vmem>>, vector<16xi32>,
    %get3A_240 = vector.shape_cast %get3A_239 : vector<16xi32> to vector<16xi32>
    %convert_element_type3A_241 = arith.sitofp %get3A_240 : vector<16xi32> to vector<16xf32>
    %add3A_242 = arith.constant 9.99999996E-13 : f32
    %add3A_243 = vector.broadcast %add3A_242 : f32 to vector<16xf32>
    %add3A_244 = arith.addf %convert_element_type3A_241, %add3A_243 : vector<16xf32>
    %swap3A_245 = arith.constant 0 : index
    %swap3A_246 = tpu.vector_load %arg12[%swap3A_245] {strides = array<i32>} : memref<32xf32, #tpu.memory_space<vmem>>, vector<16xf32>,
    %swap3A_247 = vector.shape_cast %swap3A_246 : vector<16xf32> to vector<16xf32>
    %swap3A_248 = vector.shape_cast %add3A_244 : vector<16xf32> to vector<16xf32>
    tpu.vector_store %arg12[%swap3A_245], %swap3A_248 {strides = array<i32>} : memref<32xf32, #tpu.memory_space<vmem>>, vector<16xf32>,
    %swap3A_249 = arith.constant 16 : index
    %swap3A_250 = tpu.vector_load %arg12[%swap3A_249] {strides = array<i32>} : memref<32xf32, #tpu.memory_space<vmem>>, vector<16xf32>,
    %swap3A_251 = vector.shape_cast %swap3A_250 : vector<16xf32> to vector<16xf32>
    %swap3A_252 = vector.shape_cast %add3A_244 : vector<16xf32> to vector<16xf32>
    tpu.vector_store %arg12[%swap3A_249], %swap3A_252 {strides = array<i32>} : memref<32xf32, #tpu.memory_space<vmem>>, vector<16xf32>,
    %scan3A_253 = arith.constant 0 : i32
    %scan3A_254 = arith.constant 0 : i32
    %scan3A_255 = arith.constant 16 : i32
    %scan3A_256 = arith.addi %scan3A_254, %scan3A_255 : i32
    %scan3A_257 = arith.constant 1 : i32
    scf.for %scan3A_291 = %scan3A_254 to %scan3A_256 step %scan3A_257  : i32 {
      %get3A_292 = arith.index_cast %scan3A_291 : i32 to index
      %get3A_293 = tpu.vector_load %arg12[%get3A_292] {strides = array<i32>} : memref<32xf32, #tpu.memory_space<vmem>>, vector<16xf32>,
      %get3A_294 = vector.shape_cast %get3A_293 : vector<16xf32> to vector<16xf32>
      %slice3A = vector.extract_strided_slice %get3A_294 {offsets = [0], sizes = [1], strides = [1]} : vector<16xf32> to vector<1xf32>
      %squeeze3A = vector.extract %slice3A[0] : f32 from vector<1xf32>
      %broadcast_in_dim3A = vector.broadcast %squeeze3A : f32 to vector<16xf32>
      %mul3A_295 = arith.constant 50 : i32
      %mul3A_296 = arith.muli %scan3A_291, %mul3A_295 : i32
      %broadcast_in_dim3A_297 = arith.constant 0.000000e+00 : f32
      %broadcast_in_dim3A_298 = vector.broadcast %broadcast_in_dim3A_297 : f32 to vector<16xf32>
      %scan3A_299 = arith.constant 0 : i32
      %scan3A_300 = arith.constant 50 : i32
      %scan3A_301 = arith.addi %scan3A_299, %scan3A_300 : i32
      %scan3A_302 = arith.constant 5 : i32
      %scan3A_303:4 = scf.for %scan3A_328 = %scan3A_299 to %scan3A_301 step %scan3A_302 iter_args(%scan3A_329 = %broadcast_in_dim3A_298, %scan3A_330 = %broadcast_in_dim3A_298, %scan3A_331 = %broadcast_in_dim3A_298, %scan3A_332 = %broadcast_in_dim3A_298) -> (vector<16xf32>, vector<16xf32>, vector<16xf32>, vector<16xf32>)  : i32 {
        %add3A_333 = arith.addi %mul3A_296, %scan3A_328 : i32
        %get3A_334 = arith.index_cast %add3A_333 : i32 to index
        %get3A_335 = arith.constant 0 : index
        %get3A_336 = tpu.vector_load %arg8[%get3A_334, %get3A_335] {strides = array<i32>} : memref<800x64xf32, #tpu.memory_space<vmem>>, vector<1x16xf32>,
        %get3A_337 = vector.shape_cast %get3A_336 : vector<1x16xf32> to vector<16xf32>
        %add3A_338 = arith.addf %scan3A_329, %get3A_337 : vector<16xf32>
        %get3A_339 = arith.index_cast %add3A_333 : i32 to index
        %get3A_340 = arith.constant 16 : index
        %get3A_341 = tpu.vector_load %arg8[%get3A_339, %get3A_340] {strides = array<i32>} : memref<800x64xf32, #tpu.memory_space<vmem>>, vector<1x16xf32>,
        %get3A_342 = vector.shape_cast %get3A_341 : vector<1x16xf32> to vector<16xf32>
        %add3A_343 = arith.addf %scan3A_330, %get3A_342 : vector<16xf32>
        %get3A_344 = arith.index_cast %add3A_333 : i32 to index
        %get3A_345 = arith.constant 32 : index
        %get3A_346 = tpu.vector_load %arg8[%get3A_344, %get3A_345] {strides = array<i32>} : memref<800x64xf32, #tpu.memory_space<vmem>>, vector<1x16xf32>,
        %get3A_347 = vector.shape_cast %get3A_346 : vector<1x16xf32> to vector<16xf32>
        %add3A_348 = arith.addf %scan3A_331, %get3A_347 : vector<16xf32>
        %get3A_349 = arith.index_cast %add3A_333 : i32 to index
        %get3A_350 = arith.constant 48 : index
        %get3A_351 = tpu.vector_load %arg8[%get3A_349, %get3A_350] {strides = array<i32>} : memref<800x64xf32, #tpu.memory_space<vmem>>, vector<1x16xf32>,
        %get3A_352 = vector.shape_cast %get3A_351 : vector<1x16xf32> to vector<16xf32>
        %add3A_353 = arith.addf %scan3A_332, %get3A_352 : vector<16xf32>
        %scan3A_354 = arith.constant 1 : i32
        %scan3A_355 = arith.addi %scan3A_328, %scan3A_354 : i32
        %add3A_356 = arith.addi %mul3A_296, %scan3A_355 : i32
        %get3A_357 = arith.index_cast %add3A_356 : i32 to index
        %get3A_358 = arith.constant 0 : index
        %get3A_359 = tpu.vector_load %arg8[%get3A_357, %get3A_358] {strides = array<i32>} : memref<800x64xf32, #tpu.memory_space<vmem>>, vector<1x16xf32>,
        %get3A_360 = vector.shape_cast %get3A_359 : vector<1x16xf32> to vector<16xf32>
        %add3A_361 = arith.addf %add3A_338, %get3A_360 : vector<16xf32>
        %get3A_362 = arith.index_cast %add3A_356 : i32 to index
        %get3A_363 = arith.constant 16 : index
        %get3A_364 = tpu.vector_load %arg8[%get3A_362, %get3A_363] {strides = array<i32>} : memref<800x64xf32, #tpu.memory_space<vmem>>, vector<1x16xf32>,
        %get3A_365 = vector.shape_cast %get3A_364 : vector<1x16xf32> to vector<16xf32>
        %add3A_366 = arith.addf %add3A_343, %get3A_365 : vector<16xf32>
        %get3A_367 = arith.index_cast %add3A_356 : i32 to index
        %get3A_368 = arith.constant 32 : index
        %get3A_369 = tpu.vector_load %arg8[%get3A_367, %get3A_368] {strides = array<i32>} : memref<800x64xf32, #tpu.memory_space<vmem>>, vector<1x16xf32>,
        %get3A_370 = vector.shape_cast %get3A_369 : vector<1x16xf32> to vector<16xf32>
        %add3A_371 = arith.addf %add3A_348, %get3A_370 : vector<16xf32>
        %get3A_372 = arith.index_cast %add3A_356 : i32 to index
        %get3A_373 = arith.constant 48 : index
        %get3A_374 = tpu.vector_load %arg8[%get3A_372, %get3A_373] {strides = array<i32>} : memref<800x64xf32, #tpu.memory_space<vmem>>, vector<1x16xf32>,
        %get3A_375 = vector.shape_cast %get3A_374 : vector<1x16xf32> to vector<16xf32>
        %add3A_376 = arith.addf %add3A_353, %get3A_375 : vector<16xf32>
        %scan3A_377 = arith.constant 2 : i32
        %scan3A_378 = arith.addi %scan3A_328, %scan3A_377 : i32
        %add3A_379 = arith.addi %mul3A_296, %scan3A_378 : i32
        %get3A_380 = arith.index_cast %add3A_379 : i32 to index
        %get3A_381 = arith.constant 0 : index
        %get3A_382 = tpu.vector_load %arg8[%get3A_380, %get3A_381] {strides = array<i32>} : memref<800x64xf32, #tpu.memory_space<vmem>>, vector<1x16xf32>,
        %get3A_383 = vector.shape_cast %get3A_382 : vector<1x16xf32> to vector<16xf32>
        %add3A_384 = arith.addf %add3A_361, %get3A_383 : vector<16xf32>
        %get3A_385 = arith.index_cast %add3A_379 : i32 to index
        %get3A_386 = arith.constant 16 : index
        %get3A_387 = tpu.vector_load %arg8[%get3A_385, %get3A_386] {strides = array<i32>} : memref<800x64xf32, #tpu.memory_space<vmem>>, vector<1x16xf32>,
        %get3A_388 = vector.shape_cast %get3A_387 : vector<1x16xf32> to vector<16xf32>
        %add3A_389 = arith.addf %add3A_366, %get3A_388 : vector<16xf32>
        %get3A_390 = arith.index_cast %add3A_379 : i32 to index
        %get3A_391 = arith.constant 32 : index
        %get3A_392 = tpu.vector_load %arg8[%get3A_390, %get3A_391] {strides = array<i32>} : memref<800x64xf32, #tpu.memory_space<vmem>>, vector<1x16xf32>,
        %get3A_393 = vector.shape_cast %get3A_392 : vector<1x16xf32> to vector<16xf32>
        %add3A_394 = arith.addf %add3A_371, %get3A_393 : vector<16xf32>
        %get3A_395 = arith.index_cast %add3A_379 : i32 to index
        %get3A_396 = arith.constant 48 : index
        %get3A_397 = tpu.vector_load %arg8[%get3A_395, %get3A_396] {strides = array<i32>} : memref<800x64xf32, #tpu.memory_space<vmem>>, vector<1x16xf32>,
        %get3A_398 = vector.shape_cast %get3A_397 : vector<1x16xf32> to vector<16xf32>
        %add3A_399 = arith.addf %add3A_376, %get3A_398 : vector<16xf32>
        %scan3A_400 = arith.constant 3 : i32
        %scan3A_401 = arith.addi %scan3A_328, %scan3A_400 : i32
        %add3A_402 = arith.addi %mul3A_296, %scan3A_401 : i32
        %get3A_403 = arith.index_cast %add3A_402 : i32 to index
        %get3A_404 = arith.constant 0 : index
        %get3A_405 = tpu.vector_load %arg8[%get3A_403, %get3A_404] {strides = array<i32>} : memref<800x64xf32, #tpu.memory_space<vmem>>, vector<1x16xf32>,
        %get3A_406 = vector.shape_cast %get3A_405 : vector<1x16xf32> to vector<16xf32>
        %add3A_407 = arith.addf %add3A_384, %get3A_406 : vector<16xf32>
        %get3A_408 = arith.index_cast %add3A_402 : i32 to index
        %get3A_409 = arith.constant 16 : index
        %get3A_410 = tpu.vector_load %arg8[%get3A_408, %get3A_409] {strides = array<i32>} : memref<800x64xf32, #tpu.memory_space<vmem>>, vector<1x16xf32>,
        %get3A_411 = vector.shape_cast %get3A_410 : vector<1x16xf32> to vector<16xf32>
        %add3A_412 = arith.addf %add3A_389, %get3A_411 : vector<16xf32>
        %get3A_413 = arith.index_cast %add3A_402 : i32 to index
        %get3A_414 = arith.constant 32 : index
        %get3A_415 = tpu.vector_load %arg8[%get3A_413, %get3A_414] {strides = array<i32>} : memref<800x64xf32, #tpu.memory_space<vmem>>, vector<1x16xf32>,
        %get3A_416 = vector.shape_cast %get3A_415 : vector<1x16xf32> to vector<16xf32>
        %add3A_417 = arith.addf %add3A_394, %get3A_416 : vector<16xf32>
        %get3A_418 = arith.index_cast %add3A_402 : i32 to index
        %get3A_419 = arith.constant 48 : index
        %get3A_420 = tpu.vector_load %arg8[%get3A_418, %get3A_419] {strides = array<i32>} : memref<800x64xf32, #tpu.memory_space<vmem>>, vector<1x16xf32>,
        %get3A_421 = vector.shape_cast %get3A_420 : vector<1x16xf32> to vector<16xf32>
        %add3A_422 = arith.addf %add3A_399, %get3A_421 : vector<16xf32>
        %scan3A_423 = arith.constant 4 : i32
        %scan3A_424 = arith.addi %scan3A_328, %scan3A_423 : i32
        %add3A_425 = arith.addi %mul3A_296, %scan3A_424 : i32
        %get3A_426 = arith.index_cast %add3A_425 : i32 to index
        %get3A_427 = arith.constant 0 : index
        %get3A_428 = tpu.vector_load %arg8[%get3A_426, %get3A_427] {strides = array<i32>} : memref<800x64xf32, #tpu.memory_space<vmem>>, vector<1x16xf32>,
        %get3A_429 = vector.shape_cast %get3A_428 : vector<1x16xf32> to vector<16xf32>
        %add3A_430 = arith.addf %add3A_407, %get3A_429 : vector<16xf32>
        %get3A_431 = arith.index_cast %add3A_425 : i32 to index
        %get3A_432 = arith.constant 16 : index
        %get3A_433 = tpu.vector_load %arg8[%get3A_431, %get3A_432] {strides = array<i32>} : memref<800x64xf32, #tpu.memory_space<vmem>>, vector<1x16xf32>,
        %get3A_434 = vector.shape_cast %get3A_433 : vector<1x16xf32> to vector<16xf32>
        %add3A_435 = arith.addf %add3A_412, %get3A_434 : vector<16xf32>
        %get3A_436 = arith.index_cast %add3A_425 : i32 to index
        %get3A_437 = arith.constant 32 : index
        %get3A_438 = tpu.vector_load %arg8[%get3A_436, %get3A_437] {strides = array<i32>} : memref<800x64xf32, #tpu.memory_space<vmem>>, vector<1x16xf32>,
        %get3A_439 = vector.shape_cast %get3A_438 : vector<1x16xf32> to vector<16xf32>
        %add3A_440 = arith.addf %add3A_417, %get3A_439 : vector<16xf32>
        %get3A_441 = arith.index_cast %add3A_425 : i32 to index
        %get3A_442 = arith.constant 48 : index
        %get3A_443 = tpu.vector_load %arg8[%get3A_441, %get3A_442] {strides = array<i32>} : memref<800x64xf32, #tpu.memory_space<vmem>>, vector<1x16xf32>,
        %get3A_444 = vector.shape_cast %get3A_443 : vector<1x16xf32> to vector<16xf32>
        %add3A_445 = arith.addf %add3A_422, %get3A_444 : vector<16xf32>
        scf.yield %add3A_430, %add3A_435, %add3A_440, %add3A_445 : vector<16xf32>, vector<16xf32>, vector<16xf32>, vector<16xf32>
      }
      %scan3A_304 = arith.constant 50 : i32
      %div3A = arith.divf %scan3A_303#0, %broadcast_in_dim3A : vector<16xf32>
      %swap3A_305 = arith.index_cast %scan3A_291 : i32 to index
      %swap3A_306 = arith.constant 0 : index
      %swap3A_307 = tpu.vector_load %arg13[%swap3A_305, %swap3A_306] {strides = array<i32>} : memref<16x64xf32, #tpu.memory_space<vmem>>, vector<1x16xf32>,
      %swap3A_308 = vector.shape_cast %swap3A_307 : vector<1x16xf32> to vector<16xf32>
      %swap3A_309 = vector.shape_cast %div3A : vector<16xf32> to vector<1x16xf32>
      tpu.vector_store %arg13[%swap3A_305, %swap3A_306], %swap3A_309 {strides = array<i32>} : memref<16x64xf32, #tpu.memory_space<vmem>>, vector<1x16xf32>,
      %div3A_310 = arith.divf %scan3A_303#1, %broadcast_in_dim3A : vector<16xf32>
      %swap3A_311 = arith.index_cast %scan3A_291 : i32 to index
      %swap3A_312 = arith.constant 16 : index
      %swap3A_313 = tpu.vector_load %arg13[%swap3A_311, %swap3A_312] {strides = array<i32>} : memref<16x64xf32, #tpu.memory_space<vmem>>, vector<1x16xf32>,
      %swap3A_314 = vector.shape_cast %swap3A_313 : vector<1x16xf32> to vector<16xf32>
      %swap3A_315 = vector.shape_cast %div3A_310 : vector<16xf32> to vector<1x16xf32>
      tpu.vector_store %arg13[%swap3A_311, %swap3A_312], %swap3A_315 {strides = array<i32>} : memref<16x64xf32, #tpu.memory_space<vmem>>, vector<1x16xf32>,
      %div3A_316 = arith.divf %scan3A_303#2, %broadcast_in_dim3A : vector<16xf32>
      %swap3A_317 = arith.index_cast %scan3A_291 : i32 to index
      %swap3A_318 = arith.constant 32 : index
      %swap3A_319 = tpu.vector_load %arg13[%swap3A_317, %swap3A_318] {strides = array<i32>} : memref<16x64xf32, #tpu.memory_space<vmem>>, vector<1x16xf32>,
      %swap3A_320 = vector.shape_cast %swap3A_319 : vector<1x16xf32> to vector<16xf32>
      %swap3A_321 = vector.shape_cast %div3A_316 : vector<16xf32> to vector<1x16xf32>
      tpu.vector_store %arg13[%swap3A_317, %swap3A_318], %swap3A_321 {strides = array<i32>} : memref<16x64xf32, #tpu.memory_space<vmem>>, vector<1x16xf32>,
      %div3A_322 = arith.divf %scan3A_303#3, %broadcast_in_dim3A : vector<16xf32>
      %swap3A_323 = arith.index_cast %scan3A_291 : i32 to index
      %swap3A_324 = arith.constant 48 : index
      %swap3A_325 = tpu.vector_load %arg13[%swap3A_323, %swap3A_324] {strides = array<i32>} : memref<16x64xf32, #tpu.memory_space<vmem>>, vector<1x16xf32>,
      %swap3A_326 = vector.shape_cast %swap3A_325 : vector<1x16xf32> to vector<16xf32>
      %swap3A_327 = vector.shape_cast %div3A_322 : vector<16xf32> to vector<1x16xf32>
      tpu.vector_store %arg13[%swap3A_323, %swap3A_324], %swap3A_327 {strides = array<i32>} : memref<16x64xf32, #tpu.memory_space<vmem>>, vector<1x16xf32>,
    }
    %scan3A_258 = arith.constant 16 : i32
    %mul3A_259 = arith.constant 128 : i32
    %mul3A_260 = arith.muli %add3A, %mul3A_259 : i32
    %add3A_261 = arith.constant 96 : i32
    %add3A_262 = arith.addi %mul3A_260, %add3A_261 : i32
    "tpu.region"() ({
      %run_scoped3A = tpu.sem_alloc : memref<!tpu.dma_semaphore, #tpu.memory_space<semaphore_mem>>
      %dma_start3A_291 = arith.constant 0 : i32
      %dma_start3A_292 = tpu.memref_slice %arg5[%add3A_262, %dma_start3A_291] : memref<4096x64xf32, #tpu.memory_space<hbm>> -> memref<16x64xf32, #tpu.memory_space<hbm>>
      %dma_start3A_293 = arith.constant 0 : i32
      %dma_start3A_294 = tpu.memref_slice %arg5[%add3A_262, %dma_start3A_293] : memref<4096x64xf32, #tpu.memory_space<hbm>> -> memref<16x64xf32, #tpu.memory_space<hbm>>
      tpu.enqueue_dma source(%arg13 : memref<16x64xf32, #tpu.memory_space<vmem>>) target(%dma_start3A_294 : memref<16x64xf32, #tpu.memory_space<hbm>>) target_semaphore(%run_scoped3A : memref<!tpu.dma_semaphore, #tpu.memory_space<semaphore_mem>>)
      %dma_wait3A_295 = arith.constant 0 : i32
      %dma_wait3A_296 = tpu.memref_slice %arg5[%add3A_262, %dma_wait3A_295] : memref<4096x64xf32, #tpu.memory_space<hbm>> -> memref<16x64xf32, #tpu.memory_space<hbm>>
      %dma_wait3A_297 = arith.constant 0 : i32
      %dma_wait3A_298 = tpu.memref_slice %arg5[%add3A_262, %dma_wait3A_297] : memref<4096x64xf32, #tpu.memory_space<hbm>> -> memref<16x64xf32, #tpu.memory_space<hbm>>
      tpu.wait_dma2 semaphore(%run_scoped3A : memref<!tpu.dma_semaphore, #tpu.memory_space<semaphore_mem>>) src(%arg13 : memref<16x64xf32, #tpu.memory_space<vmem>>) dst(%dma_wait3A_298 : memref<16x64xf32, #tpu.memory_space<hbm>>)
      tpu.yield
    }) : () -> ()
    %dma_wait3A_263 = arith.constant 0 : i32
    %dma_wait3A_264 = arith.constant 0 : i32
    %dma_wait3A_265 = tpu.memref_slice %arg2[%dma_wait3A_263, %dma_wait3A_264] : memref<100000x64xf32, #tpu.memory_space<hbm>> -> memref<100000x64xf32, #tpu.memory_space<hbm>>
    tpu.wait_indirect_dma semaphore(%arg15 : memref<!tpu.dma_semaphore, #tpu.memory_space<semaphore_mem>>) src(%dma_wait3A_265 : memref<100000x64xf32, #tpu.memory_space<hbm>>) dst(%arg9 : memref<800x64xf32, #tpu.memory_space<vmem>>)
    %get3A_266 = arith.constant 0 : index
    %get3A_267 = tpu.vector_load %arg11[%get3A_266] {strides = array<i32>} : memref<16xi32, #tpu.memory_space<vmem>>, vector<16xi32>,
    %get3A_268 = vector.shape_cast %get3A_267 : vector<16xi32> to vector<16xi32>
    %convert_element_type3A_269 = arith.sitofp %get3A_268 : vector<16xi32> to vector<16xf32>
    %add3A_270 = arith.constant 9.99999996E-13 : f32
    %add3A_271 = vector.broadcast %add3A_270 : f32 to vector<16xf32>
    %add3A_272 = arith.addf %convert_element_type3A_269, %add3A_271 : vector<16xf32>
    %swap3A_273 = arith.constant 0 : index
    %swap3A_274 = tpu.vector_load %arg12[%swap3A_273] {strides = array<i32>} : memref<32xf32, #tpu.memory_space<vmem>>, vector<16xf32>,
    %swap3A_275 = vector.shape_cast %swap3A_274 : vector<16xf32> to vector<16xf32>
    %swap3A_276 = vector.shape_cast %add3A_272 : vector<16xf32> to vector<16xf32>
    tpu.vector_store %arg12[%swap3A_273], %swap3A_276 {strides = array<i32>} : memref<32xf32, #tpu.memory_space<vmem>>, vector<16xf32>,
    %swap3A_277 = arith.constant 16 : index
    %swap3A_278 = tpu.vector_load %arg12[%swap3A_277] {strides = array<i32>} : memref<32xf32, #tpu.memory_space<vmem>>, vector<16xf32>,
    %swap3A_279 = vector.shape_cast %swap3A_278 : vector<16xf32> to vector<16xf32>
    %swap3A_280 = vector.shape_cast %add3A_272 : vector<16xf32> to vector<16xf32>
    tpu.vector_store %arg12[%swap3A_277], %swap3A_280 {strides = array<i32>} : memref<32xf32, #tpu.memory_space<vmem>>, vector<16xf32>,
    %scan3A_281 = arith.constant 0 : i32
    %scan3A_282 = arith.constant 0 : i32
    %scan3A_283 = arith.constant 16 : i32
    %scan3A_284 = arith.addi %scan3A_282, %scan3A_283 : i32
    %scan3A_285 = arith.constant 1 : i32
    scf.for %scan3A_291 = %scan3A_282 to %scan3A_284 step %scan3A_285  : i32 {
      %get3A_292 = arith.index_cast %scan3A_291 : i32 to index
      %get3A_293 = tpu.vector_load %arg12[%get3A_292] {strides = array<i32>} : memref<32xf32, #tpu.memory_space<vmem>>, vector<16xf32>,
      %get3A_294 = vector.shape_cast %get3A_293 : vector<16xf32> to vector<16xf32>
      %slice3A = vector.extract_strided_slice %get3A_294 {offsets = [0], sizes = [1], strides = [1]} : vector<16xf32> to vector<1xf32>
      %squeeze3A = vector.extract %slice3A[0] : f32 from vector<1xf32>
      %broadcast_in_dim3A = vector.broadcast %squeeze3A : f32 to vector<16xf32>
      %mul3A_295 = arith.constant 50 : i32
      %mul3A_296 = arith.muli %scan3A_291, %mul3A_295 : i32
      %broadcast_in_dim3A_297 = arith.constant 0.000000e+00 : f32
      %broadcast_in_dim3A_298 = vector.broadcast %broadcast_in_dim3A_297 : f32 to vector<16xf32>
      %scan3A_299 = arith.constant 0 : i32
      %scan3A_300 = arith.constant 50 : i32
      %scan3A_301 = arith.addi %scan3A_299, %scan3A_300 : i32
      %scan3A_302 = arith.constant 5 : i32
      %scan3A_303:4 = scf.for %scan3A_328 = %scan3A_299 to %scan3A_301 step %scan3A_302 iter_args(%scan3A_329 = %broadcast_in_dim3A_298, %scan3A_330 = %broadcast_in_dim3A_298, %scan3A_331 = %broadcast_in_dim3A_298, %scan3A_332 = %broadcast_in_dim3A_298) -> (vector<16xf32>, vector<16xf32>, vector<16xf32>, vector<16xf32>)  : i32 {
        %add3A_333 = arith.addi %mul3A_296, %scan3A_328 : i32
        %get3A_334 = arith.index_cast %add3A_333 : i32 to index
        %get3A_335 = arith.constant 0 : index
        %get3A_336 = tpu.vector_load %arg9[%get3A_334, %get3A_335] {strides = array<i32>} : memref<800x64xf32, #tpu.memory_space<vmem>>, vector<1x16xf32>,
        %get3A_337 = vector.shape_cast %get3A_336 : vector<1x16xf32> to vector<16xf32>
        %add3A_338 = arith.addf %scan3A_329, %get3A_337 : vector<16xf32>
        %get3A_339 = arith.index_cast %add3A_333 : i32 to index
        %get3A_340 = arith.constant 16 : index
        %get3A_341 = tpu.vector_load %arg9[%get3A_339, %get3A_340] {strides = array<i32>} : memref<800x64xf32, #tpu.memory_space<vmem>>, vector<1x16xf32>,
        %get3A_342 = vector.shape_cast %get3A_341 : vector<1x16xf32> to vector<16xf32>
        %add3A_343 = arith.addf %scan3A_330, %get3A_342 : vector<16xf32>
        %get3A_344 = arith.index_cast %add3A_333 : i32 to index
        %get3A_345 = arith.constant 32 : index
        %get3A_346 = tpu.vector_load %arg9[%get3A_344, %get3A_345] {strides = array<i32>} : memref<800x64xf32, #tpu.memory_space<vmem>>, vector<1x16xf32>,
        %get3A_347 = vector.shape_cast %get3A_346 : vector<1x16xf32> to vector<16xf32>
        %add3A_348 = arith.addf %scan3A_331, %get3A_347 : vector<16xf32>
        %get3A_349 = arith.index_cast %add3A_333 : i32 to index
        %get3A_350 = arith.constant 48 : index
        %get3A_351 = tpu.vector_load %arg9[%get3A_349, %get3A_350] {strides = array<i32>} : memref<800x64xf32, #tpu.memory_space<vmem>>, vector<1x16xf32>,
        %get3A_352 = vector.shape_cast %get3A_351 : vector<1x16xf32> to vector<16xf32>
        %add3A_353 = arith.addf %scan3A_332, %get3A_352 : vector<16xf32>
        %scan3A_354 = arith.constant 1 : i32
        %scan3A_355 = arith.addi %scan3A_328, %scan3A_354 : i32
        %add3A_356 = arith.addi %mul3A_296, %scan3A_355 : i32
        %get3A_357 = arith.index_cast %add3A_356 : i32 to index
        %get3A_358 = arith.constant 0 : index
        %get3A_359 = tpu.vector_load %arg9[%get3A_357, %get3A_358] {strides = array<i32>} : memref<800x64xf32, #tpu.memory_space<vmem>>, vector<1x16xf32>,
        %get3A_360 = vector.shape_cast %get3A_359 : vector<1x16xf32> to vector<16xf32>
        %add3A_361 = arith.addf %add3A_338, %get3A_360 : vector<16xf32>
        %get3A_362 = arith.index_cast %add3A_356 : i32 to index
        %get3A_363 = arith.constant 16 : index
        %get3A_364 = tpu.vector_load %arg9[%get3A_362, %get3A_363] {strides = array<i32>} : memref<800x64xf32, #tpu.memory_space<vmem>>, vector<1x16xf32>,
        %get3A_365 = vector.shape_cast %get3A_364 : vector<1x16xf32> to vector<16xf32>
        %add3A_366 = arith.addf %add3A_343, %get3A_365 : vector<16xf32>
        %get3A_367 = arith.index_cast %add3A_356 : i32 to index
        %get3A_368 = arith.constant 32 : index
        %get3A_369 = tpu.vector_load %arg9[%get3A_367, %get3A_368] {strides = array<i32>} : memref<800x64xf32, #tpu.memory_space<vmem>>, vector<1x16xf32>,
        %get3A_370 = vector.shape_cast %get3A_369 : vector<1x16xf32> to vector<16xf32>
        %add3A_371 = arith.addf %add3A_348, %get3A_370 : vector<16xf32>
        %get3A_372 = arith.index_cast %add3A_356 : i32 to index
        %get3A_373 = arith.constant 48 : index
        %get3A_374 = tpu.vector_load %arg9[%get3A_372, %get3A_373] {strides = array<i32>} : memref<800x64xf32, #tpu.memory_space<vmem>>, vector<1x16xf32>,
        %get3A_375 = vector.shape_cast %get3A_374 : vector<1x16xf32> to vector<16xf32>
        %add3A_376 = arith.addf %add3A_353, %get3A_375 : vector<16xf32>
        %scan3A_377 = arith.constant 2 : i32
        %scan3A_378 = arith.addi %scan3A_328, %scan3A_377 : i32
        %add3A_379 = arith.addi %mul3A_296, %scan3A_378 : i32
        %get3A_380 = arith.index_cast %add3A_379 : i32 to index
        %get3A_381 = arith.constant 0 : index
        %get3A_382 = tpu.vector_load %arg9[%get3A_380, %get3A_381] {strides = array<i32>} : memref<800x64xf32, #tpu.memory_space<vmem>>, vector<1x16xf32>,
        %get3A_383 = vector.shape_cast %get3A_382 : vector<1x16xf32> to vector<16xf32>
        %add3A_384 = arith.addf %add3A_361, %get3A_383 : vector<16xf32>
        %get3A_385 = arith.index_cast %add3A_379 : i32 to index
        %get3A_386 = arith.constant 16 : index
        %get3A_387 = tpu.vector_load %arg9[%get3A_385, %get3A_386] {strides = array<i32>} : memref<800x64xf32, #tpu.memory_space<vmem>>, vector<1x16xf32>,
        %get3A_388 = vector.shape_cast %get3A_387 : vector<1x16xf32> to vector<16xf32>
        %add3A_389 = arith.addf %add3A_366, %get3A_388 : vector<16xf32>
        %get3A_390 = arith.index_cast %add3A_379 : i32 to index
        %get3A_391 = arith.constant 32 : index
        %get3A_392 = tpu.vector_load %arg9[%get3A_390, %get3A_391] {strides = array<i32>} : memref<800x64xf32, #tpu.memory_space<vmem>>, vector<1x16xf32>,
        %get3A_393 = vector.shape_cast %get3A_392 : vector<1x16xf32> to vector<16xf32>
        %add3A_394 = arith.addf %add3A_371, %get3A_393 : vector<16xf32>
        %get3A_395 = arith.index_cast %add3A_379 : i32 to index
        %get3A_396 = arith.constant 48 : index
        %get3A_397 = tpu.vector_load %arg9[%get3A_395, %get3A_396] {strides = array<i32>} : memref<800x64xf32, #tpu.memory_space<vmem>>, vector<1x16xf32>,
        %get3A_398 = vector.shape_cast %get3A_397 : vector<1x16xf32> to vector<16xf32>
        %add3A_399 = arith.addf %add3A_376, %get3A_398 : vector<16xf32>
        %scan3A_400 = arith.constant 3 : i32
        %scan3A_401 = arith.addi %scan3A_328, %scan3A_400 : i32
        %add3A_402 = arith.addi %mul3A_296, %scan3A_401 : i32
        %get3A_403 = arith.index_cast %add3A_402 : i32 to index
        %get3A_404 = arith.constant 0 : index
        %get3A_405 = tpu.vector_load %arg9[%get3A_403, %get3A_404] {strides = array<i32>} : memref<800x64xf32, #tpu.memory_space<vmem>>, vector<1x16xf32>,
        %get3A_406 = vector.shape_cast %get3A_405 : vector<1x16xf32> to vector<16xf32>
        %add3A_407 = arith.addf %add3A_384, %get3A_406 : vector<16xf32>
        %get3A_408 = arith.index_cast %add3A_402 : i32 to index
        %get3A_409 = arith.constant 16 : index
        %get3A_410 = tpu.vector_load %arg9[%get3A_408, %get3A_409] {strides = array<i32>} : memref<800x64xf32, #tpu.memory_space<vmem>>, vector<1x16xf32>,
        %get3A_411 = vector.shape_cast %get3A_410 : vector<1x16xf32> to vector<16xf32>
        %add3A_412 = arith.addf %add3A_389, %get3A_411 : vector<16xf32>
        %get3A_413 = arith.index_cast %add3A_402 : i32 to index
        %get3A_414 = arith.constant 32 : index
        %get3A_415 = tpu.vector_load %arg9[%get3A_413, %get3A_414] {strides = array<i32>} : memref<800x64xf32, #tpu.memory_space<vmem>>, vector<1x16xf32>,
        %get3A_416 = vector.shape_cast %get3A_415 : vector<1x16xf32> to vector<16xf32>
        %add3A_417 = arith.addf %add3A_394, %get3A_416 : vector<16xf32>
        %get3A_418 = arith.index_cast %add3A_402 : i32 to index
        %get3A_419 = arith.constant 48 : index
        %get3A_420 = tpu.vector_load %arg9[%get3A_418, %get3A_419] {strides = array<i32>} : memref<800x64xf32, #tpu.memory_space<vmem>>, vector<1x16xf32>,
        %get3A_421 = vector.shape_cast %get3A_420 : vector<1x16xf32> to vector<16xf32>
        %add3A_422 = arith.addf %add3A_399, %get3A_421 : vector<16xf32>
        %scan3A_423 = arith.constant 4 : i32
        %scan3A_424 = arith.addi %scan3A_328, %scan3A_423 : i32
        %add3A_425 = arith.addi %mul3A_296, %scan3A_424 : i32
        %get3A_426 = arith.index_cast %add3A_425 : i32 to index
        %get3A_427 = arith.constant 0 : index
        %get3A_428 = tpu.vector_load %arg9[%get3A_426, %get3A_427] {strides = array<i32>} : memref<800x64xf32, #tpu.memory_space<vmem>>, vector<1x16xf32>,
        %get3A_429 = vector.shape_cast %get3A_428 : vector<1x16xf32> to vector<16xf32>
        %add3A_430 = arith.addf %add3A_407, %get3A_429 : vector<16xf32>
        %get3A_431 = arith.index_cast %add3A_425 : i32 to index
        %get3A_432 = arith.constant 16 : index
        %get3A_433 = tpu.vector_load %arg9[%get3A_431, %get3A_432] {strides = array<i32>} : memref<800x64xf32, #tpu.memory_space<vmem>>, vector<1x16xf32>,
        %get3A_434 = vector.shape_cast %get3A_433 : vector<1x16xf32> to vector<16xf32>
        %add3A_435 = arith.addf %add3A_412, %get3A_434 : vector<16xf32>
        %get3A_436 = arith.index_cast %add3A_425 : i32 to index
        %get3A_437 = arith.constant 32 : index
        %get3A_438 = tpu.vector_load %arg9[%get3A_436, %get3A_437] {strides = array<i32>} : memref<800x64xf32, #tpu.memory_space<vmem>>, vector<1x16xf32>,
        %get3A_439 = vector.shape_cast %get3A_438 : vector<1x16xf32> to vector<16xf32>
        %add3A_440 = arith.addf %add3A_417, %get3A_439 : vector<16xf32>
        %get3A_441 = arith.index_cast %add3A_425 : i32 to index
        %get3A_442 = arith.constant 48 : index
        %get3A_443 = tpu.vector_load %arg9[%get3A_441, %get3A_442] {strides = array<i32>} : memref<800x64xf32, #tpu.memory_space<vmem>>, vector<1x16xf32>,
        %get3A_444 = vector.shape_cast %get3A_443 : vector<1x16xf32> to vector<16xf32>
        %add3A_445 = arith.addf %add3A_422, %get3A_444 : vector<16xf32>
        scf.yield %add3A_430, %add3A_435, %add3A_440, %add3A_445 : vector<16xf32>, vector<16xf32>, vector<16xf32>, vector<16xf32>
      }
      %scan3A_304 = arith.constant 50 : i32
      %div3A = arith.divf %scan3A_303#0, %broadcast_in_dim3A : vector<16xf32>
      %swap3A_305 = arith.index_cast %scan3A_291 : i32 to index
      %swap3A_306 = arith.constant 0 : index
      %swap3A_307 = tpu.vector_load %arg13[%swap3A_305, %swap3A_306] {strides = array<i32>} : memref<16x64xf32, #tpu.memory_space<vmem>>, vector<1x16xf32>,
      %swap3A_308 = vector.shape_cast %swap3A_307 : vector<1x16xf32> to vector<16xf32>
      %swap3A_309 = vector.shape_cast %div3A : vector<16xf32> to vector<1x16xf32>
      tpu.vector_store %arg13[%swap3A_305, %swap3A_306], %swap3A_309 {strides = array<i32>} : memref<16x64xf32, #tpu.memory_space<vmem>>, vector<1x16xf32>,
      %div3A_310 = arith.divf %scan3A_303#1, %broadcast_in_dim3A : vector<16xf32>
      %swap3A_311 = arith.index_cast %scan3A_291 : i32 to index
      %swap3A_312 = arith.constant 16 : index
      %swap3A_313 = tpu.vector_load %arg13[%swap3A_311, %swap3A_312] {strides = array<i32>} : memref<16x64xf32, #tpu.memory_space<vmem>>, vector<1x16xf32>,
      %swap3A_314 = vector.shape_cast %swap3A_313 : vector<1x16xf32> to vector<16xf32>
      %swap3A_315 = vector.shape_cast %div3A_310 : vector<16xf32> to vector<1x16xf32>
      tpu.vector_store %arg13[%swap3A_311, %swap3A_312], %swap3A_315 {strides = array<i32>} : memref<16x64xf32, #tpu.memory_space<vmem>>, vector<1x16xf32>,
      %div3A_316 = arith.divf %scan3A_303#2, %broadcast_in_dim3A : vector<16xf32>
      %swap3A_317 = arith.index_cast %scan3A_291 : i32 to index
      %swap3A_318 = arith.constant 32 : index
      %swap3A_319 = tpu.vector_load %arg13[%swap3A_317, %swap3A_318] {strides = array<i32>} : memref<16x64xf32, #tpu.memory_space<vmem>>, vector<1x16xf32>,
      %swap3A_320 = vector.shape_cast %swap3A_319 : vector<1x16xf32> to vector<16xf32>
      %swap3A_321 = vector.shape_cast %div3A_316 : vector<16xf32> to vector<1x16xf32>
      tpu.vector_store %arg13[%swap3A_317, %swap3A_318], %swap3A_321 {strides = array<i32>} : memref<16x64xf32, #tpu.memory_space<vmem>>, vector<1x16xf32>,
      %div3A_322 = arith.divf %scan3A_303#3, %broadcast_in_dim3A : vector<16xf32>
      %swap3A_323 = arith.index_cast %scan3A_291 : i32 to index
      %swap3A_324 = arith.constant 48 : index
      %swap3A_325 = tpu.vector_load %arg13[%swap3A_323, %swap3A_324] {strides = array<i32>} : memref<16x64xf32, #tpu.memory_space<vmem>>, vector<1x16xf32>,
      %swap3A_326 = vector.shape_cast %swap3A_325 : vector<1x16xf32> to vector<16xf32>
      %swap3A_327 = vector.shape_cast %div3A_322 : vector<16xf32> to vector<1x16xf32>
      tpu.vector_store %arg13[%swap3A_323, %swap3A_324], %swap3A_327 {strides = array<i32>} : memref<16x64xf32, #tpu.memory_space<vmem>>, vector<1x16xf32>,
    }
    %scan3A_286 = arith.constant 16 : i32
    %mul3A_287 = arith.constant 128 : i32
    %mul3A_288 = arith.muli %add3A, %mul3A_287 : i32
    %add3A_289 = arith.constant 112 : i32
    %add3A_290 = arith.addi %mul3A_288, %add3A_289 : i32
    "tpu.region"() ({
      %run_scoped3A = tpu.sem_alloc : memref<!tpu.dma_semaphore, #tpu.memory_space<semaphore_mem>>
      %dma_start3A_291 = arith.constant 0 : i32
      %dma_start3A_292 = tpu.memref_slice %arg5[%add3A_290, %dma_start3A_291] : memref<4096x64xf32, #tpu.memory_space<hbm>> -> memref<16x64xf32, #tpu.memory_space<hbm>>
      %dma_start3A_293 = arith.constant 0 : i32
      %dma_start3A_294 = tpu.memref_slice %arg5[%add3A_290, %dma_start3A_293] : memref<4096x64xf32, #tpu.memory_space<hbm>> -> memref<16x64xf32, #tpu.memory_space<hbm>>
      tpu.enqueue_dma source(%arg13 : memref<16x64xf32, #tpu.memory_space<vmem>>) target(%dma_start3A_294 : memref<16x64xf32, #tpu.memory_space<hbm>>) target_semaphore(%run_scoped3A : memref<!tpu.dma_semaphore, #tpu.memory_space<semaphore_mem>>)
      %dma_wait3A_295 = arith.constant 0 : i32
      %dma_wait3A_296 = tpu.memref_slice %arg5[%add3A_290, %dma_wait3A_295] : memref<4096x64xf32, #tpu.memory_space<hbm>> -> memref<16x64xf32, #tpu.memory_space<hbm>>
      %dma_wait3A_297 = arith.constant 0 : i32
      %dma_wait3A_298 = tpu.memref_slice %arg5[%add3A_290, %dma_wait3A_297] : memref<4096x64xf32, #tpu.memory_space<hbm>> -> memref<16x64xf32, #tpu.memory_space<hbm>>
      tpu.wait_dma2 semaphore(%run_scoped3A : memref<!tpu.dma_semaphore, #tpu.memory_space<semaphore_mem>>) src(%arg13 : memref<16x64xf32, #tpu.memory_space<vmem>>) dst(%dma_wait3A_298 : memref<16x64xf32, #tpu.memory_space<hbm>>)
      tpu.yield
    }) : () -> ()
    return
  }
}

</mosaic_0001>

<sc_bundles>
// kernel: _bow_pool.3.cloned.1.call-start
scs
__scs_entry_jumppad:
0x0: {  	(pc) =	sbr.rel $0x88, $3  }
0x1: {  	(tag) =	ssettag $0x0;
	lr =	simm.s32 $0x1  }
0x2: {  	[smem:$0x3F9E] =	sst lr;
	_ =	strace $0xD0000000  }
0x3: {  	_ = 	snop  }
0x4: {  	_ = 	snop  }
0x5: {  	_ = 	snop  }
0x6: {  	_ = 	snop  }
0x7: {  	_ = 	snop  }
__scs_overlays_trampoline_lowered:
0x8: {  	[smem:$0x3FAD] =	sst s0  }
0x9: {  	[smem:$0x3FAE] =	sst s1  }
0xa: {  	[smem:$0x3FAF] =	sst s2  }
0xb: {  	[smem:$0x3FB0] =	sst s3  }
0xc: {  	[smem:$0x3FB1] =	sst s4  }
0xd: {  	[smem:$0x3FB2] =	sst s5  }
0xe: {  	[smem:$0x3FB3] =	sst s6  }
0xf: {  	[smem:$0x3FB4] =	sst s7  }
0x10: {  	[smem:$0x3FB5] =	sst s8  }
0x11: {  	[smem:$0x3FB6] =	sst s9;
	s0 =	simm.s32 @!p0 $0x0  }
0x12: {  	s1 =	sld [smem:$0x3F9C];
	s0 =	simm.s32 @p0 $0x1  }
0x13: {  	[smem:$0x3FB7] =	sst s0;
	s0 =	simm.s32 @!p1 $0x0  }
0x14: {  	s2 =	sld [smem:$0x3F9B];
	s0 =	simm.s32 @p1 $0x1  }
0x15: {  	[smem:$0x3FB8] =	sst s0;
	s0 =	simm.s32 @!p2 $0x0  }
0x16: {  	s3 =	sld [smem:$0x3FDB];
	s0 =	simm.s32 @p2 $0x1  }
0x17: {  	s4 =	simm.s32 $0x1BF5;
	[smem:$0x3FBA] =	sst s0  }
0x18: {  	s0 =	sld [smem:$0x3F9D];
	_ =	swait.ge [sflag:s4], $0x0  }
0x19: {  	s7 =	sld [smem:$0x3F9E]  }
0x1a: {  	s8 =	sadd.s32 $0xFFFFE003, lr  }
0x1b: {  	s9 =	sadd.s32 $0xFFFFFEF7, lr;
	s5 =	simm.s32 $0xFFFFFFFF;
	p2 =	slt.u32 s8, $0xFFFFF086  }
0x1c: {  	p1 =	slt.u32 s9, $0xF7A;
	s5 =	simm.s32 @!p2 $0x0  }
0x1d: {  	s5 =	simm.s32 @p1 $0x1;
	p0 =	seq.s32 s7, s2  }
0x1e: {  	s7 =	smul.u32 @!p0 $0xF7A, s2;
	p2 =	seq.s32 @!p0 s5, $0x0  }
0x1f: {  	s9 =	smul.u32 $0xF7A, s1;
	s8 =	simm.s32 @!p0 $0x1BF5;
	p2 =	por !p2, p0  }
0x20: {  	[sflag:s8] =	ssyncset.s32 @!p0 $0xFFFFF086;
	s6 =	sadd.s32 @!p0 s3, s7;
	s7 =	simm.s32 @!p0 $0x108  }
0x21: {  	s3 =	sadd.s32 s3, s9;
	s6 =	sadd.s32 @!p0 $0x88, s6;
	s7 =	simm.s32 @p2 $0x1082  }
0x22: {  	[simem:s7], [sflag:s8] =	dma.local @!p0 [hbm:s6], $0xF7A  }
0x23: {  	s9 =	sor.u32 $0xD0000000, s2;
	s6 =	simm.s32 $0x108;
	_ =	swait.ge @!p0 [sflag:s8], $0x0  }
0x24: {  	s3 =	sadd.s32 $0x88, s3;
	s6 =	simm.s32 @!p1 $0x1082;
	[sflag:s4] =	ssyncset.s32 $0xFFFFF086  }
0x25: {  	[simem:s6], [sflag:s4] =	dma.local [hbm:s3], $0xF7A  }
0x26: {  	[smem:$0x3F9E] =	sst s1;
	(tag) =	ssettag s2;
	_ =	strace s9  }
0x27: {  	s1 =	sld [smem:$0x3FAE]  }
0x28: {  	s2 =	sld [smem:$0x3FAF]  }
0x29: {  	s4 =	sld [smem:$0x3FB1]  }
0x2a: {  	p0 =	seq.s32 s5, $0x0;
	s5 =	sld [smem:$0x3FB2]  }
0x2b: {  	s6 =	sld [smem:$0x3FB3]  }
0x2c: {  	s7 =	sld [smem:$0x3FB4]  }
0x2d: {  	s3 =	simm.s32 $0x108;
	s8 =	sld [smem:$0x3FB5]  }
0x2e: {  	s3 =	simm.s32 @!p0 $0x1082;
	s9 =	sld [smem:$0x3FB6]  }
0x2f: {  	lr =	sadd.s32 s0, s3;
	s0 =	sld [smem:$0x3FAD]  }
0x30: {  	s3 =	sld [smem:$0x3FB0]  }
0x31: {  	[smem:$0x3FB9] =	sst s10  }
0x32: {  	s10 =	sld [smem:$0x3FB7];
	_ =	sdelay $0x3  }
0x33: {  	p0 =	seq.s32 s10, $0x1;
	s10 =	sld [smem:$0x3FB9];
	_ =	sdelay $0x3  }
0x34: {  	[smem:$0x3FB9] =	sst s10  }
0x35: {  	s10 =	sld [smem:$0x3FB8];
	_ =	sdelay $0x3  }
0x36: {  	p1 =	seq.s32 s10, $0x1;
	s10 =	sld [smem:$0x3FB9];
	_ =	sdelay $0x3  }
0x37: {  	[smem:$0x3FB9] =	sst s10  }
0x38: {  	s10 =	sld [smem:$0x3FBA]  }
0x39: {  	_ = 	snop;
	(pc) =	sbr.ind lr, $3  }
0x3a: {  	_ = 	snop  }
0x3b: {  	_ = 	snop  }
0x3c: {  	p2 =	seq.s32 s10, $0x1;
	s10 =	sld [smem:$0x3FB9]  }
0x3d: {  	_ =	shalt  }
0x3e: {  	_ =	shalt  }
0x3f: {  	_ =	shalt  }
0x40: {  	_ =	shalt  }
0x41: {  	_ =	shalt  }
0x42: {  	_ =	shalt  }
0x43: {  	_ =	shalt  }
0x44: {  	_ =	shalt  }
0x45: {  	_ =	shalt  }
0x46: {  	_ =	shalt  }
0x47: {  	_ =	shalt  }
0x48: {  	_ =	shalt  }
0x49: {  	_ =	shalt  }
0x4a: {  	_ =	shalt  }
0x4b: {  	_ =	shalt  }
0x4c: {  	_ =	shalt  }
0x4d: {  	_ =	shalt  }
0x4e: {  	_ =	shalt  }
0x4f: {  	_ =	shalt  }
0x50: {  	_ =	shalt  }
0x51: {  	_ =	shalt  }
0x52: {  	_ =	shalt  }
0x53: {  	_ =	shalt  }
0x54: {  	_ =	shalt  }
0x55: {  	_ =	shalt  }
0x56: {  	_ =	shalt  }
0x57: {  	_ =	shalt  }
0x58: {  	_ =	shalt  }
0x59: {  	_ =	shalt  }
0x5a: {  	_ =	shalt  }
0x5b: {  	_ =	shalt  }
0x5c: {  	_ =	shalt  }
0x5d: {  	_ =	shalt  }
0x5e: {  	_ =	shalt  }
0x5f: {  	_ =	shalt  }
0x60: {  	_ =	shalt  }
0x61: {  	_ =	shalt  }
0x62: {  	_ =	shalt  }
0x63: {  	_ =	shalt  }
0x64: {  	_ =	shalt  }
0x65: {  	_ =	shalt  }
0x66: {  	_ =	shalt  }
0x67: {  	_ =	shalt  }
0x68: {  	_ =	shalt  }
0x69: {  	_ =	shalt  }
0x6a: {  	_ =	shalt  }
0x6b: {  	_ =	shalt  }
0x6c: {  	_ =	shalt  }
0x6d: {  	_ =	shalt  }
0x6e: {  	_ =	shalt  }
0x6f: {  	_ =	shalt  }
0x70: {  	_ =	shalt  }
0x71: {  	_ =	shalt  }
0x72: {  	_ =	shalt  }
0x73: {  	_ =	shalt  }
0x74: {  	_ =	shalt  }
0x75: {  	_ =	shalt  }
0x76: {  	_ =	shalt  }
0x77: {  	_ =	shalt  }
0x78: {  	_ =	shalt  }
0x79: {  	_ =	shalt  }
0x7a: {  	_ =	shalt  }
0x7b: {  	_ =	shalt  }
0x7c: {  	_ =	shalt  }
0x7d: {  	_ =	shalt  }
0x7e: {  	_ =	shalt  }
0x7f: {  	_ =	shalt  }
0x80: {  	_ =	shalt  }
0x81: {  	_ =	shalt  }
0x82: {  	_ =	shalt  }
0x83: {  	_ =	shalt  }
0x84: {  	_ =	shalt  }
0x85: {  	_ =	shalt  }
0x86: {  	_ =	shalt  }
0x87: {  	_ =	shalt  }
.Lfunc_end0:
.L_simem_size_0:
called_computation_lowered:
.L_overlay_start_0:
0x88: {  	s2 =	sld [smem:$0x3FD9]  }
0x89: {  	s3 =	sld [smem:$0x3FFE];
	_ =	sdelay $0x1  }
0x8a: {  	s1 =	srdreg.scid  }
0x8b: {  	s0 =	sand.u32 $0x1, s1  }
0x8c: {  	s17 =	sshll.u32 s0, $0xA;
	s2 =	sadd.s32 s3, s2  }
0x8d: {  	s2 =	sadd.s32 s2, s17  }
0x8e: {  	[smem:$0x3FC5] =	sst s2  }
0x8f: {  	_ = 	snop  }
0x90: {  	s2 =	sld [smem:$0x3FC8]  }
0x91: {  	s18 =	sld [smem:$0x3FD0];
	(tm) =	ssettm $0x1  }
0x92: {  	s4 =	sld [smem:$0x3FFB];
	_ =	sdelay $0x3  }
0x93: {  	_ =	strace s4  }
0x94: {  	s4 =	sld [smem:$0x3FFC];
	_ =	sdelay $0x3  }
0x95: {  	_ =	strace s4  }
0x96: {  	s4 =	sld [smem:$0x3FFD];
	_ =	sdelay $0x3  }
0x97: {  	_ =	strace s4  }
0x98: {  	_ =	strace $0x8FFFFFFF  }
0x99: {  	s19 =	sld [smem:$0x3FDB];
	_ =	sdelay $0x1  }
0x9a: {  	s5 =	simm.s32 $_scs_section_size  }
0x9b: {  	s6 =	simm.s32 $_size__tile_overlayer_lowered;
	s7 =	simm.s32 $_tile_overlayer_lowered  }
0x9c: {  	s22 =	simm.s32 $0x1BFF;
	s21 =	sshll.u32 s7, $0x1;
	s4 =	sadd.s32 s5, s19  }
0x9d: {  	s8 =	simm.s32 $0x0;
	s20 =	sshll.u32 s6, $0x1;
	s6 =	sadd.s32 s21, s4  }
0x9e: {  	[timem:s8], [sflag:s22] =	dma.local [hbm:s6], s20  }
0x9f: {  	_ =	swait.ge [sflag:s22], s20  }
0xa0: {  	s5 =	ssub.s32 $0x0, s20;
	[sflag:s22] =	ssyncset.done $0x0  }
0xa1: {  	[sflag:s22] =	ssyncadd.s32 s5;
	_ =	sdelay $0x1  }
0xa2: {  	s23 =	simm.s32 $0x1B8B  }
0xa3: {  	_ =	swait.ge [sflag:s23], $0x1  }
0xa4: {  	[sflag:s23] =	ssyncset.done $0x0  }
0xa5: {  	s25 =	simm.s32 $0x1B8E;
	s24 =	sld [smem:$0x3FFE];
	[sflag:s23] =	ssyncadd.s32 $0xFFFFFFFF  }
0xa6: {  	s26 =	simm.s32 $execute0_lowered;
	[smem:$0x3FD2] =	sst s25  }
0xa7: {  	s6 =	sshll.u32 s26, $0x1;
	_ =	strace $0x80000046;
	[dreg:$0x1] =	wrdreg $0xFFFFFFFF  }
0xa8: {  	s28 =	simm.s32 $_size_execute0_lowered;
	s4 =	sadd.s32 s4, s6;
	[dreg:$0x0] =	wrdreg $0x0  }
0xa9: {  	s6 =	sshll.u32 s28, $0x1;
	[dreg:$0x2] =	wrdreg s4  }
0xaa: {  	[dreg:$0x3] =	wrdreg s6  }
0xab: {  	[dreg:$0x4] =	wrdreg $0xC0  }
0xac: {  	_ =	task [dreg:s8], $0x5FFFF  }
0xad: {  	[dreg:$0x1] =	wrdreg $0xFFFFFFFF  }
0xae: {  	[dreg:$0x0] =	wrdreg $0x60  }
0xaf: {  	[dreg:$0x2] =	wrdreg s24  }
0xb0: {  	[dreg:$0x3] =	wrdreg s2  }
0xb1: {  	[dreg:$0x4] =	wrdreg s18  }
0xb2: {  	[dreg:$0x5] =	wrdreg $0x9  }
0xb3: {  	_ =	task.clear_ibuf [dreg:s8], $0x6FFFF;
	_ =	strace $0x90000046  }
0xb4: {  	s29 =	simm.s32 $0x9;
	_ =	strace $0x80000048  }
0xb5: {  	_ =	swait.ge [sflag:s29], $0x1  }
0xb6: {  	[sflag:s29] =	ssyncadd.s32 $0xFFFFFFFF  }
0xb7: {  	_ =	strace $0x90000048  }
0xb8: {  	_ =	sfence  }
0xb9: {  	s30 =	sld [smem:$0x0];
	_ =	sdelay $0x2  }
0xba: {  	s31 =	sshll.u32 s1, $0xD;
	s1 =	sshrl.u32 s1, $0x2  }
0xbb: {  	s3 =	sand.u32 $0x4000, s31;
	s1 =	sadd.s32 s1, s30  }
0xbc: {  	s0 =	sor.u32 s3, s0;
	s1 =	sshll.u32 s1, $0x11  }
0xbd: {  	s0 =	sor.u32 s1, s0  }
0xbe: {  	s0 =	sadd.s32 $0x8F2B, s0  }
0xbf: {  	[sflag:s0] =	ssyncadd.remote.s32 $0x1  }
0xc0: {  	_ =	sfence.sel $0xFFFF  }
0xc1: {  	[dreg:$0x0] =	wrdreg $0xFFFFFFFF;
	(pc) =	sbr.abs _section_cstart, $3  }
0xc2: {  	[dreg:$0x1] =	wrdreg $0xFFFFFFFF  }
0xc3: {  	_ =	task.clear_ibuf [dreg:s8], $0x2FFFF;
	_ =	strace $0x9FFFFFFF  }
0xc4: {  	(tm) =	ssettm $0x7FFFFFFF  }
0xc5: {  	_ =	shalt  }
tec
execute0_lowered:
.L_overlay_start_1:
0x0: {  	(tag) =	ssettag $0x1  }
0x1: {  	s1 =	srdreg.scid;
	s0 =	rddreg [dreg:$0x0]  }
0x2: {  	s2 =	stileid.u32;
	s3 =	rddreg [dreg:$0x1]  }
0x3: {  	s30 =	simm.s32 $0x3;
	s31 =	simm.s32 $0x19640;
	s1 =	sand.u32 $0x1, s1  }
0x4: {  	s2 =	sshll.u32 s2, $0x1;
	s4 =	sadd.s32 $0x600, s0;
	s28 =	sadd.s32 $0x187000, s0  }
0x5: {  	s0 =	simm.s32 $0x640;
	s2 =	sor.u32 s1, s2;
	s1 =	ssub.s32 $0x2, s1  }
0x6: {  	s5 =	sshll.u32 s2, $0x7;
	s6 =	sshrl.u32 s1, $0x1;
	s7 =	smul.u32 $0x320, s2  }
0x7: {  	s10 =	sshll.u32 s2, $0x4;
	s2 =	sshll.u32 s2, $0xA;
	s8 =	sor.u32 $0x10, s5  }
0x8: {  	s1 =	ssub.s32 s1, s6;
	s6 =	sadd.s32 s3, s10;
	s21 =	sor.u32 $0x50, s5  }
0x9: {  	s25 =	sor.u32 $0x60, s5;
	s9 =	smul.u32 $0x32, s8;
	s7 =	sadd.s32 s4, s7  }
0xa: {  	[dreg:$0x5] =	wrdreg s6;
	s6 =	sor.u32 $0x20, s5;
	s12 =	sshrl.u32 s8, $0x3  }
0xb: {  	s19 =	smul.u32 $0x32, s21;
	s23 =	sshrl.u32 s21, $0x3;
	s24 =	sshrl.u32 s25, $0x3  }
0xc: {  	s29 =	smax.u32 s1, $0x1;
	s1 =	simm.s32 $0x19650;
	[dreg:$0x4] =	wrdreg s7  }
0xd: {  	s10 =	smul.u32 $0x32, s6;
	s13 =	sadd.s32 s3, s12;
	s15 =	sshrl.u32 s6, $0x3  }
0xe: {  	s11 =	sshrl.u32 s9, $0x3;
	[dreg:$0x7] =	wrdreg s13;
	s16 =	sadd.s32 s3, s15  }
0xf: {  	s13 =	smul.u32 $0x32, s25;
	s15 =	sadd.s32 s3, s24;
	s24 =	sshll.u32 s21, $0x3  }
0x10: {  	s25 =	sshll.u32 s25, $0x3;
	s21 =	simm.s32 $0x320;
	s7 =	sadd.s32 s4, s11  }
0x11: {  	s14 =	sshrl.u32 s10, $0x3;
	[dreg:$0x9] =	wrdreg s16;
	s16 =	simm.s32 $0x0  }
0x12: {  	[dreg:$0x6] =	wrdreg s7;
	s7 =	sor.u32 $0x30, s5;
	s9 =	sadd.s32 s4, s14  }
0x13: {  	s22 =	sshrl.u32 s13, $0x3;
	[smem:$0x7FF] =	sst s16;
	s11 =	smul.u32 $0x32, s7  }
0x14: {  	[dreg:$0x8] =	wrdreg s9;
	s9 =	sor.u32 $0x40, s5;
	s12 =	sshrl.u32 s7, $0x3  }
0x15: {  	s5 =	sor.u32 $0x70, s5;
	s18 =	smul.u32 $0x32, s9;
	s12 =	sadd.s32 s3, s12  }
0x16: {  	s20 =	smul.u32 $0x32, s5;
	s14 =	sshrl.u32 s9, $0x3;
	s26 =	sshrl.u32 s5, $0x3  }
0x17: {  	s17 =	sshrl.u32 s11, $0x3;
	[dreg:$0xb] =	wrdreg s12;
	s13 =	sadd.s32 s3, s14  }
0x18: {  	s14 =	sadd.s32 s3, s23;
	s23 =	sshll.u32 s9, $0x3;
	s10 =	sadd.s32 s4, s17  }
0x19: {  	s11 =	sshrl.u32 s18, $0x3;
	s12 =	sshrl.u32 s20, $0x3;
	s17 =	sadd.s32 s3, s26  }
0x1a: {  	s26 =	sshll.u32 s5, $0x3;
	s3 =	simm.s32 $0x1;
	s5 =	simm.s32 $0x2  }
0x1b: {  	[dreg:$0xa] =	wrdreg s10;
	s11 =	sadd.s32 s4, s11;
	s10 =	sshrl.u32 s19, $0x3  }
0x1c: {  	s12 =	sadd.s32 s4, s12;
	[dreg:$0xc] =	wrdreg s11;
	s10 =	sadd.s32 s4, s10  }
0x1d: {  	s11 =	sadd.s32 s4, s22;
	s4 =	sshll.u32 s8, $0x3;
	[dreg:$0xd] =	wrdreg s10  }
0x1e: {  	s8 =	sshll.u32 s6, $0x3;
	s22 =	sshll.u32 s7, $0x3;
	s10 =	rddreg [dreg:$0x2]  }
0x1f: {  	s6 =	simm.s32 $0x0;
	s18 =	sadd.s32 s10, s2;
	s19 =	sadd.s32 s10, s4  }
0x20: {  	s20 =	sadd.s32 s10, s8;
	s22 =	sadd.s32 s10, s22;
	s23 =	sadd.s32 s10, s23  }
0x21: {  	s24 =	sadd.s32 s10, s24;
	s25 =	sadd.s32 s10, s25;
	s26 =	sadd.s32 s10, s26  }
0x22: {  	_ =	strace $0x80000047;
	s2 =	simm.s32 $0xCE40;
	s4 =	simm.s32 $0x19680  }
.LBB2_1:
0x23: {  	s7 =	rddreg [dreg:$0x4]  }
0x24: {  	[tilespmem:s16], [sflag:$0x3] =	stream.linear.gather [hbm4b:s7+s16], $0x320, $0x38;
	[tilespmem:$0x19A80] =	vst v63  }
0x25: {  	_ =	swait.ge [sflag:s30], $0x320  }
0x26: {  	[sflag:s30] =	ssyncset.done $0x0  }
0x27: {  	s8 =	rddreg [dreg:$0x5];
	[sflag:s30] =	ssyncadd.s32 $0xFFFFFCE0  }
0x28: {  	[tilespmem:s31], [sflag:$0x3] =	stream.linear.gather [hbm4b:s8+s16], $0x10, $0x38;
	[tilespmem:$0x19A80] =	vst v63  }
0x29: {  	_ =	swait.ge [sflag:s30], $0x10  }
0x2a: {  	[sflag:s30] =	ssyncset.done $0x0  }
0x2b: {  	[sflag:s30] =	ssyncadd.s32 $0xFFFFFFF0  }
0x2c: {  	[tilespmem:s0], [sflag:$0x1] =	stream.indirect.gather [hbm4b:s28+s21], $0x40, s16, s21, $0xb8;
	[tilespmem:$0x19A80] =	vst v63  }
0x2d: {  	s9 =	rddreg [dreg:$0x6]  }
0x2e: {  	[tilespmem:s21], [sflag:$0x3] =	stream.linear.gather [hbm4b:s9+s16], $0x320, $0x38;
	[tilespmem:$0x19A80] =	vst v63  }
0x2f: {  	_ =	swait.ge [sflag:s30], $0x320  }
0x30: {  	[sflag:s30] =	ssyncset.done $0x0  }
0x31: {  	s10 =	rddreg [dreg:$0x7];
	[sflag:s30] =	ssyncadd.s32 $0xFFFFFCE0  }
0x32: {  	[tilespmem:s1], [sflag:$0x3] =	stream.linear.gather [hbm4b:s10+s16], $0x10, $0x38;
	[tilespmem:$0x19A80] =	vst v63  }
0x33: {  	_ =	swait.ge [sflag:s30], $0x10  }
0x34: {  	[sflag:s30] =	ssyncset.done $0x0  }
0x35: {  	[sflag:s30] =	ssyncadd.s32 $0xFFFFFFF0  }
0x36: {  	[tilespmem:s2], [sflag:$0x2] =	stream.indirect.gather [hbm4b:s28+s21], $0x40, s21, s21, $0xb8;
	[tilespmem:$0x19A80] =	vst v63  }
0x37: {  	_ =	swait.ge [sflag:s3], $0xC800  }
0x38: {  	[sflag:s3] =	ssyncset.done $0x0  }
0x39: {  	[sflag:s3] =	ssyncadd.s32 $0xFFFF3800  }
0x3a: {  	v0 =	vld [tilespmem:$0x19640];
	_ =	sdelay $0x4  }
0x3b: {  	v0 =	vcvt.s32.f32 v0;
	_ =	sdelay $0x1  }
0x3c: {  	v0 =	vadd.f32 $9.999999960e-13, v0;
	_ =	sdelay $0x1  }
0x3d: {  	[tilespmem:$0x19660] =	vst v0  }
0x3e: {  	s7 =	simm.s32 $0x6E0;
	s8 =	simm.s32 $0x0;
	[tilespmem:$0x19670] =	vst v0  }
.LBB2_2:
0x3f: {  	v0 =	vld [tilespmem:s8+$0x19660]  }
0x40: {  	v1 =	vld [tilespmem:s7+$0x60]  }
0x41: {  	v2 =	vld [tilespmem:s7+$0x70]  }
0x42: {  	v3 =	vld [tilespmem:s7+$0x20]  }
0x43: {  	v4 =	vld [tilespmem:s7+$0x30]  }
0x44: {  	v10 =	vld [tilespmem:s7+$0xFFFFFFE0]  }
0x45: {  	v13 =	vld [tilespmem:s7+$0xFFFFFFF0]  }
0x46: {  	v7 =	vld [tilespmem:s7+$0xFFFFFFA0]  }
0x47: {  	v9 =	vld [tilespmem:s7+$0xFFFFFFB0]  }
0x48: {  	v6 =	vld [tilespmem:s7+$0xFFFFFF60]  }
0x49: {  	v8 =	vld [tilespmem:s7+$0xFFFFFF70]  }
0x4a: {  	v11 =	vld [tilespmem:s7+$0xFFFFFF80]  }
0x4b: {  	v12 =	vld [tilespmem:s7+$0xFFFFFF90]  }
0x4c: {  	v14 =	vld [tilespmem:s7+$0xFFFFFFC0]  }
0x4d: {  	v15 =	vld [tilespmem:s7+$0xFFFFFFD0]  }
0x4e: {  	v16 =	vimm.f32 $0.0e+00;
	v5 =	vld [tilespmem:s7+$0x0]  }
0x4f: {  	v17 =	vadd.f32 v6, v16;
	v18 =	vadd.f32 v8, v16;
	v8 =	vld [tilespmem:s7+$0x10]  }
0x50: {  	v11 =	vadd.f32 v11, v16;
	v16 =	vadd.f32 v12, v16;
	v6 =	vld [tilespmem:s7+$0x40]  }
0x51: {  	v17 =	vadd.f32 v7, v17;
	v18 =	vadd.f32 v9, v18;
	v9 =	vld [tilespmem:s7+$0x50]  }
0x52: {  	v12 =	vadd.f32 v14, v11;
	v11 =	vadd.f32 v15, v16;
	v7 =	vld [tilespmem:s7+$0x80]  }
0x53: {  	s9 =	simm.s32 $0x0;
	s10 =	sadd.s32 $0x140, s7;
	v14 =	vadd.f32 v10, v17;
	v13 =	vadd.f32 v13, v18;
	v10 =	vld [tilespmem:s7+$0x90]  }
.LBB2_3:
0x54: {  	v15 =	vld [tilespmem:s10+$0x60];
	v5 =	vadd.f32 v5, v12;
	v8 =	vadd.f32 v8, v11  }
0x55: {  	v11 =	vld [tilespmem:s10+$0x70];
	v12 =	vadd.f32 v3, v14;
	v13 =	vadd.f32 v4, v13  }
0x56: {  	v3 =	vld [tilespmem:s10+$0x20];
	v5 =	vadd.f32 v6, v5;
	v6 =	vadd.f32 v9, v8  }
0x57: {  	v4 =	vld [tilespmem:s10+$0x30];
	v8 =	vadd.f32 v1, v12;
	v9 =	vadd.f32 v2, v13  }
0x58: {  	v13 =	vld [tilespmem:s10+$0xFFFFFFE0];
	v7 =	vadd.f32 v7, v5;
	v6 =	vadd.f32 v10, v6  }
0x59: {  	v10 =	vld [tilespmem:s10+$0xFFFFFFF0];
	v1 =	vmov v15  }
0x5a: {  	v12 =	vld [tilespmem:s10+$0xFFFFFFA0];
	v2 =	vmov v11  }
0x5b: {  	v11 =	vld [tilespmem:s10+$0xFFFFFFB0]  }
0x5c: {  	v14 =	vld [tilespmem:s10+$0xFFFFFF60]  }
0x5d: {  	v15 =	vld [tilespmem:s10+$0xFFFFFF70]  }
0x5e: {  	v16 =	vld [tilespmem:s10+$0xFFFFFF80]  }
0x5f: {  	s9 =	sadd.s32 $0x5, s9;
	v17 =	vld [tilespmem:s10+$0xFFFFFF90]  }
0x60: {  	p0 =	slt.u32 s9, $0x2D;
	v18 =	vld [tilespmem:s10+$0xFFFFFFC0]  }
0x61: {  	v19 =	vld [tilespmem:s10+$0xFFFFFFD0]  }
0x62: {  	v5 =	vld [tilespmem:s10+$0x0]  }
.Ltmp0:
0x63: {  	v14 =	vadd.f32 v14, v8;
	v9 =	vadd.f32 v15, v9;
	v8 =	vld [tilespmem:s10+$0x10];
	(pc) =	sbr.rel @p0 .LBB2_3-.Ltmp0, $4  }
0x64: {  	v7 =	vadd.f32 v16, v7;
	v15 =	vadd.f32 v17, v6;
	v6 =	vld [tilespmem:s10+$0x40]  }
0x65: {  	v14 =	vadd.f32 v12, v14;
	v16 =	vadd.f32 v11, v9;
	v9 =	vld [tilespmem:s10+$0x50]  }
0x66: {  	v12 =	vadd.f32 v18, v7;
	v11 =	vadd.f32 v19, v15;
	v7 =	vld [tilespmem:s10+$0x80]  }
0x67: {  	v14 =	vadd.f32 v13, v14;
	v13 =	vadd.f32 v10, v16;
	v10 =	vld [tilespmem:s10+$0x90];
	s10 =	sadd.s32 $0x140, s10  }
0x68: {  	v0 =	vbroadcast v0, $0x0;
	_ =	sdelay $0x1  }
0x69: {  	(erf) = vrcp.f32 v0;
	_ =	sdelay $0x5  }
0x6a: {  	v59 =	vadd.f32 v5, v12;
	v3 =	vadd.f32 v3, v14  }
0x6b: {  	v60 =	vadd.f32 v8, v11;
	v4 =	vadd.f32 v4, v13  }
0x6c: {  	v0 =	vadd.f32 v6, v59;
	v1 =	vadd.f32 v1, v3  }
0x6d: {  	s9 =	sshll.u32 s8, $0x6;
	s8 =	sadd.s32 $0x1, s8;
	v61 =	vadd.f32 v9, v60;
	v2 =	vadd.f32 v2, v4;
	v62 =	vpop (erf)  }
0x6e: {  	p0 =	sne.s32 s8, $0x10;
	v0 =	vadd.f32 v7, v0;
	v1 =	vmul.f32 v1, v62  }
.Ltmp1:
0x6f: {  	s9 =	sand.u32 $0x3FFFFFC0, s9;
	v3 =	vadd.f32 v10, v61;
	v2 =	vmul.f32 v2, v62;
	(pc) =	sbr.rel @p0 .LBB2_2-.Ltmp1, $4  }
0x70: {  	v0 =	vmul.f32 v0, v62;
	[tilespmem:s9+$0x19680] =	vst v1  }
0x71: {  	v63 =	vmul.f32 v3, v62;
	[tilespmem:s9+$0x19690] =	vst v2  }
0x72: {  	[tilespmem:s9+$0x196A0] =	vst v0  }
0x73: {  	s7 =	sadd.s32 $0xC80, s7;
	[tilespmem:s9+$0x196B0] =	vst v63  }
0x74: {  	s7 =	simm.s32 $0x0  }
0x75: {  	[hbm4b:s18+s7] =	stream.linear.scatter [tilespmem:s4], [sflag:$0x3], $0x400, $0x38;
	[tilespmem:$0x19A80] =	vst v63  }
0x76: {  	_ =	swait.ge [sflag:s30], $0x400  }
0x77: {  	[sflag:s30] =	ssyncset.done $0x0  }
0x78: {  	s8 =	rddreg [dreg:$0x8];
	[sflag:s30] =	ssyncadd.s32 $0xFFFFFC00  }
0x79: {  	[tilespmem:s7], [sflag:$0x3] =	stream.linear.gather [hbm4b:s8+s7], $0x320, $0x38;
	[tilespmem:$0x19A80] =	vst v63  }
0x7a: {  	_ =	swait.ge [sflag:s30], $0x320  }
0x7b: {  	[sflag:s30] =	ssyncset.done $0x0  }
0x7c: {  	s10 =	rddreg [dreg:$0x9];
	[sflag:s30] =	ssyncadd.s32 $0xFFFFFCE0  }
0x7d: {  	[tilespmem:s31], [sflag:$0x3] =	stream.linear.gather [hbm4b:s10+s7], $0x10, $0x38;
	[tilespmem:$0x19A80] =	vst v63  }
0x7e: {  	_ =	swait.ge [sflag:s30], $0x10  }
0x7f: {  	[sflag:s30] =	ssyncset.done $0x0  }
0x80: {  	[sflag:s30] =	ssyncadd.s32 $0xFFFFFFF0  }
0x81: {  	[tilespmem:s0], [sflag:$0x1] =	stream.indirect.gather [hbm4b:s28+s21], $0x40, s7, s21, $0xb8;
	[tilespmem:$0x19A80] =	vst v63  }
0x82: {  	_ =	swait.ge [sflag:s5], $0xC800  }
0x83: {  	[sflag:s5] =	ssyncset.done $0x0  }
0x84: {  	[sflag:s5] =	ssyncadd.s32 $0xFFFF3800  }
0x85: {  	v0 =	vld [tilespmem:$0x19650];
	_ =	sdelay $0x4  }
0x86: {  	v0 =	vcvt.s32.f32 v0;
	_ =	sdelay $0x1  }
0x87: {  	v0 =	vadd.f32 $9.999999960e-13, v0;
	_ =	sdelay $0x1  }
0x88: {  	[tilespmem:$0x19660] =	vst v0  }
0x89: {  	s8 =	simm.s32 $0xCEE0;
	[tilespmem:$0x19670] =	vst v0  }
.LBB2_6:
0x8a: {  	v0 =	vld [tilespmem:s7+$0x19660]  }
0x8b: {  	v1 =	vld [tilespmem:s8+$0x60]  }
0x8c: {  	v2 =	vld [tilespmem:s8+$0x70]  }
0x8d: {  	v3 =	vld [tilespmem:s8+$0x20]  }
0x8e: {  	v4 =	vld [tilespmem:s8+$0x30]  }
0x8f: {  	v10 =	vld [tilespmem:s8+$0xFFFFFFE0]  }
0x90: {  	v13 =	vld [tilespmem:s8+$0xFFFFFFF0]  }
0x91: {  	v7 =	vld [tilespmem:s8+$0xFFFFFFA0]  }
0x92: {  	v9 =	vld [tilespmem:s8+$0xFFFFFFB0]  }
0x93: {  	v6 =	vld [tilespmem:s8+$0xFFFFFF60]  }
0x94: {  	v8 =	vld [tilespmem:s8+$0xFFFFFF70]  }
0x95: {  	v11 =	vld [tilespmem:s8+$0xFFFFFF80]  }
0x96: {  	v12 =	vld [tilespmem:s8+$0xFFFFFF90]  }
0x97: {  	v14 =	vld [tilespmem:s8+$0xFFFFFFC0]  }
0x98: {  	v15 =	vld [tilespmem:s8+$0xFFFFFFD0]  }
0x99: {  	v16 =	vimm.f32 $0.0e+00;
	v5 =	vld [tilespmem:s8+$0x0]  }
0x9a: {  	v17 =	vadd.f32 v6, v16;
	v18 =	vadd.f32 v8, v16;
	v8 =	vld [tilespmem:s8+$0x10]  }
0x9b: {  	v11 =	vadd.f32 v11, v16;
	v16 =	vadd.f32 v12, v16;
	v6 =	vld [tilespmem:s8+$0x40]  }
0x9c: {  	v17 =	vadd.f32 v7, v17;
	v18 =	vadd.f32 v9, v18;
	v9 =	vld [tilespmem:s8+$0x50]  }
0x9d: {  	v12 =	vadd.f32 v14, v11;
	v11 =	vadd.f32 v15, v16;
	v7 =	vld [tilespmem:s8+$0x80]  }
0x9e: {  	s9 =	simm.s32 $0x0;
	s10 =	sadd.s32 $0x140, s8;
	v14 =	vadd.f32 v10, v17;
	v13 =	vadd.f32 v13, v18;
	v10 =	vld [tilespmem:s8+$0x90]  }
.LBB2_7:
0x9f: {  	v15 =	vld [tilespmem:s10+$0x60];
	v5 =	vadd.f32 v5, v12;
	v8 =	vadd.f32 v8, v11  }
0xa0: {  	v11 =	vld [tilespmem:s10+$0x70];
	v12 =	vadd.f32 v3, v14;
	v13 =	vadd.f32 v4, v13  }
0xa1: {  	v3 =	vld [tilespmem:s10+$0x20];
	v5 =	vadd.f32 v6, v5;
	v6 =	vadd.f32 v9, v8  }
0xa2: {  	v4 =	vld [tilespmem:s10+$0x30];
	v8 =	vadd.f32 v1, v12;
	v9 =	vadd.f32 v2, v13  }
0xa3: {  	v13 =	vld [tilespmem:s10+$0xFFFFFFE0];
	v7 =	vadd.f32 v7, v5;
	v6 =	vadd.f32 v10, v6  }
0xa4: {  	v10 =	vld [tilespmem:s10+$0xFFFFFFF0];
	v1 =	vmov v15  }
0xa5: {  	v12 =	vld [tilespmem:s10+$0xFFFFFFA0];
	v2 =	vmov v11  }
0xa6: {  	v11 =	vld [tilespmem:s10+$0xFFFFFFB0]  }
0xa7: {  	v14 =	vld [tilespmem:s10+$0xFFFFFF60]  }
0xa8: {  	v15 =	vld [tilespmem:s10+$0xFFFFFF70]  }
0xa9: {  	v16 =	vld [tilespmem:s10+$0xFFFFFF80]  }
0xaa: {  	s9 =	sadd.s32 $0x5, s9;
	v17 =	vld [tilespmem:s10+$0xFFFFFF90]  }
0xab: {  	p0 =	slt.u32 s9, $0x2D;
	v18 =	vld [tilespmem:s10+$0xFFFFFFC0]  }
0xac: {  	v19 =	vld [tilespmem:s10+$0xFFFFFFD0]  }
0xad: {  	v5 =	vld [tilespmem:s10+$0x0]  }
.Ltmp2:
0xae: {  	v14 =	vadd.f32 v14, v8;
	v9 =	vadd.f32 v15, v9;
	v8 =	vld [tilespmem:s10+$0x10];
	(pc) =	sbr.rel @p0 .LBB2_7-.Ltmp2, $4  }
0xaf: {  	v7 =	vadd.f32 v16, v7;
	v15 =	vadd.f32 v17, v6;
	v6 =	vld [tilespmem:s10+$0x40]  }
0xb0: {  	v14 =	vadd.f32 v12, v14;
	v16 =	vadd.f32 v11, v9;
	v9 =	vld [tilespmem:s10+$0x50]  }
0xb1: {  	v12 =	vadd.f32 v18, v7;
	v11 =	vadd.f32 v19, v15;
	v7 =	vld [tilespmem:s10+$0x80]  }
0xb2: {  	v14 =	vadd.f32 v13, v14;
	v13 =	vadd.f32 v10, v16;
	v10 =	vld [tilespmem:s10+$0x90];
	s10 =	sadd.s32 $0x140, s10  }
0xb3: {  	v0 =	vbroadcast v0, $0x0;
	_ =	sdelay $0x1  }
0xb4: {  	(erf) = vrcp.f32 v0;
	_ =	sdelay $0x5  }
0xb5: {  	v59 =	vadd.f32 v5, v12;
	v3 =	vadd.f32 v3, v14  }
0xb6: {  	v60 =	vadd.f32 v8, v11;
	v4 =	vadd.f32 v4, v13  }
0xb7: {  	v0 =	vadd.f32 v6, v59;
	v1 =	vadd.f32 v1, v3  }
0xb8: {  	s9 =	sshll.u32 s7, $0x6;
	s7 =	sadd.s32 $0x1, s7;
	v61 =	vadd.f32 v9, v60;
	v2 =	vadd.f32 v2, v4;
	v62 =	vpop (erf)  }
0xb9: {  	p0 =	sne.s32 s7, $0x10;
	v0 =	vadd.f32 v7, v0;
	v1 =	vmul.f32 v1, v62  }
.Ltmp3:
0xba: {  	s9 =	sand.u32 $0x3FFFFFC0, s9;
	v3 =	vadd.f32 v10, v61;
	v2 =	vmul.f32 v2, v62;
	(pc) =	sbr.rel @p0 .LBB2_6-.Ltmp3, $4  }
0xbb: {  	v0 =	vmul.f32 v0, v62;
	[tilespmem:s9+$0x19680] =	vst v1  }
0xbc: {  	v63 =	vmul.f32 v3, v62;
	[tilespmem:s9+$0x19690] =	vst v2  }
0xbd: {  	[tilespmem:s9+$0x196A0] =	vst v0  }
0xbe: {  	s8 =	sadd.s32 $0xC80, s8;
	[tilespmem:s9+$0x196B0] =	vst v63  }
0xbf: {  	s7 =	simm.s32 $0x0  }
0xc0: {  	[hbm4b:s19+s7] =	stream.linear.scatter [tilespmem:s4], [sflag:$0x3], $0x400, $0x38;
	[tilespmem:$0x19A80] =	vst v63  }
0xc1: {  	_ =	swait.ge [sflag:s30], $0x400  }
0xc2: {  	[sflag:s30] =	ssyncset.done $0x0  }
0xc3: {  	s8 =	rddreg [dreg:$0xa];
	[sflag:s30] =	ssyncadd.s32 $0xFFFFFC00  }
0xc4: {  	[tilespmem:s21], [sflag:$0x3] =	stream.linear.gather [hbm4b:s8+s7], $0x320, $0x38;
	[tilespmem:$0x19A80] =	vst v63  }
0xc5: {  	_ =	swait.ge [sflag:s30], $0x320  }
0xc6: {  	[sflag:s30] =	ssyncset.done $0x0  }
0xc7: {  	s10 =	rddreg [dreg:$0xb];
	[sflag:s30] =	ssyncadd.s32 $0xFFFFFCE0  }
0xc8: {  	[tilespmem:s1], [sflag:$0x3] =	stream.linear.gather [hbm4b:s10+s7], $0x10, $0x38;
	[tilespmem:$0x19A80] =	vst v63  }
0xc9: {  	_ =	swait.ge [sflag:s30], $0x10  }
0xca: {  	[sflag:s30] =	ssyncset.done $0x0  }
0xcb: {  	[sflag:s30] =	ssyncadd.s32 $0xFFFFFFF0  }
0xcc: {  	[tilespmem:s2], [sflag:$0x2] =	stream.indirect.gather [hbm4b:s28+s21], $0x40, s21, s21, $0xb8;
	[tilespmem:$0x19A80] =	vst v63  }
0xcd: {  	_ =	swait.ge [sflag:s3], $0xC800  }
0xce: {  	[sflag:s3] =	ssyncset.done $0x0  }
0xcf: {  	[sflag:s3] =	ssyncadd.s32 $0xFFFF3800  }
0xd0: {  	v0 =	vld [tilespmem:$0x19640];
	_ =	sdelay $0x4  }
0xd1: {  	v0 =	vcvt.s32.f32 v0;
	_ =	sdelay $0x1  }
0xd2: {  	v0 =	vadd.f32 $9.999999960e-13, v0;
	_ =	sdelay $0x1  }
0xd3: {  	[tilespmem:$0x19660] =	vst v0  }
0xd4: {  	s8 =	simm.s32 $0x6E0;
	[tilespmem:$0x19670] =	vst v0  }
.LBB2_10:
0xd5: {  	v0 =	vld [tilespmem:s7+$0x19660]  }
0xd6: {  	v1 =	vld [tilespmem:s8+$0x60]  }
0xd7: {  	v2 =	vld [tilespmem:s8+$0x70]  }
0xd8: {  	v3 =	vld [tilespmem:s8+$0x20]  }
0xd9: {  	v4 =	vld [tilespmem:s8+$0x30]  }
0xda: {  	v10 =	vld [tilespmem:s8+$0xFFFFFFE0]  }
0xdb: {  	v13 =	vld [tilespmem:s8+$0xFFFFFFF0]  }
0xdc: {  	v7 =	vld [tilespmem:s8+$0xFFFFFFA0]  }
0xdd: {  	v9 =	vld [tilespmem:s8+$0xFFFFFFB0]  }
0xde: {  	v6 =	vld [tilespmem:s8+$0xFFFFFF60]  }
0xdf: {  	v8 =	vld [tilespmem:s8+$0xFFFFFF70]  }
0xe0: {  	v11 =	vld [tilespmem:s8+$0xFFFFFF80]  }
0xe1: {  	v12 =	vld [tilespmem:s8+$0xFFFFFF90]  }
0xe2: {  	v14 =	vld [tilespmem:s8+$0xFFFFFFC0]  }
0xe3: {  	v15 =	vld [tilespmem:s8+$0xFFFFFFD0]  }
0xe4: {  	v16 =	vimm.f32 $0.0e+00;
	v5 =	vld [tilespmem:s8+$0x0]  }
0xe5: {  	v17 =	vadd.f32 v6, v16;
	v18 =	vadd.f32 v8, v16;
	v8 =	vld [tilespmem:s8+$0x10]  }
0xe6: {  	v11 =	vadd.f32 v11, v16;
	v16 =	vadd.f32 v12, v16;
	v6 =	vld [tilespmem:s8+$0x40]  }
0xe7: {  	v17 =	vadd.f32 v7, v17;
	v18 =	vadd.f32 v9, v18;
	v9 =	vld [tilespmem:s8+$0x50]  }
0xe8: {  	v12 =	vadd.f32 v14, v11;
	v11 =	vadd.f32 v15, v16;
	v7 =	vld [tilespmem:s8+$0x80]  }
0xe9: {  	s9 =	simm.s32 $0x0;
	s10 =	sadd.s32 $0x140, s8;
	v14 =	vadd.f32 v10, v17;
	v13 =	vadd.f32 v13, v18;
	v10 =	vld [tilespmem:s8+$0x90]  }
.LBB2_11:
0xea: {  	v15 =	vld [tilespmem:s10+$0x60];
	v5 =	vadd.f32 v5, v12;
	v8 =	vadd.f32 v8, v11  }
0xeb: {  	v11 =	vld [tilespmem:s10+$0x70];
	v12 =	vadd.f32 v3, v14;
	v13 =	vadd.f32 v4, v13  }
0xec: {  	v3 =	vld [tilespmem:s10+$0x20];
	v5 =	vadd.f32 v6, v5;
	v6 =	vadd.f32 v9, v8  }
0xed: {  	v4 =	vld [tilespmem:s10+$0x30];
	v8 =	vadd.f32 v1, v12;
	v9 =	vadd.f32 v2, v13  }
0xee: {  	v13 =	vld [tilespmem:s10+$0xFFFFFFE0];
	v7 =	vadd.f32 v7, v5;
	v6 =	vadd.f32 v10, v6  }
0xef: {  	v10 =	vld [tilespmem:s10+$0xFFFFFFF0];
	v1 =	vmov v15  }
0xf0: {  	v12 =	vld [tilespmem:s10+$0xFFFFFFA0];
	v2 =	vmov v11  }
0xf1: {  	v11 =	vld [tilespmem:s10+$0xFFFFFFB0]  }
0xf2: {  	v14 =	vld [tilespmem:s10+$0xFFFFFF60]  }
0xf3: {  	v15 =	vld [tilespmem:s10+$0xFFFFFF70]  }
0xf4: {  	v16 =	vld [tilespmem:s10+$0xFFFFFF80]  }
0xf5: {  	s9 =	sadd.s32 $0x5, s9;
	v17 =	vld [tilespmem:s10+$0xFFFFFF90]  }
0xf6: {  	p0 =	slt.u32 s9, $0x2D;
	v18 =	vld [tilespmem:s10+$0xFFFFFFC0]  }
0xf7: {  	v19 =	vld [tilespmem:s10+$0xFFFFFFD0]  }
0xf8: {  	v5 =	vld [tilespmem:s10+$0x0]  }
.Ltmp4:
0xf9: {  	v14 =	vadd.f32 v14, v8;
	v9 =	vadd.f32 v15, v9;
	v8 =	vld [tilespmem:s10+$0x10];
	(pc) =	sbr.rel @p0 .LBB2_11-.Ltmp4, $4  }
0xfa: {  	v7 =	vadd.f32 v16, v7;
	v15 =	vadd.f32 v17, v6;
	v6 =	vld [tilespmem:s10+$0x40]  }
0xfb: {  	v14 =	vadd.f32 v12, v14;
	v16 =	vadd.f32 v11, v9;
	v9 =	vld [tilespmem:s10+$0x50]  }
0xfc: {  	v12 =	vadd.f32 v18, v7;
	v11 =	vadd.f32 v19, v15;
	v7 =	vld [tilespmem:s10+$0x80]  }
0xfd: {  	v14 =	vadd.f32 v13, v14;
	v13 =	vadd.f32 v10, v16;
	v10 =	vld [tilespmem:s10+$0x90];
	s10 =	sadd.s32 $0x140, s10  }
0xfe: {  	v0 =	vbroadcast v0, $0x0;
	_ =	sdelay $0x1  }
0xff: {  	(erf) = vrcp.f32 v0;
	_ =	sdelay $0x5  }
0x100: {  	v59 =	vadd.f32 v5, v12;
	v3 =	vadd.f32 v3, v14  }
0x101: {  	v60 =	vadd.f32 v8, v11;
	v4 =	vadd.f32 v4, v13  }
0x102: {  	v0 =	vadd.f32 v6, v59;
	v1 =	vadd.f32 v1, v3  }
0x103: {  	s9 =	sshll.u32 s7, $0x6;
	s7 =	sadd.s32 $0x1, s7;
	v61 =	vadd.f32 v9, v60;
	v2 =	vadd.f32 v2, v4;
	v62 =	vpop (erf)  }
0x104: {  	p0 =	sne.s32 s7, $0x10;
	v0 =	vadd.f32 v7, v0;
	v1 =	vmul.f32 v1, v62  }
.Ltmp5:
0x105: {  	s9 =	sand.u32 $0x3FFFFFC0, s9;
	v3 =	vadd.f32 v10, v61;
	v2 =	vmul.f32 v2, v62;
	(pc) =	sbr.rel @p0 .LBB2_10-.Ltmp5, $4  }
0x106: {  	v0 =	vmul.f32 v0, v62;
	[tilespmem:s9+$0x19680] =	vst v1  }
0x107: {  	v63 =	vmul.f32 v3, v62;
	[tilespmem:s9+$0x19690] =	vst v2  }
0x108: {  	[tilespmem:s9+$0x196A0] =	vst v0  }
0x109: {  	s8 =	sadd.s32 $0xC80, s8;
	[tilespmem:s9+$0x196B0] =	vst v63  }
0x10a: {  	s7 =	simm.s32 $0x0  }
0x10b: {  	[hbm4b:s20+s7] =	stream.linear.scatter [tilespmem:s4], [sflag:$0x3], $0x400, $0x38;
	[tilespmem:$0x19A80] =	vst v63  }
0x10c: {  	_ =	swait.ge [sflag:s30], $0x400  }
0x10d: {  	[sflag:s30] =	ssyncset.done $0x0  }
0x10e: {  	s8 =	rddreg [dreg:$0xc];
	[sflag:s30] =	ssyncadd.s32 $0xFFFFFC00  }
0x10f: {  	[tilespmem:s7], [sflag:$0x3] =	stream.linear.gather [hbm4b:s8+s7], $0x320, $0x38;
	[tilespmem:$0x19A80] =	vst v63  }
0x110: {  	_ =	swait.ge [sflag:s30], $0x320  }
0x111: {  	[sflag:s30] =	ssyncset.done $0x0  }
0x112: {  	[sflag:s30] =	ssyncadd.s32 $0xFFFFFCE0  }
0x113: {  	[tilespmem:s31], [sflag:$0x3] =	stream.linear.gather [hbm4b:s13+s7], $0x10, $0x38;
	[tilespmem:$0x19A80] =	vst v63  }
0x114: {  	_ =	swait.ge [sflag:s30], $0x10  }
0x115: {  	[sflag:s30] =	ssyncset.done $0x0  }
0x116: {  	[sflag:s30] =	ssyncadd.s32 $0xFFFFFFF0  }
0x117: {  	[tilespmem:s0], [sflag:$0x1] =	stream.indirect.gather [hbm4b:s28+s21], $0x40, s7, s21, $0xb8;
	[tilespmem:$0x19A80] =	vst v63  }
0x118: {  	_ =	swait.ge [sflag:s5], $0xC800  }
0x119: {  	[sflag:s5] =	ssyncset.done $0x0  }
0x11a: {  	[sflag:s5] =	ssyncadd.s32 $0xFFFF3800  }
0x11b: {  	v0 =	vld [tilespmem:$0x19650];
	_ =	sdelay $0x4  }
0x11c: {  	v0 =	vcvt.s32.f32 v0;
	_ =	sdelay $0x1  }
0x11d: {  	v0 =	vadd.f32 $9.999999960e-13, v0;
	_ =	sdelay $0x1  }
0x11e: {  	[tilespmem:$0x19660] =	vst v0  }
0x11f: {  	s8 =	simm.s32 $0xCEE0;
	[tilespmem:$0x19670] =	vst v0  }
.LBB2_14:
0x120: {  	v0 =	vld [tilespmem:s7+$0x19660]  }
0x121: {  	v1 =	vld [tilespmem:s8+$0x60]  }
0x122: {  	v2 =	vld [tilespmem:s8+$0x70]  }
0x123: {  	v3 =	vld [tilespmem:s8+$0x20]  }
0x124: {  	v4 =	vld [tilespmem:s8+$0x30]  }
0x125: {  	v10 =	vld [tilespmem:s8+$0xFFFFFFE0]  }
0x126: {  	v13 =	vld [tilespmem:s8+$0xFFFFFFF0]  }
0x127: {  	v7 =	vld [tilespmem:s8+$0xFFFFFFA0]  }
0x128: {  	v9 =	vld [tilespmem:s8+$0xFFFFFFB0]  }
0x129: {  	v6 =	vld [tilespmem:s8+$0xFFFFFF60]  }
0x12a: {  	v8 =	vld [tilespmem:s8+$0xFFFFFF70]  }
0x12b: {  	v11 =	vld [tilespmem:s8+$0xFFFFFF80]  }
0x12c: {  	v12 =	vld [tilespmem:s8+$0xFFFFFF90]  }
0x12d: {  	v14 =	vld [tilespmem:s8+$0xFFFFFFC0]  }
0x12e: {  	v15 =	vld [tilespmem:s8+$0xFFFFFFD0]  }
0x12f: {  	v16 =	vimm.f32 $0.0e+00;
	v5 =	vld [tilespmem:s8+$0x0]  }
0x130: {  	v17 =	vadd.f32 v6, v16;
	v18 =	vadd.f32 v8, v16;
	v8 =	vld [tilespmem:s8+$0x10]  }
0x131: {  	v11 =	vadd.f32 v11, v16;
	v16 =	vadd.f32 v12, v16;
	v6 =	vld [tilespmem:s8+$0x40]  }
0x132: {  	v17 =	vadd.f32 v7, v17;
	v18 =	vadd.f32 v9, v18;
	v9 =	vld [tilespmem:s8+$0x50]  }
0x133: {  	v12 =	vadd.f32 v14, v11;
	v11 =	vadd.f32 v15, v16;
	v7 =	vld [tilespmem:s8+$0x80]  }
0x134: {  	s9 =	simm.s32 $0x0;
	s10 =	sadd.s32 $0x140, s8;
	v14 =	vadd.f32 v10, v17;
	v13 =	vadd.f32 v13, v18;
	v10 =	vld [tilespmem:s8+$0x90]  }
.LBB2_15:
0x135: {  	v15 =	vld [tilespmem:s10+$0x60];
	v5 =	vadd.f32 v5, v12;
	v8 =	vadd.f32 v8, v11  }
0x136: {  	v11 =	vld [tilespmem:s10+$0x70];
	v12 =	vadd.f32 v3, v14;
	v13 =	vadd.f32 v4, v13  }
0x137: {  	v3 =	vld [tilespmem:s10+$0x20];
	v5 =	vadd.f32 v6, v5;
	v6 =	vadd.f32 v9, v8  }
0x138: {  	v4 =	vld [tilespmem:s10+$0x30];
	v8 =	vadd.f32 v1, v12;
	v9 =	vadd.f32 v2, v13  }
0x139: {  	v13 =	vld [tilespmem:s10+$0xFFFFFFE0];
	v7 =	vadd.f32 v7, v5;
	v6 =	vadd.f32 v10, v6  }
0x13a: {  	v10 =	vld [tilespmem:s10+$0xFFFFFFF0];
	v1 =	vmov v15  }
0x13b: {  	v12 =	vld [tilespmem:s10+$0xFFFFFFA0];
	v2 =	vmov v11  }
0x13c: {  	v11 =	vld [tilespmem:s10+$0xFFFFFFB0]  }
0x13d: {  	v14 =	vld [tilespmem:s10+$0xFFFFFF60]  }
0x13e: {  	v15 =	vld [tilespmem:s10+$0xFFFFFF70]  }
0x13f: {  	v16 =	vld [tilespmem:s10+$0xFFFFFF80]  }
0x140: {  	s9 =	sadd.s32 $0x5, s9;
	v17 =	vld [tilespmem:s10+$0xFFFFFF90]  }
0x141: {  	p0 =	slt.u32 s9, $0x2D;
	v18 =	vld [tilespmem:s10+$0xFFFFFFC0]  }
0x142: {  	v19 =	vld [tilespmem:s10+$0xFFFFFFD0]  }
0x143: {  	v5 =	vld [tilespmem:s10+$0x0]  }
.Ltmp6:
0x144: {  	v14 =	vadd.f32 v14, v8;
	v9 =	vadd.f32 v15, v9;
	v8 =	vld [tilespmem:s10+$0x10];
	(pc) =	sbr.rel @p0 .LBB2_15-.Ltmp6, $4  }
0x145: {  	v7 =	vadd.f32 v16, v7;
	v15 =	vadd.f32 v17, v6;
	v6 =	vld [tilespmem:s10+$0x40]  }
0x146: {  	v14 =	vadd.f32 v12, v14;
	v16 =	vadd.f32 v11, v9;
	v9 =	vld [tilespmem:s10+$0x50]  }
0x147: {  	v12 =	vadd.f32 v18, v7;
	v11 =	vadd.f32 v19, v15;
	v7 =	vld [tilespmem:s10+$0x80]  }
0x148: {  	v14 =	vadd.f32 v13, v14;
	v13 =	vadd.f32 v10, v16;
	v10 =	vld [tilespmem:s10+$0x90];
	s10 =	sadd.s32 $0x140, s10  }
0x149: {  	v0 =	vbroadcast v0, $0x0;
	_ =	sdelay $0x1  }
0x14a: {  	(erf) = vrcp.f32 v0;
	_ =	sdelay $0x5  }
0x14b: {  	v59 =	vadd.f32 v5, v12;
	v3 =	vadd.f32 v3, v14  }
0x14c: {  	v60 =	vadd.f32 v8, v11;
	v4 =	vadd.f32 v4, v13  }
0x14d: {  	v0 =	vadd.f32 v6, v59;
	v1 =	vadd.f32 v1, v3  }
0x14e: {  	s9 =	sshll.u32 s7, $0x6;
	s7 =	sadd.s32 $0x1, s7;
	v61 =	vadd.f32 v9, v60;
	v2 =	vadd.f32 v2, v4;
	v62 =	vpop (erf)  }
0x14f: {  	p0 =	sne.s32 s7, $0x10;
	v0 =	vadd.f32 v7, v0;
	v1 =	vmul.f32 v1, v62  }
.Ltmp7:
0x150: {  	s9 =	sand.u32 $0x3FFFFFC0, s9;
	v3 =	vadd.f32 v10, v61;
	v2 =	vmul.f32 v2, v62;
	(pc) =	sbr.rel @p0 .LBB2_14-.Ltmp7, $4  }
0x151: {  	v0 =	vmul.f32 v0, v62;
	[tilespmem:s9+$0x19680] =	vst v1  }
0x152: {  	v63 =	vmul.f32 v3, v62;
	[tilespmem:s9+$0x19690] =	vst v2  }
0x153: {  	[tilespmem:s9+$0x196A0] =	vst v0  }
0x154: {  	s8 =	sadd.s32 $0xC80, s8;
	[tilespmem:s9+$0x196B0] =	vst v63  }
0x155: {  	s7 =	simm.s32 $0x0  }
0x156: {  	[hbm4b:s22+s7] =	stream.linear.scatter [tilespmem:s4], [sflag:$0x3], $0x400, $0x38;
	[tilespmem:$0x19A80] =	vst v63  }
0x157: {  	_ =	swait.ge [sflag:s30], $0x400  }
0x158: {  	[sflag:s30] =	ssyncset.done $0x0  }
0x159: {  	s8 =	rddreg [dreg:$0xd];
	[sflag:s30] =	ssyncadd.s32 $0xFFFFFC00  }
0x15a: {  	[tilespmem:s21], [sflag:$0x3] =	stream.linear.gather [hbm4b:s8+s7], $0x320, $0x38;
	[tilespmem:$0x19A80] =	vst v63  }
0x15b: {  	_ =	swait.ge [sflag:s30], $0x320  }
0x15c: {  	[sflag:s30] =	ssyncset.done $0x0  }
0x15d: {  	[sflag:s30] =	ssyncadd.s32 $0xFFFFFCE0  }
0x15e: {  	[tilespmem:s1], [sflag:$0x3] =	stream.linear.gather [hbm4b:s14+s7], $0x10, $0x38;
	[tilespmem:$0x19A80] =	vst v63  }
0x15f: {  	_ =	swait.ge [sflag:s30], $0x10  }
0x160: {  	[sflag:s30] =	ssyncset.done $0x0  }
0x161: {  	[sflag:s30] =	ssyncadd.s32 $0xFFFFFFF0  }
0x162: {  	[tilespmem:s2], [sflag:$0x2] =	stream.indirect.gather [hbm4b:s28+s21], $0x40, s21, s21, $0xb8;
	[tilespmem:$0x19A80] =	vst v63  }
0x163: {  	_ =	swait.ge [sflag:s3], $0xC800  }
0x164: {  	[sflag:s3] =	ssyncset.done $0x0  }
0x165: {  	[sflag:s3] =	ssyncadd.s32 $0xFFFF3800  }
0x166: {  	v0 =	vld [tilespmem:$0x19640];
	_ =	sdelay $0x4  }
0x167: {  	v0 =	vcvt.s32.f32 v0;
	_ =	sdelay $0x1  }
0x168: {  	v0 =	vadd.f32 $9.999999960e-13, v0;
	_ =	sdelay $0x1  }
0x169: {  	[tilespmem:$0x19660] =	vst v0  }
0x16a: {  	s8 =	simm.s32 $0x6E0;
	[tilespmem:$0x19670] =	vst v0  }
.LBB2_18:
0x16b: {  	v0 =	vld [tilespmem:s7+$0x19660]  }
0x16c: {  	v1 =	vld [tilespmem:s8+$0x60]  }
0x16d: {  	v2 =	vld [tilespmem:s8+$0x70]  }
0x16e: {  	v3 =	vld [tilespmem:s8+$0x20]  }
0x16f: {  	v4 =	vld [tilespmem:s8+$0x30]  }
0x170: {  	v10 =	vld [tilespmem:s8+$0xFFFFFFE0]  }
0x171: {  	v13 =	vld [tilespmem:s8+$0xFFFFFFF0]  }
0x172: {  	v7 =	vld [tilespmem:s8+$0xFFFFFFA0]  }
0x173: {  	v9 =	vld [tilespmem:s8+$0xFFFFFFB0]  }
0x174: {  	v6 =	vld [tilespmem:s8+$0xFFFFFF60]  }
0x175: {  	v8 =	vld [tilespmem:s8+$0xFFFFFF70]  }
0x176: {  	v11 =	vld [tilespmem:s8+$0xFFFFFF80]  }
0x177: {  	v12 =	vld [tilespmem:s8+$0xFFFFFF90]  }
0x178: {  	v14 =	vld [tilespmem:s8+$0xFFFFFFC0]  }
0x179: {  	v15 =	vld [tilespmem:s8+$0xFFFFFFD0]  }
0x17a: {  	v16 =	vimm.f32 $0.0e+00;
	v5 =	vld [tilespmem:s8+$0x0]  }
0x17b: {  	v17 =	vadd.f32 v6, v16;
	v18 =	vadd.f32 v8, v16;
	v8 =	vld [tilespmem:s8+$0x10]  }
0x17c: {  	v11 =	vadd.f32 v11, v16;
	v16 =	vadd.f32 v12, v16;
	v6 =	vld [tilespmem:s8+$0x40]  }
0x17d: {  	v17 =	vadd.f32 v7, v17;
	v18 =	vadd.f32 v9, v18;
	v9 =	vld [tilespmem:s8+$0x50]  }
0x17e: {  	v12 =	vadd.f32 v14, v11;
	v11 =	vadd.f32 v15, v16;
	v7 =	vld [tilespmem:s8+$0x80]  }
0x17f: {  	s9 =	simm.s32 $0x0;
	s10 =	sadd.s32 $0x140, s8;
	v14 =	vadd.f32 v10, v17;
	v13 =	vadd.f32 v13, v18;
	v10 =	vld [tilespmem:s8+$0x90]  }
.LBB2_19:
0x180: {  	v15 =	vld [tilespmem:s10+$0x60];
	v5 =	vadd.f32 v5, v12;
	v8 =	vadd.f32 v8, v11  }
0x181: {  	v11 =	vld [tilespmem:s10+$0x70];
	v12 =	vadd.f32 v3, v14;
	v13 =	vadd.f32 v4, v13  }
0x182: {  	v3 =	vld [tilespmem:s10+$0x20];
	v5 =	vadd.f32 v6, v5;
	v6 =	vadd.f32 v9, v8  }
0x183: {  	v4 =	vld [tilespmem:s10+$0x30];
	v8 =	vadd.f32 v1, v12;
	v9 =	vadd.f32 v2, v13  }
0x184: {  	v13 =	vld [tilespmem:s10+$0xFFFFFFE0];
	v7 =	vadd.f32 v7, v5;
	v6 =	vadd.f32 v10, v6  }
0x185: {  	v10 =	vld [tilespmem:s10+$0xFFFFFFF0];
	v1 =	vmov v15  }
0x186: {  	v12 =	vld [tilespmem:s10+$0xFFFFFFA0];
	v2 =	vmov v11  }
0x187: {  	v11 =	vld [tilespmem:s10+$0xFFFFFFB0]  }
0x188: {  	v14 =	vld [tilespmem:s10+$0xFFFFFF60]  }
0x189: {  	v15 =	vld [tilespmem:s10+$0xFFFFFF70]  }
0x18a: {  	v16 =	vld [tilespmem:s10+$0xFFFFFF80]  }
0x18b: {  	s9 =	sadd.s32 $0x5, s9;
	v17 =	vld [tilespmem:s10+$0xFFFFFF90]  }
0x18c: {  	p0 =	slt.u32 s9, $0x2D;
	v18 =	vld [tilespmem:s10+$0xFFFFFFC0]  }
0x18d: {  	v19 =	vld [tilespmem:s10+$0xFFFFFFD0]  }
0x18e: {  	v5 =	vld [tilespmem:s10+$0x0]  }
.Ltmp8:
0x18f: {  	v14 =	vadd.f32 v14, v8;
	v9 =	vadd.f32 v15, v9;
	v8 =	vld [tilespmem:s10+$0x10];
	(pc) =	sbr.rel @p0 .LBB2_19-.Ltmp8, $4  }
0x190: {  	v7 =	vadd.f32 v16, v7;
	v15 =	vadd.f32 v17, v6;
	v6 =	vld [tilespmem:s10+$0x40]  }
0x191: {  	v14 =	vadd.f32 v12, v14;
	v16 =	vadd.f32 v11, v9;
	v9 =	vld [tilespmem:s10+$0x50]  }
0x192: {  	v12 =	vadd.f32 v18, v7;
	v11 =	vadd.f32 v19, v15;
	v7 =	vld [tilespmem:s10+$0x80]  }
0x193: {  	v14 =	vadd.f32 v13, v14;
	v13 =	vadd.f32 v10, v16;
	v10 =	vld [tilespmem:s10+$0x90];
	s10 =	sadd.s32 $0x140, s10  }
0x194: {  	v0 =	vbroadcast v0, $0x0;
	_ =	sdelay $0x1  }
0x195: {  	(erf) = vrcp.f32 v0;
	_ =	sdelay $0x5  }
0x196: {  	v59 =	vadd.f32 v5, v12;
	v3 =	vadd.f32 v3, v14  }
0x197: {  	v60 =	vadd.f32 v8, v11;
	v4 =	vadd.f32 v4, v13  }
0x198: {  	v0 =	vadd.f32 v6, v59;
	v1 =	vadd.f32 v1, v3  }
0x199: {  	s9 =	sshll.u32 s7, $0x6;
	s7 =	sadd.s32 $0x1, s7;
	v61 =	vadd.f32 v9, v60;
	v2 =	vadd.f32 v2, v4;
	v62 =	vpop (erf)  }
0x19a: {  	p0 =	sne.s32 s7, $0x10;
	v0 =	vadd.f32 v7, v0;
	v1 =	vmul.f32 v1, v62  }
.Ltmp9:
0x19b: {  	s9 =	sand.u32 $0x3FFFFFC0, s9;
	v3 =	vadd.f32 v10, v61;
	v2 =	vmul.f32 v2, v62;
	(pc) =	sbr.rel @p0 .LBB2_18-.Ltmp9, $4  }
0x19c: {  	v0 =	vmul.f32 v0, v62;
	[tilespmem:s9+$0x19680] =	vst v1  }
0x19d: {  	v63 =	vmul.f32 v3, v62;
	[tilespmem:s9+$0x19690] =	vst v2  }
0x19e: {  	[tilespmem:s9+$0x196A0] =	vst v0  }
0x19f: {  	s8 =	sadd.s32 $0xC80, s8;
	[tilespmem:s9+$0x196B0] =	vst v63  }
0x1a0: {  	s7 =	simm.s32 $0x0  }
0x1a1: {  	[hbm4b:s23+s7] =	stream.linear.scatter [tilespmem:s4], [sflag:$0x3], $0x400, $0x38;
	[tilespmem:$0x19A80] =	vst v63  }
0x1a2: {  	_ =	swait.ge [sflag:s30], $0x400  }
0x1a3: {  	[sflag:s30] =	ssyncset.done $0x0  }
0x1a4: {  	[sflag:s30] =	ssyncadd.s32 $0xFFFFFC00  }
0x1a5: {  	[tilespmem:s7], [sflag:$0x3] =	stream.linear.gather [hbm4b:s11+s7], $0x320, $0x38;
	[tilespmem:$0x19A80] =	vst v63  }
0x1a6: {  	_ =	swait.ge [sflag:s30], $0x320  }
0x1a7: {  	[sflag:s30] =	ssyncset.done $0x0  }
0x1a8: {  	[sflag:s30] =	ssyncadd.s32 $0xFFFFFCE0  }
0x1a9: {  	[tilespmem:s31], [sflag:$0x3] =	stream.linear.gather [hbm4b:s15+s7], $0x10, $0x38;
	[tilespmem:$0x19A80] =	vst v63  }
0x1aa: {  	_ =	swait.ge [sflag:s30], $0x10  }
0x1ab: {  	[sflag:s30] =	ssyncset.done $0x0  }
0x1ac: {  	[sflag:s30] =	ssyncadd.s32 $0xFFFFFFF0  }
0x1ad: {  	[tilespmem:s0], [sflag:$0x1] =	stream.indirect.gather [hbm4b:s28+s21], $0x40, s7, s21, $0xb8;
	[tilespmem:$0x19A80] =	vst v63  }
0x1ae: {  	_ =	swait.ge [sflag:s5], $0xC800  }
0x1af: {  	[sflag:s5] =	ssyncset.done $0x0  }
0x1b0: {  	[sflag:s5] =	ssyncadd.s32 $0xFFFF3800  }
0x1b1: {  	v0 =	vld [tilespmem:$0x19650];
	_ =	sdelay $0x4  }
0x1b2: {  	v0 =	vcvt.s32.f32 v0;
	_ =	sdelay $0x1  }
0x1b3: {  	v0 =	vadd.f32 $9.999999960e-13, v0;
	_ =	sdelay $0x1  }
0x1b4: {  	[tilespmem:$0x19660] =	vst v0  }
0x1b5: {  	s8 =	simm.s32 $0xCEE0;
	[tilespmem:$0x19670] =	vst v0  }
.LBB2_22:
0x1b6: {  	v0 =	vld [tilespmem:s7+$0x19660]  }
0x1b7: {  	v1 =	vld [tilespmem:s8+$0x60]  }
0x1b8: {  	v2 =	vld [tilespmem:s8+$0x70]  }
0x1b9: {  	v3 =	vld [tilespmem:s8+$0x20]  }
0x1ba: {  	v4 =	vld [tilespmem:s8+$0x30]  }
0x1bb: {  	v10 =	vld [tilespmem:s8+$0xFFFFFFE0]  }
0x1bc: {  	v13 =	vld [tilespmem:s8+$0xFFFFFFF0]  }
0x1bd: {  	v7 =	vld [tilespmem:s8+$0xFFFFFFA0]  }
0x1be: {  	v9 =	vld [tilespmem:s8+$0xFFFFFFB0]  }
0x1bf: {  	v6 =	vld [tilespmem:s8+$0xFFFFFF60]  }
0x1c0: {  	v8 =	vld [tilespmem:s8+$0xFFFFFF70]  }
0x1c1: {  	v11 =	vld [tilespmem:s8+$0xFFFFFF80]  }
0x1c2: {  	v12 =	vld [tilespmem:s8+$0xFFFFFF90]  }
0x1c3: {  	v14 =	vld [tilespmem:s8+$0xFFFFFFC0]  }
0x1c4: {  	v15 =	vld [tilespmem:s8+$0xFFFFFFD0]  }
0x1c5: {  	v16 =	vimm.f32 $0.0e+00;
	v5 =	vld [tilespmem:s8+$0x0]  }
0x1c6: {  	v17 =	vadd.f32 v6, v16;
	v18 =	vadd.f32 v8, v16;
	v8 =	vld [tilespmem:s8+$0x10]  }
0x1c7: {  	v11 =	vadd.f32 v11, v16;
	v16 =	vadd.f32 v12, v16;
	v6 =	vld [tilespmem:s8+$0x40]  }
0x1c8: {  	v17 =	vadd.f32 v7, v17;
	v18 =	vadd.f32 v9, v18;
	v9 =	vld [tilespmem:s8+$0x50]  }
0x1c9: {  	v12 =	vadd.f32 v14, v11;
	v11 =	vadd.f32 v15, v16;
	v7 =	vld [tilespmem:s8+$0x80]  }
0x1ca: {  	s9 =	simm.s32 $0x0;
	s10 =	sadd.s32 $0x140, s8;
	v14 =	vadd.f32 v10, v17;
	v13 =	vadd.f32 v13, v18;
	v10 =	vld [tilespmem:s8+$0x90]  }
.LBB2_23:
0x1cb: {  	v15 =	vld [tilespmem:s10+$0x60];
	v5 =	vadd.f32 v5, v12;
	v8 =	vadd.f32 v8, v11  }
0x1cc: {  	v11 =	vld [tilespmem:s10+$0x70];
	v12 =	vadd.f32 v3, v14;
	v13 =	vadd.f32 v4, v13  }
0x1cd: {  	v3 =	vld [tilespmem:s10+$0x20];
	v5 =	vadd.f32 v6, v5;
	v6 =	vadd.f32 v9, v8  }
0x1ce: {  	v4 =	vld [tilespmem:s10+$0x30];
	v8 =	vadd.f32 v1, v12;
	v9 =	vadd.f32 v2, v13  }
0x1cf: {  	v13 =	vld [tilespmem:s10+$0xFFFFFFE0];
	v7 =	vadd.f32 v7, v5;
	v6 =	vadd.f32 v10, v6  }
0x1d0: {  	v10 =	vld [tilespmem:s10+$0xFFFFFFF0];
	v1 =	vmov v15  }
0x1d1: {  	v12 =	vld [tilespmem:s10+$0xFFFFFFA0];
	v2 =	vmov v11  }
0x1d2: {  	v11 =	vld [tilespmem:s10+$0xFFFFFFB0]  }
0x1d3: {  	v14 =	vld [tilespmem:s10+$0xFFFFFF60]  }
0x1d4: {  	v15 =	vld [tilespmem:s10+$0xFFFFFF70]  }
0x1d5: {  	v16 =	vld [tilespmem:s10+$0xFFFFFF80]  }
0x1d6: {  	s9 =	sadd.s32 $0x5, s9;
	v17 =	vld [tilespmem:s10+$0xFFFFFF90]  }
0x1d7: {  	p0 =	slt.u32 s9, $0x2D;
	v18 =	vld [tilespmem:s10+$0xFFFFFFC0]  }
0x1d8: {  	v19 =	vld [tilespmem:s10+$0xFFFFFFD0]  }
0x1d9: {  	v5 =	vld [tilespmem:s10+$0x0]  }
.Ltmp10:
0x1da: {  	v14 =	vadd.f32 v14, v8;
	v9 =	vadd.f32 v15, v9;
	v8 =	vld [tilespmem:s10+$0x10];
	(pc) =	sbr.rel @p0 .LBB2_23-.Ltmp10, $4  }
0x1db: {  	v7 =	vadd.f32 v16, v7;
	v15 =	vadd.f32 v17, v6;
	v6 =	vld [tilespmem:s10+$0x40]  }
0x1dc: {  	v14 =	vadd.f32 v12, v14;
	v16 =	vadd.f32 v11, v9;
	v9 =	vld [tilespmem:s10+$0x50]  }
0x1dd: {  	v12 =	vadd.f32 v18, v7;
	v11 =	vadd.f32 v19, v15;
	v7 =	vld [tilespmem:s10+$0x80]  }
0x1de: {  	v14 =	vadd.f32 v13, v14;
	v13 =	vadd.f32 v10, v16;
	v10 =	vld [tilespmem:s10+$0x90];
	s10 =	sadd.s32 $0x140, s10  }
0x1df: {  	v0 =	vbroadcast v0, $0x0;
	_ =	sdelay $0x1  }
0x1e0: {  	(erf) = vrcp.f32 v0;
	_ =	sdelay $0x5  }
0x1e1: {  	v59 =	vadd.f32 v5, v12;
	v3 =	vadd.f32 v3, v14  }
0x1e2: {  	v60 =	vadd.f32 v8, v11;
	v4 =	vadd.f32 v4, v13  }
0x1e3: {  	v0 =	vadd.f32 v6, v59;
	v1 =	vadd.f32 v1, v3  }
0x1e4: {  	s9 =	sshll.u32 s7, $0x6;
	s7 =	sadd.s32 $0x1, s7;
	v61 =	vadd.f32 v9, v60;
	v2 =	vadd.f32 v2, v4;
	v62 =	vpop (erf)  }
0x1e5: {  	p0 =	sne.s32 s7, $0x10;
	v0 =	vadd.f32 v7, v0;
	v1 =	vmul.f32 v1, v62  }
.Ltmp11:
0x1e6: {  	s9 =	sand.u32 $0x3FFFFFC0, s9;
	v3 =	vadd.f32 v10, v61;
	v2 =	vmul.f32 v2, v62;
	(pc) =	sbr.rel @p0 .LBB2_22-.Ltmp11, $4  }
0x1e7: {  	v0 =	vmul.f32 v0, v62;
	[tilespmem:s9+$0x19680] =	vst v1  }
0x1e8: {  	v63 =	vmul.f32 v3, v62;
	[tilespmem:s9+$0x19690] =	vst v2  }
0x1e9: {  	[tilespmem:s9+$0x196A0] =	vst v0  }
0x1ea: {  	s8 =	sadd.s32 $0xC80, s8;
	[tilespmem:s9+$0x196B0] =	vst v63  }
0x1eb: {  	s7 =	simm.s32 $0x0  }
0x1ec: {  	[hbm4b:s24+s7] =	stream.linear.scatter [tilespmem:s4], [sflag:$0x3], $0x400, $0x38;
	[tilespmem:$0x19A80] =	vst v63  }
0x1ed: {  	_ =	swait.ge [sflag:s30], $0x400  }
0x1ee: {  	[sflag:s30] =	ssyncset.done $0x0  }
0x1ef: {  	[sflag:s30] =	ssyncadd.s32 $0xFFFFFC00  }
0x1f0: {  	[tilespmem:s21], [sflag:$0x3] =	stream.linear.gather [hbm4b:s12+s7], $0x320, $0x38;
	[tilespmem:$0x19A80] =	vst v63  }
0x1f1: {  	_ =	swait.ge [sflag:s30], $0x320  }
0x1f2: {  	[sflag:s30] =	ssyncset.done $0x0  }
0x1f3: {  	[sflag:s30] =	ssyncadd.s32 $0xFFFFFCE0  }
0x1f4: {  	[tilespmem:s1], [sflag:$0x3] =	stream.linear.gather [hbm4b:s17+s7], $0x10, $0x38;
	[tilespmem:$0x19A80] =	vst v63  }
0x1f5: {  	_ =	swait.ge [sflag:s30], $0x10  }
0x1f6: {  	[sflag:s30] =	ssyncset.done $0x0  }
0x1f7: {  	[sflag:s30] =	ssyncadd.s32 $0xFFFFFFF0  }
0x1f8: {  	[tilespmem:s2], [sflag:$0x2] =	stream.indirect.gather [hbm4b:s28+s21], $0x40, s21, s21, $0xb8;
	[tilespmem:$0x19A80] =	vst v63  }
0x1f9: {  	_ =	swait.ge [sflag:s3], $0xC800  }
0x1fa: {  	[sflag:s3] =	ssyncset.done $0x0  }
0x1fb: {  	[sflag:s3] =	ssyncadd.s32 $0xFFFF3800  }
0x1fc: {  	v0 =	vld [tilespmem:$0x19640];
	_ =	sdelay $0x4  }
0x1fd: {  	v0 =	vcvt.s32.f32 v0;
	_ =	sdelay $0x1  }
0x1fe: {  	v0 =	vadd.f32 $9.999999960e-13, v0;
	_ =	sdelay $0x1  }
0x1ff: {  	[tilespmem:$0x19660] =	vst v0  }
0x200: {  	s8 =	simm.s32 $0x6E0;
	[tilespmem:$0x19670] =	vst v0  }
.LBB2_26:
0x201: {  	v0 =	vld [tilespmem:s7+$0x19660]  }
0x202: {  	v1 =	vld [tilespmem:s8+$0x60]  }
0x203: {  	v2 =	vld [tilespmem:s8+$0x70]  }
0x204: {  	v3 =	vld [tilespmem:s8+$0x20]  }
0x205: {  	v4 =	vld [tilespmem:s8+$0x30]  }
0x206: {  	v10 =	vld [tilespmem:s8+$0xFFFFFFE0]  }
0x207: {  	v13 =	vld [tilespmem:s8+$0xFFFFFFF0]  }
0x208: {  	v7 =	vld [tilespmem:s8+$0xFFFFFFA0]  }
0x209: {  	v9 =	vld [tilespmem:s8+$0xFFFFFFB0]  }
0x20a: {  	v6 =	vld [tilespmem:s8+$0xFFFFFF60]  }
0x20b: {  	v8 =	vld [tilespmem:s8+$0xFFFFFF70]  }
0x20c: {  	v11 =	vld [tilespmem:s8+$0xFFFFFF80]  }
0x20d: {  	v12 =	vld [tilespmem:s8+$0xFFFFFF90]  }
0x20e: {  	v14 =	vld [tilespmem:s8+$0xFFFFFFC0]  }
0x20f: {  	v15 =	vld [tilespmem:s8+$0xFFFFFFD0]  }
0x210: {  	v16 =	vimm.f32 $0.0e+00;
	v5 =	vld [tilespmem:s8+$0x0]  }
0x211: {  	v17 =	vadd.f32 v6, v16;
	v18 =	vadd.f32 v8, v16;
	v8 =	vld [tilespmem:s8+$0x10]  }
0x212: {  	v11 =	vadd.f32 v11, v16;
	v16 =	vadd.f32 v12, v16;
	v6 =	vld [tilespmem:s8+$0x40]  }
0x213: {  	v17 =	vadd.f32 v7, v17;
	v18 =	vadd.f32 v9, v18;
	v9 =	vld [tilespmem:s8+$0x50]  }
0x214: {  	v12 =	vadd.f32 v14, v11;
	v11 =	vadd.f32 v15, v16;
	v7 =	vld [tilespmem:s8+$0x80]  }
0x215: {  	s9 =	simm.s32 $0x0;
	s10 =	sadd.s32 $0x140, s8;
	v14 =	vadd.f32 v10, v17;
	v13 =	vadd.f32 v13, v18;
	v10 =	vld [tilespmem:s8+$0x90]  }
.LBB2_27:
0x216: {  	v15 =	vld [tilespmem:s10+$0x60];
	v5 =	vadd.f32 v5, v12;
	v8 =	vadd.f32 v8, v11  }
0x217: {  	v11 =	vld [tilespmem:s10+$0x70];
	v12 =	vadd.f32 v3, v14;
	v13 =	vadd.f32 v4, v13  }
0x218: {  	v3 =	vld [tilespmem:s10+$0x20];
	v5 =	vadd.f32 v6, v5;
	v6 =	vadd.f32 v9, v8  }
0x219: {  	v4 =	vld [tilespmem:s10+$0x30];
	v8 =	vadd.f32 v1, v12;
	v9 =	vadd.f32 v2, v13  }
0x21a: {  	v13 =	vld [tilespmem:s10+$0xFFFFFFE0];
	v7 =	vadd.f32 v7, v5;
	v6 =	vadd.f32 v10, v6  }
0x21b: {  	v10 =	vld [tilespmem:s10+$0xFFFFFFF0];
	v1 =	vmov v15  }
0x21c: {  	v12 =	vld [tilespmem:s10+$0xFFFFFFA0];
	v2 =	vmov v11  }
0x21d: {  	v11 =	vld [tilespmem:s10+$0xFFFFFFB0]  }
0x21e: {  	v14 =	vld [tilespmem:s10+$0xFFFFFF60]  }
0x21f: {  	v15 =	vld [tilespmem:s10+$0xFFFFFF70]  }
0x220: {  	v16 =	vld [tilespmem:s10+$0xFFFFFF80]  }
0x221: {  	s9 =	sadd.s32 $0x5, s9;
	v17 =	vld [tilespmem:s10+$0xFFFFFF90]  }
0x222: {  	p0 =	slt.u32 s9, $0x2D;
	v18 =	vld [tilespmem:s10+$0xFFFFFFC0]  }
0x223: {  	v19 =	vld [tilespmem:s10+$0xFFFFFFD0]  }
0x224: {  	v5 =	vld [tilespmem:s10+$0x0]  }
.Ltmp12:
0x225: {  	v14 =	vadd.f32 v14, v8;
	v9 =	vadd.f32 v15, v9;
	v8 =	vld [tilespmem:s10+$0x10];
	(pc) =	sbr.rel @p0 .LBB2_27-.Ltmp12, $4  }
0x226: {  	v7 =	vadd.f32 v16, v7;
	v15 =	vadd.f32 v17, v6;
	v6 =	vld [tilespmem:s10+$0x40]  }
0x227: {  	v14 =	vadd.f32 v12, v14;
	v16 =	vadd.f32 v11, v9;
	v9 =	vld [tilespmem:s10+$0x50]  }
0x228: {  	v12 =	vadd.f32 v18, v7;
	v11 =	vadd.f32 v19, v15;
	v7 =	vld [tilespmem:s10+$0x80]  }
0x229: {  	v14 =	vadd.f32 v13, v14;
	v13 =	vadd.f32 v10, v16;
	v10 =	vld [tilespmem:s10+$0x90];
	s10 =	sadd.s32 $0x140, s10  }
0x22a: {  	v0 =	vbroadcast v0, $0x0;
	_ =	sdelay $0x1  }
0x22b: {  	(erf) = vrcp.f32 v0;
	_ =	sdelay $0x5  }
0x22c: {  	v59 =	vadd.f32 v5, v12;
	v3 =	vadd.f32 v3, v14  }
0x22d: {  	v60 =	vadd.f32 v8, v11;
	v4 =	vadd.f32 v4, v13  }
0x22e: {  	v0 =	vadd.f32 v6, v59;
	v1 =	vadd.f32 v1, v3  }
0x22f: {  	s9 =	sshll.u32 s7, $0x6;
	s7 =	sadd.s32 $0x1, s7;
	v61 =	vadd.f32 v9, v60;
	v2 =	vadd.f32 v2, v4;
	v62 =	vpop (erf)  }
0x230: {  	p0 =	sne.s32 s7, $0x10;
	v0 =	vadd.f32 v7, v0;
	v1 =	vmul.f32 v1, v62  }
.Ltmp13:
0x231: {  	s9 =	sand.u32 $0x3FFFFFC0, s9;
	v3 =	vadd.f32 v10, v61;
	v2 =	vmul.f32 v2, v62;
	(pc) =	sbr.rel @p0 .LBB2_26-.Ltmp13, $4  }
0x232: {  	v0 =	vmul.f32 v0, v62;
	[tilespmem:s9+$0x19680] =	vst v1  }
0x233: {  	v63 =	vmul.f32 v3, v62;
	[tilespmem:s9+$0x19690] =	vst v2  }
0x234: {  	[tilespmem:s9+$0x196A0] =	vst v0  }
0x235: {  	s8 =	sadd.s32 $0xC80, s8;
	[tilespmem:s9+$0x196B0] =	vst v63  }
0x236: {  	s7 =	simm.s32 $0x0  }
0x237: {  	[hbm4b:s25+s7] =	stream.linear.scatter [tilespmem:s4], [sflag:$0x3], $0x400, $0x38;
	[tilespmem:$0x19A80] =	vst v63  }
0x238: {  	_ =	swait.ge [sflag:s30], $0x400  }
0x239: {  	[sflag:s30] =	ssyncset.done $0x0  }
0x23a: {  	[sflag:s30] =	ssyncadd.s32 $0xFFFFFC00  }
0x23b: {  	_ =	swait.ge [sflag:s5], $0xC800  }
0x23c: {  	[sflag:s5] =	ssyncset.done $0x0  }
0x23d: {  	[sflag:s5] =	ssyncadd.s32 $0xFFFF3800  }
0x23e: {  	v0 =	vld [tilespmem:$0x19650];
	_ =	sdelay $0x4  }
0x23f: {  	v0 =	vcvt.s32.f32 v0;
	_ =	sdelay $0x1  }
0x240: {  	v0 =	vadd.f32 $9.999999960e-13, v0;
	_ =	sdelay $0x1  }
0x241: {  	[tilespmem:$0x19660] =	vst v0  }
0x242: {  	s8 =	simm.s32 $0xCEE0;
	[tilespmem:$0x19670] =	vst v0  }
.LBB2_30:
0x243: {  	v0 =	vld [tilespmem:s7+$0x19660]  }
0x244: {  	v1 =	vld [tilespmem:s8+$0x60]  }
0x245: {  	v2 =	vld [tilespmem:s8+$0x70]  }
0x246: {  	v3 =	vld [tilespmem:s8+$0x20]  }
0x247: {  	v4 =	vld [tilespmem:s8+$0x30]  }
0x248: {  	v10 =	vld [tilespmem:s8+$0xFFFFFFE0]  }
0x249: {  	v13 =	vld [tilespmem:s8+$0xFFFFFFF0]  }
0x24a: {  	v7 =	vld [tilespmem:s8+$0xFFFFFFA0]  }
0x24b: {  	v9 =	vld [tilespmem:s8+$0xFFFFFFB0]  }
0x24c: {  	v6 =	vld [tilespmem:s8+$0xFFFFFF60]  }
0x24d: {  	v8 =	vld [tilespmem:s8+$0xFFFFFF70]  }
0x24e: {  	v11 =	vld [tilespmem:s8+$0xFFFFFF80]  }
0x24f: {  	v12 =	vld [tilespmem:s8+$0xFFFFFF90]  }
0x250: {  	v14 =	vld [tilespmem:s8+$0xFFFFFFC0]  }
0x251: {  	v15 =	vld [tilespmem:s8+$0xFFFFFFD0]  }
0x252: {  	v16 =	vimm.f32 $0.0e+00;
	v5 =	vld [tilespmem:s8+$0x0]  }
0x253: {  	v17 =	vadd.f32 v6, v16;
	v18 =	vadd.f32 v8, v16;
	v8 =	vld [tilespmem:s8+$0x10]  }
0x254: {  	v11 =	vadd.f32 v11, v16;
	v16 =	vadd.f32 v12, v16;
	v6 =	vld [tilespmem:s8+$0x40]  }
0x255: {  	v17 =	vadd.f32 v7, v17;
	v18 =	vadd.f32 v9, v18;
	v9 =	vld [tilespmem:s8+$0x50]  }
0x256: {  	v12 =	vadd.f32 v14, v11;
	v11 =	vadd.f32 v15, v16;
	v7 =	vld [tilespmem:s8+$0x80]  }
0x257: {  	s9 =	simm.s32 $0x0;
	s10 =	sadd.s32 $0x140, s8;
	v14 =	vadd.f32 v10, v17;
	v13 =	vadd.f32 v13, v18;
	v10 =	vld [tilespmem:s8+$0x90]  }
.LBB2_31:
0x258: {  	v15 =	vld [tilespmem:s10+$0x60];
	v5 =	vadd.f32 v5, v12;
	v8 =	vadd.f32 v8, v11  }
0x259: {  	v11 =	vld [tilespmem:s10+$0x70];
	v12 =	vadd.f32 v3, v14;
	v13 =	vadd.f32 v4, v13  }
0x25a: {  	v3 =	vld [tilespmem:s10+$0x20];
	v5 =	vadd.f32 v6, v5;
	v6 =	vadd.f32 v9, v8  }
0x25b: {  	v4 =	vld [tilespmem:s10+$0x30];
	v8 =	vadd.f32 v1, v12;
	v9 =	vadd.f32 v2, v13  }
0x25c: {  	v13 =	vld [tilespmem:s10+$0xFFFFFFE0];
	v7 =	vadd.f32 v7, v5;
	v6 =	vadd.f32 v10, v6  }
0x25d: {  	v10 =	vld [tilespmem:s10+$0xFFFFFFF0];
	v1 =	vmov v15  }
0x25e: {  	v12 =	vld [tilespmem:s10+$0xFFFFFFA0];
	v2 =	vmov v11  }
0x25f: {  	v11 =	vld [tilespmem:s10+$0xFFFFFFB0]  }
0x260: {  	v14 =	vld [tilespmem:s10+$0xFFFFFF60]  }
0x261: {  	v15 =	vld [tilespmem:s10+$0xFFFFFF70]  }
0x262: {  	v16 =	vld [tilespmem:s10+$0xFFFFFF80]  }
0x263: {  	s9 =	sadd.s32 $0x5, s9;
	v17 =	vld [tilespmem:s10+$0xFFFFFF90]  }
0x264: {  	p0 =	slt.u32 s9, $0x2D;
	v18 =	vld [tilespmem:s10+$0xFFFFFFC0]  }
0x265: {  	v19 =	vld [tilespmem:s10+$0xFFFFFFD0]  }
0x266: {  	v5 =	vld [tilespmem:s10+$0x0]  }
.Ltmp14:
0x267: {  	v14 =	vadd.f32 v14, v8;
	v9 =	vadd.f32 v15, v9;
	v8 =	vld [tilespmem:s10+$0x10];
	(pc) =	sbr.rel @p0 .LBB2_31-.Ltmp14, $4  }
0x268: {  	v7 =	vadd.f32 v16, v7;
	v15 =	vadd.f32 v17, v6;
	v6 =	vld [tilespmem:s10+$0x40]  }
0x269: {  	v14 =	vadd.f32 v12, v14;
	v16 =	vadd.f32 v11, v9;
	v9 =	vld [tilespmem:s10+$0x50]  }
0x26a: {  	v12 =	vadd.f32 v18, v7;
	v11 =	vadd.f32 v19, v15;
	v7 =	vld [tilespmem:s10+$0x80]  }
0x26b: {  	v14 =	vadd.f32 v13, v14;
	v13 =	vadd.f32 v10, v16;
	v10 =	vld [tilespmem:s10+$0x90];
	s10 =	sadd.s32 $0x140, s10  }
0x26c: {  	v0 =	vbroadcast v0, $0x0;
	_ =	sdelay $0x1  }
0x26d: {  	(erf) = vrcp.f32 v0;
	_ =	sdelay $0x5  }
0x26e: {  	v59 =	vadd.f32 v5, v12;
	v3 =	vadd.f32 v3, v14  }
0x26f: {  	v60 =	vadd.f32 v8, v11;
	v4 =	vadd.f32 v4, v13  }
0x270: {  	v0 =	vadd.f32 v6, v59;
	v1 =	vadd.f32 v1, v3  }
0x271: {  	s9 =	sshll.u32 s7, $0x6;
	s7 =	sadd.s32 $0x1, s7;
	v61 =	vadd.f32 v9, v60;
	v2 =	vadd.f32 v2, v4;
	v62 =	vpop (erf)  }
0x272: {  	p0 =	sne.s32 s7, $0x10;
	v0 =	vadd.f32 v7, v0;
	v1 =	vmul.f32 v1, v62  }
.Ltmp15:
0x273: {  	s9 =	sand.u32 $0x3FFFFFC0, s9;
	v3 =	vadd.f32 v10, v61;
	v2 =	vmul.f32 v2, v62;
	(pc) =	sbr.rel @p0 .LBB2_30-.Ltmp15, $4  }
0x274: {  	v0 =	vmul.f32 v0, v62;
	[tilespmem:s9+$0x19680] =	vst v1  }
0x275: {  	v63 =	vmul.f32 v3, v62;
	[tilespmem:s9+$0x19690] =	vst v2  }
0x276: {  	[tilespmem:s9+$0x196A0] =	vst v0  }
0x277: {  	s8 =	sadd.s32 $0xC80, s8;
	[tilespmem:s9+$0x196B0] =	vst v63  }
0x278: {  	s6 =	sadd.s32 $0x1, s6  }
0x279: {  	p0 =	sne.s32 s6, s29  }
.Ltmp16:
0x27a: {  	_ = 	snop;
	(pc) =	sbr.rel @p0 .LBB2_1-.Ltmp16, $4  }
0x27b: {  	[hbm4b:s26+s16] =	stream.linear.scatter [tilespmem:s4], [sflag:$0x3], $0x400, $0x38;
	[tilespmem:$0x19A80] =	vst v63  }
0x27c: {  	_ =	swait.ge [sflag:s30], $0x400  }
0x27d: {  	[sflag:s30] =	ssyncset.done $0x0  }
0x27e: {  	[sflag:s30] =	ssyncadd.s32 $0xFFFFFC00  }
0x27f: {  	_ =	sfence.sel $0x180000  }
0x280: {  	[bflag:$0x0] =	sbarrier.arrive $0xFFFF  }
0x281: {  	_ =	strace $0x90000047  }
0x282: {  	s0 =	stileid.u32;
	[bflag:$0x2] =	sbarrier.arrive $0xFFFF  }
0x283: {  	p0 =	sne.s32 s0, $0x0;
	s0 =	rddreg [dreg:$0x3]  }
0x284: {  	s0 =	sadd.s32 @!p0 $0x100000, s0  }
0x285: {  	[sflag:s0] =	ssyncadd.tile.s32 @!p0 $0x1;
	_ =	shalt  }
.Lfunc_end2:
_tile_overlayer_lowered:
.L_overlay_start_2:
0x286: {  	(tag) =	ssettag $0x2  }
0x287: {  	s0 =	rddreg [dreg:$0x0];
	s2 =	stileid.u32  }
0x288: {  	s1 =	rddreg [dreg:$0x1];
	p0 =	sne.s32 s2, $0x0  }
0x289: {  	s3 =	rddreg [dreg:$0x2];
	[bflag:$0x3] =	sbarrier.arrive $0xFFFF;
	s2 =	simm.s32 @!p0 $0x1C03  }
0x28a: {  	[timem:s3], [sflag:s2] =	dma.local @!p0 [hbm:s0], s1  }
0x28b: {  	s0 =	simm.s32 @!p0 $0x3  }
0x28c: {  	_ =	swait.ge @!p0 [sflag:s0], s1  }
0x28d: {  	s1 =	ssub.s32 @!p0 $0x0, s1;
	[sflag:s0] =	ssyncset.done @!p0 $0x0  }
0x28e: {  	[sflag:s0] =	ssyncadd.s32 @!p0 s1  }
0x28f: {  	[bflag:$0x3] =	sbarrier.arrive $0xFFFF  }
0x290: {  	_ =	shalt  }

</sc_bundles>
